<compile_context>
chip_gen: v7x
topology: tpu7x:2x2x1
jax: 0.10.2.dev20260603
libtpu: 0.0.44.dev20260713+nightly
codegen_flags: <defaults>
</compile_context>

<pallas_src>
import functools

import jax
import jax.numpy as jnp
from jax import lax
from jax.experimental import pallas as pl
from jax.experimental.pallas import tpu as pltpu
from jax.experimental.pallas import tpu_sc as plsc

N = 10000
D = 128
C = 128
E = 320000
NC = 2
NS = 16
L = 16

MAX_LOGSTD = 10.0
SCALING = 1.8
SC_GAIN = 0.8

_MESH = dict(core_axis_name="c", subcore_axis_name="s")


_K2_CH = 2000
_K2_PER_TILE = E // (NC * NS)


def _k2_body(dst_hbm, ones_hbm, zeros_hbm, cnt0_hbm, cnt1_hbm,
             idx_v, ones_v, cnt_sh):
    cid = lax.axis_index("c")
    sid = lax.axis_index("s")

    @pl.when(sid == 0)
    def _():
        pltpu.sync_copy(zeros_hbm, cnt_sh)

    pltpu.sync_copy(ones_hbm, ones_v)
    plsc.subcore_barrier()

    base = (cid * NS + sid) * _K2_PER_TILE

    def chunk(ci, carry):
        off = base + ci * _K2_CH
        pltpu.sync_copy(dst_hbm.at[pl.ds(off, _K2_CH)], idx_v)
        pltpu.sync_copy(ones_v, cnt_sh.at[idx_v], add=True)
        return carry

    lax.fori_loop(0, _K2_PER_TILE // _K2_CH, chunk, 0)
    plsc.subcore_barrier()

    @pl.when(sid == 0)
    def _():
        @pl.when(cid == 0)
        def _():
            pltpu.sync_copy(cnt_sh, cnt0_hbm)

        @pl.when(cid == 1)
        def _():
            pltpu.sync_copy(cnt_sh, cnt1_hbm)


def _k2_call(dst, ones, zeros):
    f = pl.kernel(
        _k2_body,
        out_type=(jax.ShapeDtypeStruct((N,), jnp.float32),
                  jax.ShapeDtypeStruct((N,), jnp.float32)),
        mesh=plsc.VectorSubcoreMesh(**_MESH),
        scratch_types=[
            pltpu.VMEM((_K2_CH,), jnp.int32),
            pltpu.VMEM((_K2_CH,), jnp.float32),
            pltpu.VMEM_SHARED((N,), jnp.float32),
        ],
    )
    return f(dst, ones, zeros)


_K13_BN = 512
_K13_G = pl.cdiv(N, _K13_BN)
_DOTF32 = (((1,), (1,)), ((), ()))


def _k13_body(x_ref, w1_ref, w2_ref, wp_ref, b1_ref, b2_ref, c0_ref, c1_ref,
              fa_ref, fb_ref, dinv_ref):
    xb = x_ref[...]
    deg = c0_ref[...] + c1_ref[...] + 1.0
    dinv = 1.0 / jnp.sqrt(jnp.maximum(deg, 1e-12))
    a1 = lax.dot_general(xb, w1_ref[...], _DOTF32,
                         preferred_element_type=jnp.float32) + b1_ref[...]
    fa_ref[...] = lax.dot_general(a1, wp_ref[...], _DOTF32,
                                  preferred_element_type=jnp.float32) * dinv
    t2 = lax.dot_general(xb, w2_ref[...], _DOTF32,
                         preferred_element_type=jnp.float32) + b2_ref[...]
    nrm = jnp.sqrt(jnp.sum(t2 * t2, axis=1, keepdims=True))
    mm = t2 / jnp.maximum(nrm, 1e-12) * SCALING
    fb_ref[...] = lax.dot_general(mm, wp_ref[...], _DOTF32,
                                  preferred_element_type=jnp.float32) * dinv
    dinv_ref[...] = dinv


def _k13_call(x, W1, W2, Wp, b1, b2, cnt0, cnt1):
    row = pl.BlockSpec((_K13_BN, 128), lambda i: (i, 0))
    full = pl.BlockSpec((128, 128), lambda i: (0, 0))
    bias = pl.BlockSpec((1, 128), lambda i: (0, 0))
    cblk = pl.BlockSpec((_K13_BN, 1), lambda i: (i, 0))
    return pl.pallas_call(
        _k13_body,
        grid=(_K13_G,),
        in_specs=[row, full, full, full, bias, bias, cblk, cblk],
        out_specs=[row, row, pl.BlockSpec((_K13_BN, 1), lambda i: (i, 0))],
        out_shape=[jax.ShapeDtypeStruct((N, C), jnp.float32),
                   jax.ShapeDtypeStruct((N, C), jnp.float32),
                   jax.ShapeDtypeStruct((N, 1), jnp.float32)],
    )(x, W1, W2, Wp, b1.reshape(1, C), b2.reshape(1, C),
      cnt0.reshape(N, 1), cnt1.reshape(N, 1))


_K4_CH = 160
_K4_PER_TILE = E // NS
_K4_NCH = _K4_PER_TILE // _K4_CH
_ROW_A = 624
_ROW_LAST = N - _ROW_A * (NS - 1)


def _rowshard(sid, body):
    start = pl.multiple_of(sid * _ROW_A, 8)

    @pl.when(sid < NS - 1)
    def _():
        body(start, _ROW_A)

    @pl.when(sid == NS - 1)
    def _():
        body(_ROW_A * (NS - 1), _ROW_LAST)


def _k4_body(fa_hbm, fb_hbm, src_hbm, dst_hbm, aggA_hbm, aggB_hbm,
             idxS_a, idxD_a, idxS_b, idxD_b, rows_a, rows_b, agg_sh,
             semA, semB):
    cid = lax.axis_index("c")
    sid = lax.axis_index("s")

    def init_from(feat):
        _rowshard(sid, lambda s, n: pltpu.sync_copy(
            feat.at[pl.ds(s, n)], agg_sh.at[pl.ds(s, n)]))

    @pl.when(cid == 0)
    def _():
        init_from(fa_hbm)

    @pl.when(cid == 1)
    def _():
        init_from(fb_hbm)

    plsc.subcore_barrier()

    def sweep(feat):
        base = sid * _K4_PER_TILE

        def start(ci, iS, iD, sem, rows):
            off = base + ci * _K4_CH
            pltpu.sync_copy(src_hbm.at[pl.ds(off, _K4_CH)], iS)
            pltpu.sync_copy(dst_hbm.at[pl.ds(off, _K4_CH)], iD)
            pltpu.async_copy(feat.at[iS], rows, sem)

        def drain_scatter(iS, iD, sem, rows):
            pltpu.make_async_copy(feat.at[iS], rows, sem).wait()
            pltpu.sync_copy(rows, agg_sh.at[iD], add=True)

        start(0, idxS_a, idxD_a, semA, rows_a)

        def pair(i, carry):
            start(2 * i + 1, idxS_b, idxD_b, semB, rows_b)
            drain_scatter(idxS_a, idxD_a, semA, rows_a)

            @pl.when(2 * i + 2 < _K4_NCH)
            def _():
                start(2 * i + 2, idxS_a, idxD_a, semA, rows_a)

            drain_scatter(idxS_b, idxD_b, semB, rows_b)
            return carry

        lax.fori_loop(0, _K4_NCH // 2, pair, 0)
        if _K4_NCH % 2 == 1:
            drain_scatter(idxS_a, idxD_a, semA, rows_a)

    @pl.when(cid == 0)
    def _():
        sweep(fa_hbm)

    @pl.when(cid == 1)
    def _():
        sweep(fb_hbm)

    plsc.subcore_barrier()

    @pl.when(cid == 0)
    def _():
        _rowshard(sid, lambda s, n: pltpu.sync_copy(
            agg_sh.at[pl.ds(s, n)], aggA_hbm.at[pl.ds(s, n)]))

    @pl.when(cid == 1)
    def _():
        _rowshard(sid, lambda s, n: pltpu.sync_copy(
            agg_sh.at[pl.ds(s, n)], aggB_hbm.at[pl.ds(s, n)]))


def _k4_call(fa, fb, src, dst):
    f = pl.kernel(
        _k4_body,
        out_type=(jax.ShapeDtypeStruct((N, C), jnp.float32),
                  jax.ShapeDtypeStruct((N, C), jnp.float32)),
        mesh=plsc.VectorSubcoreMesh(**_MESH),
        scratch_types=[
            pltpu.VMEM((_K4_CH,), jnp.int32),
            pltpu.VMEM((_K4_CH,), jnp.int32),
            pltpu.VMEM((_K4_CH,), jnp.int32),
            pltpu.VMEM((_K4_CH,), jnp.int32),
            pltpu.VMEM((_K4_CH, C), jnp.float32),
            pltpu.VMEM((_K4_CH, C), jnp.float32),
            pltpu.VMEM_SHARED((N, C), jnp.float32),
            pltpu.SemaphoreType.DMA,
            pltpu.SemaphoreType.DMA,
        ],
    )
    return f(fa, fb, src, dst)


_K6_BN = 200
_K6_G = (N // 2) // _K6_BN
_K6_EB = (E // 2) // _K6_G


def _k6_body(x2_ref, w_ref, e20_ref, u_ref, z2_ref, g_ref):
    t = lax.dot_general(x2_ref[...], w_ref[...], _DOTF32,
                        preferred_element_type=jnp.float32)
    t0, t1, ls = t[:, 0:1], t[:, 1:2], t[:, 2:3]
    n2 = jnp.sqrt(t0 * t0 + t1 * t1)
    mu20 = t0 / jnp.maximum(n2, 1e-12) * SC_GAIN
    z2_ref[...] = mu20 + e20_ref[...] * jnp.exp(jnp.minimum(ls, MAX_LOGSTD))
    g_ref[...] = -jnp.log(-jnp.log(u_ref[...]))


def _k6_call(x2, w34, e20, uT, half):
    rb = half * _K6_G
    return pl.pallas_call(
        _k6_body,
        grid=(_K6_G,),
        in_specs=[pl.BlockSpec((_K6_BN, N), lambda i: (rb + i, 0)),
                  pl.BlockSpec((4, N), lambda i: (0, 0)),
                  pl.BlockSpec((_K6_BN, 1), lambda i: (rb + i, 0)),
                  pl.BlockSpec((2, _K6_EB), lambda i: (0, rb + i))],
        out_specs=[pl.BlockSpec((_K6_BN, 1), lambda i: (i, 0)),
                   pl.BlockSpec((2, _K6_EB), lambda i: (0, i))],
        out_shape=[jax.ShapeDtypeStruct((N // 2, 1), jnp.float32),
                   jax.ShapeDtypeStruct((2, E // 2), jnp.float32)],
    )(x2, w34, e20, uT)


def _k5_body(aggA_ref, aggB_ref, dinv_ref, bp_ref, eps_ref, z1_ref):
    dinv = dinv_ref[...]
    logstd1 = jnp.minimum(dinv * aggA_ref[...] + bp_ref[...], MAX_LOGSTD)
    mu1 = dinv * aggB_ref[...] + bp_ref[...]
    z1_ref[...] = mu1 + eps_ref[...] * jnp.exp(logstd1)


def _k5_call(aggA, aggB, dinv, bp, eps1):
    row = pl.BlockSpec((_K13_BN, 128), lambda i: (i, 0))
    return pl.pallas_call(
        _k5_body,
        grid=(_K13_G,),
        in_specs=[row, row, pl.BlockSpec((_K13_BN, 1), lambda i: (i, 0)),
                  pl.BlockSpec((1, 128), lambda i: (0, 0)), row],
        out_specs=row,
        out_shape=jax.ShapeDtypeStruct((N, C), jnp.float32),
    )(aggA, aggB, dinv, bp.reshape(1, C), eps1)


_K7_CH = 200
_K7_PAD = _K7_CH + L
_K7_PER_TILE = E // (NC * NS)
_K7_NCH = _K7_PER_TILE // _K7_CH
_K7_GROUPS = (_K7_CH + L - 1) // L
_K7_SB = _K7_CH * L + L


def _k7_body(z1_hbm, src_hbm, dst_hbm, vf_hbm,
             iSa, iDa, iSb, iDb,
             rSa, rDa, rSb, rDb, sbuf, outv,
             sSa, sDa, sSb, sDb):
    cid = lax.axis_index("c")
    sid = lax.axis_index("s")
    wid = sid * NC + cid
    base = wid * _K7_PER_TILE

    lanes = lax.iota(jnp.int32, L)
    bufA = (iSa, iDa, rSa, rDa, sSa, sDa)
    bufB = (iSb, iDb, rSb, rDb, sSb, sDb)

    def start(ci, buf):
        iS, iD, rS, rD, semS, semD = buf
        off = base + ci * _K7_CH
        pltpu.sync_copy(src_hbm.at[pl.ds(off, _K7_CH)], iS)
        pltpu.sync_copy(dst_hbm.at[pl.ds(off, _K7_CH)], iD)
        pltpu.async_copy(z1_hbm.at[iS], rS, semS)
        pltpu.async_copy(z1_hbm.at[iD], rD, semD)

    def compute(ci, buf):
        iS, iD, rS, rD, semS, semD = buf
        off = base + ci * _K7_CH
        pltpu.make_async_copy(z1_hbm.at[iS], rS, semS).wait()
        pltpu.make_async_copy(z1_hbm.at[iD], rD, semD).wait()

        @plsc.parallel_loop(0, _K7_CH, unroll=2)
        def _(e):
            accs = [rS[e, pl.ds(c * L, L)] * rD[e, pl.ds(c * L, L)]
                    for c in range(4)]
            for c in range(4, C // L):
                accs[c % 4] = accs[c % 4] + \
                    rS[e, pl.ds(c * L, L)] * rD[e, pl.ds(c * L, L)]
            s = (accs[0] + accs[1]) + (accs[2] + accs[3])
            plsc.store_scatter(sbuf, [lanes * _K7_CH + e], s)

        def group(gi, gcarry):
            sl = pl.ds(gi * L, L)
            vs = [sbuf[pl.ds(l * _K7_CH + gi * L, L)] for l in range(L)]
            t = [vs[2 * i] + vs[2 * i + 1] for i in range(8)]
            t = [t[2 * i] + t[2 * i + 1] for i in range(4)]
            outv[sl] = (t[0] + t[1]) + (t[2] + t[3])
            return gcarry

        lax.fori_loop(0, _K7_GROUPS, group, 0)
        pltpu.sync_copy(outv.at[pl.ds(0, _K7_CH)], vf_hbm.at[pl.ds(off, _K7_CH)])

    start(0, bufA)

    def pair(i, carry):
        start(2 * i + 1, bufB)
        compute(2 * i, bufA)

        @pl.when(2 * i + 2 < _K7_NCH)
        def _():
            start(2 * i + 2, bufA)

        compute(2 * i + 1, bufB)
        return carry

    lax.fori_loop(0, _K7_NCH // 2, pair, 0)


def _k7_call(z1, src, dst):
    f = pl.kernel(
        _k7_body,
        out_type=jax.ShapeDtypeStruct((E,), jnp.float32),
        mesh=plsc.VectorSubcoreMesh(**_MESH),
        compiler_params=pltpu.CompilerParams(needs_layout_passes=False),
        scratch_types=[
            pltpu.VMEM((_K7_CH,), jnp.int32),
            pltpu.VMEM((_K7_CH,), jnp.int32),
            pltpu.VMEM((_K7_CH,), jnp.int32),
            pltpu.VMEM((_K7_CH,), jnp.int32),
            pltpu.VMEM((_K7_CH, C), jnp.float32),
            pltpu.VMEM((_K7_CH, C), jnp.float32),
            pltpu.VMEM((_K7_CH, C), jnp.float32),
            pltpu.VMEM((_K7_CH, C), jnp.float32),
            pltpu.VMEM((_K7_SB,), jnp.float32),
            pltpu.VMEM((_K7_PAD,), jnp.float32),
            pltpu.SemaphoreType.DMA,
            pltpu.SemaphoreType.DMA,
            pltpu.SemaphoreType.DMA,
            pltpu.SemaphoreType.DMA,
        ],
    )
    return f(z1, src, dst)


_K7B_CH = _K7_PER_TILE


def _k7b_body(z2_hbm, src_hbm, dst_hbm, g0_hbm, g1_hbm, vf_hbm, out_hbm,
              iS, iD, g0v, g1v, vfv, outv, z2loc):
    cid = lax.axis_index("c")
    sid = lax.axis_index("s")
    wid = sid * NC + cid
    off = wid * _K7B_CH

    pltpu.sync_copy(z2_hbm, z2loc)
    pltpu.sync_copy(src_hbm.at[pl.ds(off, _K7B_CH)], iS)
    pltpu.sync_copy(dst_hbm.at[pl.ds(off, _K7B_CH)], iD)
    pltpu.sync_copy(g0_hbm.at[pl.ds(off, _K7B_CH)], g0v)
    pltpu.sync_copy(g1_hbm.at[pl.ds(off, _K7B_CH)], g1v)
    pltpu.sync_copy(vf_hbm.at[pl.ds(off, _K7B_CH)], vfv)

    def group(gi, carry):
        sl = pl.ds(gi * L, L)
        vf = vfv[sl]
        keep = (vf + g0v[sl]) >= g1v[sl]
        sig_f = 1.0 / (1.0 + jnp.exp(-vf))
        vn = plsc.load_gather(z2loc, [iS[sl]]) + \
             plsc.load_gather(z2loc, [iD[sl]])
        sig_n = 1.0 / (1.0 + jnp.exp(-vn))
        outv[sl] = jnp.where(keep, sig_f, sig_n)
        return carry

    lax.fori_loop(0, _K7B_CH // L, group, 0)
    pltpu.sync_copy(outv, out_hbm.at[pl.ds(off, _K7B_CH)])


def _k7b_call(z2v, src, dst, g0, g1, vf):
    f = pl.kernel(
        _k7b_body,
        out_type=jax.ShapeDtypeStruct((E,), jnp.float32),
        mesh=plsc.VectorSubcoreMesh(**_MESH),
        compiler_params=pltpu.CompilerParams(needs_layout_passes=False),
        scratch_types=[
            pltpu.VMEM((_K7B_CH,), jnp.int32),
            pltpu.VMEM((_K7B_CH,), jnp.int32),
            pltpu.VMEM((_K7B_CH,), jnp.float32),
            pltpu.VMEM((_K7B_CH,), jnp.float32),
            pltpu.VMEM((_K7B_CH,), jnp.float32),
            pltpu.VMEM((_K7B_CH,), jnp.float32),
            pltpu.VMEM((N,), jnp.float32),
        ],
    )
    return f(z2v, src, dst, g0, g1, vf)


def kernel(x, edge_index, x2, temp, W1, b1, W2, b2, Wp, bp, W3, W4):
    key = jax.random.key(42)
    k1, k2, k3 = jax.random.split(key, 3)

    src = edge_index[0]
    dst = edge_index[1]

    ones = jnp.ones((_K2_CH,), jnp.float32)
    zeros = jnp.zeros((N,), jnp.float32)
    cnt0, cnt1 = _k2_call(dst, ones, zeros)

    fa, fb, dinv = _k13_call(x, W1, W2, Wp, b1, b2, cnt0, cnt1)
    aggA, aggB = _k4_call(fa, fb, src, dst)

    eps2 = jax.random.normal(k2, (N, 2), dtype=jnp.float32)
    u = jax.random.uniform(k3, (E, 2), minval=1e-10, maxval=1.0)
    w34 = jnp.concatenate([W4, W3], axis=0)
    e20 = eps2[:, 0:1]
    uT = u.T
    z2a, gTa = _k6_call(x2, w34, e20, uT, 0)
    eps1 = jax.random.normal(k1, (N, C), dtype=jnp.float32)

    aggA, aggB, z2a, gTa = lax.optimization_barrier((aggA, aggB, z2a, gTa))
    z1 = _k5_call(aggA, aggB, dinv, bp, eps1)

    vf = _k7_call(z1, src, dst)
    z2b, gTb = _k6_call(x2, w34, e20, uT, 1)

    z2c = jnp.concatenate([z2a, z2b], axis=0)
    g0 = jnp.concatenate([gTa[0], gTb[0]], axis=0)
    g1 = jnp.concatenate([gTa[1], gTb[1]], axis=0)
    res = _k7b_call(z2c.reshape(N), src, dst, g0, g1, vf)
    return res

# --- scband reference (transcript-rebuilt; emitter-appended) ---
"""Pipeline reference for scband-dvgae-26414048870608 (READ-ONLY COPY).

The authoritative reference and input builder live on the scoring server;
editing this copy changes nothing except your own understanding.
"""

import jax, jax.numpy as jnp
import numpy as np

N = 10000
D = 128
C = 128
E = 320000
SC = 0.8
SCALING = 1.8
MAX_LOGSTD = 10.0
EPS_NORM = 1e-12


def setup_inputs(seed: int = 0) -> dict:
    key = jax.random.key(seed)
    ks = jax.random.split(key, 12)
    x = jax.random.normal(ks[0], (N, D), dtype=jnp.float32)
    edge_index = jax.random.randint(ks[1], (2, E), 0, N, dtype=jnp.int32)
    x2 = jax.random.uniform(ks[2], (N, N), dtype=jnp.float32)
    W1 = jax.random.normal(ks[3], (C, D), dtype=jnp.float32) * 0.05
    b1 = jnp.zeros((C,), dtype=jnp.float32)
    W2 = jax.random.normal(ks[4], (C, D), dtype=jnp.float32) * 0.05
    b2 = jnp.zeros((C,), dtype=jnp.float32)
    Wp = jax.random.normal(ks[5], (C, C), dtype=jnp.float32) * 0.05
    bp = jnp.zeros((C,), dtype=jnp.float32)
    W3 = jax.random.normal(ks[6], (2, N), dtype=jnp.float32) * 0.01
    W4 = jax.random.normal(ks[7], (2, N), dtype=jnp.float32) * 0.01
    return {"x": x, "edge_index": edge_index, "x2": x2, "temp": 1,
            "W1": W1, "b1": b1, "W2": W2, "b2": b2, "Wp": Wp, "bp": bp,
            "W3": W3, "W4": W4}


def _l2norm(x):
    n = jnp.sqrt(jnp.sum(x * x, axis=1, keepdims=True))
    return x / jnp.maximum(n, EPS_NORM)


def _gcn(x, edge_index, W, b):
    # PyG GCNConv: linear transform, add self loops, symmetric normalization, scatter-add
    xw = x @ W.T
    loop = jnp.arange(N, dtype=edge_index.dtype)
    src = jnp.concatenate([edge_index[0], loop])
    dst = jnp.concatenate([edge_index[1], loop])
    deg = jax.ops.segment_sum(jnp.ones(src.shape[0], dtype=xw.dtype), dst, num_segments=N)
    dinv = 1.0 / jnp.sqrt(jnp.maximum(deg, 1e-12))
    norm = dinv[src] * dinv[dst]
    out = jax.ops.segment_sum(norm[:, None] * jnp.take(xw, src, axis=0), dst, num_segments=N)
    return out + b


def reference(x, edge_index, x2, temp, W1, b1, W2, b2, Wp, bp, W3, W4):
    key = jax.random.key(42)
    k1, k2, k3 = jax.random.split(key, 3)
    # --- Encoder (encoder1) -> (mu1, logstd1) ---
    h = x @ W1.T + b1
    logstd1 = _gcn(h, edge_index, Wp, bp)
    m = x @ W2.T + b2
    m = _l2norm(m) * SCALING
    mu1 = _gcn(m, edge_index, Wp, bp)
    logstd1 = jnp.minimum(logstd1, MAX_LOGSTD)
    z1 = mu1 + jax.random.normal(k1, mu1.shape, dtype=mu1.dtype) * jnp.exp(logstd1)
    # --- Encoder2 -> (mu2, logstd2) ---
    logstd2 = x2 @ W3.T
    mu2 = _l2norm(x2 @ W4.T) * SC
    logstd2 = jnp.minimum(logstd2, MAX_LOGSTD)
    z2 = mu2 + jax.random.normal(k2, mu2.shape, dtype=mu2.dtype) * jnp.exp(logstd2)
    # --- InnerProductDecoder2 (training=True) ---
    src, dst = edge_index[0], edge_index[1]
    z11 = jax.lax.stop_gradient(z1)
    vf = jnp.sum(jnp.take(z11, src, axis=0) * jnp.take(z11, dst, axis=0), axis=1)
    la = jnp.stack([vf, jnp.zeros_like(vf)], axis=1)
    tau = jnp.asarray(temp, jnp.float32)
    u = jax.random.uniform(k3, la.shape, minval=1e-10, maxval=1.0)
    g = -jnp.log(-jnp.log(u))
    soft = jax.nn.softmax((la + g) / tau, axis=1)
    hard = jax.nn.one_hot(jnp.argmax(soft, axis=1), 2, dtype=soft.dtype)
    a = jax.lax.stop_gradient((hard + soft - jax.lax.stop_gradient(soft))[:, 0])
    value_feature = jnp.sum(jnp.take(z1, src, axis=0) * jnp.take(z1, dst, axis=0), axis=1)
    value_network = z2[src, 0] + z2[dst, 0]
    return a * jax.nn.sigmoid(value_feature) + (1.0 - a) * jax.nn.sigmoid(value_network)

if __name__ == "__main__":
    import jax
    _d = setup_inputs()
    print(jax.jit(kernel)(*tuple(_d.values())))

</pallas_src>

<mosaic_0001>
#map = affine_map<(d0, d1) -> (0)>
module attributes {stable_mosaic.version = 14 : i64} {
  func.func @_k2_body(%arg0: i32, %arg1: i32, %arg2: memref<320000xi32, #tpu.memory_space<hbm>>, %arg3: memref<2000xf32, #tpu.memory_space<hbm>>, %arg4: memref<10000xf32, #tpu.memory_space<hbm>>, %arg5: memref<10000xf32, #tpu.memory_space<hbm>>, %arg6: memref<10000xf32, #tpu.memory_space<hbm>>, %arg7: memref<2000xi32, #tpu.memory_space<vmem>>, %arg8: memref<2000xf32, #tpu.memory_space<vmem>>, %arg9: memref<10000xf32, #tpu.memory_space<vmem_shared>>) attributes {dimension_semantics = [#tpu.dimension_semantics<core_parallel>, #tpu.dimension_semantics<subcore_parallel>], iteration_bounds = array<i64: 2, 16>, scalar_prefetch = 0 : i64, scratch_operands = 3 : i64, tpu.core_type = #tpu.core_type<sc_vector_subcore>, window_params = [{transform_indices = #map}, {transform_indices = #map}, {transform_indices = #map}, {transform_indices = #map}, {transform_indices = #map}]} {
    %eq3A = arith.constant 0 : i32
    %eq3A_0 = arith.cmpi eq, %arg1, %eq3A : i32
    %convert_element_type3A = arith.extui %eq3A_0 : i1 to i32
    %cond3A = arith.constant 0 : i32
    %cond3A_1 = arith.cmpi ne, %convert_element_type3A, %cond3A : i32
    scf.if %cond3A_1 {
      "tpu.region"() ({
        %run_scoped3A = tpu.sem_alloc : memref<!tpu.dma_semaphore, #tpu.memory_space<semaphore_mem>>
        tpu.enqueue_dma source(%arg4 : memref<10000xf32, #tpu.memory_space<hbm>>) target(%arg9 : memref<10000xf32, #tpu.memory_space<vmem_shared>>) target_semaphore(%run_scoped3A : memref<!tpu.dma_semaphore, #tpu.memory_space<semaphore_mem>>)
        tpu.wait_dma2 semaphore(%run_scoped3A : memref<!tpu.dma_semaphore, #tpu.memory_space<semaphore_mem>>) src(%arg4 : memref<10000xf32, #tpu.memory_space<hbm>>) dst(%arg9 : memref<10000xf32, #tpu.memory_space<vmem_shared>>)
        tpu.yield
      }) : () -> ()
    } else {
    }
    "tpu.region"() ({
      %run_scoped3A = tpu.sem_alloc : memref<!tpu.dma_semaphore, #tpu.memory_space<semaphore_mem>>
      tpu.enqueue_dma source(%arg3 : memref<2000xf32, #tpu.memory_space<hbm>>) target(%arg8 : memref<2000xf32, #tpu.memory_space<vmem>>) target_semaphore(%run_scoped3A : memref<!tpu.dma_semaphore, #tpu.memory_space<semaphore_mem>>)
      tpu.wait_dma2 semaphore(%run_scoped3A : memref<!tpu.dma_semaphore, #tpu.memory_space<semaphore_mem>>) src(%arg3 : memref<2000xf32, #tpu.memory_space<hbm>>) dst(%arg8 : memref<2000xf32, #tpu.memory_space<vmem>>)
      tpu.yield
    }) : () -> ()
    %barrier3A = arith.constant 0 : index
    tpu.barrier barrier_id(%barrier3A)
    %mul3A = arith.constant 16 : i32
    %mul3A_2 = arith.muli %arg0, %mul3A : i32
    %add3A = arith.addi %mul3A_2, %arg1 : i32
    %mul3A_3 = arith.constant 10000 : i32
    %mul3A_4 = arith.muli %add3A, %mul3A_3 : i32
    %scan3A = arith.constant 0 : i32
    %scan3A_5 = arith.constant 0 : i32
    %scan3A_6 = arith.constant 5 : i32
    %scan3A_7 = arith.addi %scan3A_5, %scan3A_6 : i32
    %scan3A_8 = arith.constant 1 : i32
    scf.for %scan3A_16 = %scan3A_5 to %scan3A_7 step %scan3A_8  : i32 {
      %mul3A_17 = arith.constant 2000 : i32
      %mul3A_18 = arith.muli %scan3A_16, %mul3A_17 : i32
      %add3A_19 = arith.addi %mul3A_4, %mul3A_18 : i32
      "tpu.region"() ({
        %run_scoped3A = tpu.sem_alloc : memref<!tpu.dma_semaphore, #tpu.memory_space<semaphore_mem>>
        %dma_start3A = tpu.memref_slice %arg2[%add3A_19] : memref<320000xi32, #tpu.memory_space<hbm>> -> memref<2000xi32, #tpu.memory_space<hbm>>
        %dma_start3A_20 = tpu.memref_slice %arg2[%add3A_19] : memref<320000xi32, #tpu.memory_space<hbm>> -> memref<2000xi32, #tpu.memory_space<hbm>>
        tpu.enqueue_dma source(%dma_start3A_20 : memref<2000xi32, #tpu.memory_space<hbm>>) target(%arg7 : memref<2000xi32, #tpu.memory_space<vmem>>) target_semaphore(%run_scoped3A : memref<!tpu.dma_semaphore, #tpu.memory_space<semaphore_mem>>)
        %dma_wait3A = tpu.memref_slice %arg2[%add3A_19] : memref<320000xi32, #tpu.memory_space<hbm>> -> memref<2000xi32, #tpu.memory_space<hbm>>
        %dma_wait3A_21 = tpu.memref_slice %arg2[%add3A_19] : memref<320000xi32, #tpu.memory_space<hbm>> -> memref<2000xi32, #tpu.memory_space<hbm>>
        tpu.wait_dma2 semaphore(%run_scoped3A : memref<!tpu.dma_semaphore, #tpu.memory_space<semaphore_mem>>) src(%dma_wait3A_21 : memref<2000xi32, #tpu.memory_space<hbm>>) dst(%arg7 : memref<2000xi32, #tpu.memory_space<vmem>>)
        tpu.yield
      }) : () -> ()
      "tpu.region"() ({
        %run_scoped3A = tpu.sem_alloc : memref<!tpu.dma_semaphore, #tpu.memory_space<semaphore_mem>>
        %dma_start3A = arith.constant 0 : i32
        %dma_start3A_20 = tpu.memref_slice %arg9[%dma_start3A] : memref<10000xf32, #tpu.memory_space<vmem_shared>> -> memref<10000xf32, #tpu.memory_space<vmem_shared>>
        tpu.enqueue_indirect_dma source(%arg8 : memref<2000xf32, #tpu.memory_space<vmem>>) target(%dma_start3A_20 : memref<10000xf32, #tpu.memory_space<vmem_shared>>) offsets(%arg7 : memref<2000xi32, #tpu.memory_space<vmem>>) semaphore(%run_scoped3A : memref<!tpu.dma_semaphore, #tpu.memory_space<semaphore_mem>>) {add = true}
        %dma_wait3A = arith.constant 0 : i32
        %dma_wait3A_21 = tpu.memref_slice %arg9[%dma_wait3A] : memref<10000xf32, #tpu.memory_space<vmem_shared>> -> memref<10000xf32, #tpu.memory_space<vmem_shared>>
        tpu.wait_indirect_dma semaphore(%run_scoped3A : memref<!tpu.dma_semaphore, #tpu.memory_space<semaphore_mem>>) src(%arg8 : memref<2000xf32, #tpu.memory_space<vmem>>) dst(%dma_wait3A_21 : memref<10000xf32, #tpu.memory_space<vmem_shared>>)
        tpu.yield
      }) : () -> ()
    }
    %scan3A_9 = arith.constant 5 : i32
    %barrier3A_10 = arith.constant 0 : index
    tpu.barrier barrier_id(%barrier3A_10)
    %eq3A_11 = arith.constant 0 : i32
    %eq3A_12 = arith.cmpi eq, %arg1, %eq3A_11 : i32
    %convert_element_type3A_13 = arith.extui %eq3A_12 : i1 to i32
    %cond3A_14 = arith.constant 0 : i32
    %cond3A_15 = arith.cmpi ne, %convert_element_type3A_13, %cond3A_14 : i32
    scf.if %cond3A_15 {
      %eq3A_16 = arith.constant 0 : i32
      %eq3A_17 = arith.cmpi eq, %arg0, %eq3A_16 : i32
      %convert_element_type3A_18 = arith.extui %eq3A_17 : i1 to i32
      %cond3A_19 = arith.constant 0 : i32
      %cond3A_20 = arith.cmpi ne, %convert_element_type3A_18, %cond3A_19 : i32
      scf.if %cond3A_20 {
        "tpu.region"() ({
          %run_scoped3A = tpu.sem_alloc : memref<!tpu.dma_semaphore, #tpu.memory_space<semaphore_mem>>
          tpu.enqueue_dma source(%arg9 : memref<10000xf32, #tpu.memory_space<vmem_shared>>) target(%arg5 : memref<10000xf32, #tpu.memory_space<hbm>>) target_semaphore(%run_scoped3A : memref<!tpu.dma_semaphore, #tpu.memory_space<semaphore_mem>>)
          tpu.wait_dma2 semaphore(%run_scoped3A : memref<!tpu.dma_semaphore, #tpu.memory_space<semaphore_mem>>) src(%arg9 : memref<10000xf32, #tpu.memory_space<vmem_shared>>) dst(%arg5 : memref<10000xf32, #tpu.memory_space<hbm>>)
          tpu.yield
        }) : () -> ()
      } else {
      }
      %eq3A_21 = arith.constant 1 : i32
      %eq3A_22 = arith.cmpi eq, %arg0, %eq3A_21 : i32
      %convert_element_type3A_23 = arith.extui %eq3A_22 : i1 to i32
      %cond3A_24 = arith.constant 0 : i32
      %cond3A_25 = arith.cmpi ne, %convert_element_type3A_23, %cond3A_24 : i32
      scf.if %cond3A_25 {
        "tpu.region"() ({
          %run_scoped3A = tpu.sem_alloc : memref<!tpu.dma_semaphore, #tpu.memory_space<semaphore_mem>>
          tpu.enqueue_dma source(%arg9 : memref<10000xf32, #tpu.memory_space<vmem_shared>>) target(%arg6 : memref<10000xf32, #tpu.memory_space<hbm>>) target_semaphore(%run_scoped3A : memref<!tpu.dma_semaphore, #tpu.memory_space<semaphore_mem>>)
          tpu.wait_dma2 semaphore(%run_scoped3A : memref<!tpu.dma_semaphore, #tpu.memory_space<semaphore_mem>>) src(%arg9 : memref<10000xf32, #tpu.memory_space<vmem_shared>>) dst(%arg6 : memref<10000xf32, #tpu.memory_space<hbm>>)
          tpu.yield
        }) : () -> ()
      } else {
      }
    } else {
    }
    return
  }
}

#map = affine_map<(d0, d1) -> (0)>
module attributes {stable_mosaic.version = 14 : i64} {
  func.func @_k7b_body(%arg0: i32, %arg1: i32, %arg2: memref<10000xf32, #tpu.memory_space<hbm>>, %arg3: memref<320000xi32, #tpu.memory_space<hbm>>, %arg4: memref<320000xi32, #tpu.memory_space<hbm>>, %arg5: memref<320000xf32, #tpu.memory_space<hbm>>, %arg6: memref<320000xf32, #tpu.memory_space<hbm>>, %arg7: memref<320000xf32, #tpu.memory_space<hbm>>, %arg8: memref<320000xf32, #tpu.memory_space<hbm>>, %arg9: memref<10000xi32, #tpu.memory_space<vmem>>, %arg10: memref<10000xi32, #tpu.memory_space<vmem>>, %arg11: memref<10000xf32, #tpu.memory_space<vmem>>, %arg12: memref<10000xf32, #tpu.memory_space<vmem>>, %arg13: memref<10000xf32, #tpu.memory_space<vmem>>, %arg14: memref<10000xf32, #tpu.memory_space<vmem>>, %arg15: memref<10000xf32, #tpu.memory_space<vmem>>) attributes {dimension_semantics = [#tpu.dimension_semantics<core_parallel>, #tpu.dimension_semantics<subcore_parallel>], iteration_bounds = array<i64: 2, 16>, scalar_prefetch = 0 : i64, scratch_operands = 7 : i64, tpu.core_type = #tpu.core_type<sc_vector_subcore>, window_params = [{transform_indices = #map}, {transform_indices = #map}, {transform_indices = #map}, {transform_indices = #map}, {transform_indices = #map}, {transform_indices = #map}, {transform_indices = #map}]} {
    %mul3A = arith.constant 2 : i32
    %mul3A_0 = arith.muli %arg1, %mul3A : i32
    %add3A = arith.addi %mul3A_0, %arg0 : i32
    %mul3A_1 = arith.constant 10000 : i32
    %mul3A_2 = arith.muli %add3A, %mul3A_1 : i32
    "tpu.region"() ({
      %run_scoped3A = tpu.sem_alloc : memref<!tpu.dma_semaphore, #tpu.memory_space<semaphore_mem>>
      tpu.enqueue_dma source(%arg2 : memref<10000xf32, #tpu.memory_space<hbm>>) target(%arg15 : memref<10000xf32, #tpu.memory_space<vmem>>) target_semaphore(%run_scoped3A : memref<!tpu.dma_semaphore, #tpu.memory_space<semaphore_mem>>)
      tpu.wait_dma2 semaphore(%run_scoped3A : memref<!tpu.dma_semaphore, #tpu.memory_space<semaphore_mem>>) src(%arg2 : memref<10000xf32, #tpu.memory_space<hbm>>) dst(%arg15 : memref<10000xf32, #tpu.memory_space<vmem>>)
      tpu.yield
    }) : () -> ()
    "tpu.region"() ({
      %run_scoped3A = tpu.sem_alloc : memref<!tpu.dma_semaphore, #tpu.memory_space<semaphore_mem>>
      %dma_start3A = tpu.memref_slice %arg3[%mul3A_2] : memref<320000xi32, #tpu.memory_space<hbm>> -> memref<10000xi32, #tpu.memory_space<hbm>>
      %dma_start3A_8 = tpu.memref_slice %arg3[%mul3A_2] : memref<320000xi32, #tpu.memory_space<hbm>> -> memref<10000xi32, #tpu.memory_space<hbm>>
      tpu.enqueue_dma source(%dma_start3A_8 : memref<10000xi32, #tpu.memory_space<hbm>>) target(%arg9 : memref<10000xi32, #tpu.memory_space<vmem>>) target_semaphore(%run_scoped3A : memref<!tpu.dma_semaphore, #tpu.memory_space<semaphore_mem>>)
      %dma_wait3A = tpu.memref_slice %arg3[%mul3A_2] : memref<320000xi32, #tpu.memory_space<hbm>> -> memref<10000xi32, #tpu.memory_space<hbm>>
      %dma_wait3A_9 = tpu.memref_slice %arg3[%mul3A_2] : memref<320000xi32, #tpu.memory_space<hbm>> -> memref<10000xi32, #tpu.memory_space<hbm>>
      tpu.wait_dma2 semaphore(%run_scoped3A : memref<!tpu.dma_semaphore, #tpu.memory_space<semaphore_mem>>) src(%dma_wait3A_9 : memref<10000xi32, #tpu.memory_space<hbm>>) dst(%arg9 : memref<10000xi32, #tpu.memory_space<vmem>>)
      tpu.yield
    }) : () -> ()
    "tpu.region"() ({
      %run_scoped3A = tpu.sem_alloc : memref<!tpu.dma_semaphore, #tpu.memory_space<semaphore_mem>>
      %dma_start3A = tpu.memref_slice %arg4[%mul3A_2] : memref<320000xi32, #tpu.memory_space<hbm>> -> memref<10000xi32, #tpu.memory_space<hbm>>
      %dma_start3A_8 = tpu.memref_slice %arg4[%mul3A_2] : memref<320000xi32, #tpu.memory_space<hbm>> -> memref<10000xi32, #tpu.memory_space<hbm>>
      tpu.enqueue_dma source(%dma_start3A_8 : memref<10000xi32, #tpu.memory_space<hbm>>) target(%arg10 : memref<10000xi32, #tpu.memory_space<vmem>>) target_semaphore(%run_scoped3A : memref<!tpu.dma_semaphore, #tpu.memory_space<semaphore_mem>>)
      %dma_wait3A = tpu.memref_slice %arg4[%mul3A_2] : memref<320000xi32, #tpu.memory_space<hbm>> -> memref<10000xi32, #tpu.memory_space<hbm>>
      %dma_wait3A_9 = tpu.memref_slice %arg4[%mul3A_2] : memref<320000xi32, #tpu.memory_space<hbm>> -> memref<10000xi32, #tpu.memory_space<hbm>>
      tpu.wait_dma2 semaphore(%run_scoped3A : memref<!tpu.dma_semaphore, #tpu.memory_space<semaphore_mem>>) src(%dma_wait3A_9 : memref<10000xi32, #tpu.memory_space<hbm>>) dst(%arg10 : memref<10000xi32, #tpu.memory_space<vmem>>)
      tpu.yield
    }) : () -> ()
    "tpu.region"() ({
      %run_scoped3A = tpu.sem_alloc : memref<!tpu.dma_semaphore, #tpu.memory_space<semaphore_mem>>
      %dma_start3A = tpu.memref_slice %arg5[%mul3A_2] : memref<320000xf32, #tpu.memory_space<hbm>> -> memref<10000xf32, #tpu.memory_space<hbm>>
      %dma_start3A_8 = tpu.memref_slice %arg5[%mul3A_2] : memref<320000xf32, #tpu.memory_space<hbm>> -> memref<10000xf32, #tpu.memory_space<hbm>>
      tpu.enqueue_dma source(%dma_start3A_8 : memref<10000xf32, #tpu.memory_space<hbm>>) target(%arg11 : memref<10000xf32, #tpu.memory_space<vmem>>) target_semaphore(%run_scoped3A : memref<!tpu.dma_semaphore, #tpu.memory_space<semaphore_mem>>)
      %dma_wait3A = tpu.memref_slice %arg5[%mul3A_2] : memref<320000xf32, #tpu.memory_space<hbm>> -> memref<10000xf32, #tpu.memory_space<hbm>>
      %dma_wait3A_9 = tpu.memref_slice %arg5[%mul3A_2] : memref<320000xf32, #tpu.memory_space<hbm>> -> memref<10000xf32, #tpu.memory_space<hbm>>
      tpu.wait_dma2 semaphore(%run_scoped3A : memref<!tpu.dma_semaphore, #tpu.memory_space<semaphore_mem>>) src(%dma_wait3A_9 : memref<10000xf32, #tpu.memory_space<hbm>>) dst(%arg11 : memref<10000xf32, #tpu.memory_space<vmem>>)
      tpu.yield
    }) : () -> ()
    "tpu.region"() ({
      %run_scoped3A = tpu.sem_alloc : memref<!tpu.dma_semaphore, #tpu.memory_space<semaphore_mem>>
      %dma_start3A = tpu.memref_slice %arg6[%mul3A_2] : memref<320000xf32, #tpu.memory_space<hbm>> -> memref<10000xf32, #tpu.memory_space<hbm>>
      %dma_start3A_8 = tpu.memref_slice %arg6[%mul3A_2] : memref<320000xf32, #tpu.memory_space<hbm>> -> memref<10000xf32, #tpu.memory_space<hbm>>
      tpu.enqueue_dma source(%dma_start3A_8 : memref<10000xf32, #tpu.memory_space<hbm>>) target(%arg12 : memref<10000xf32, #tpu.memory_space<vmem>>) target_semaphore(%run_scoped3A : memref<!tpu.dma_semaphore, #tpu.memory_space<semaphore_mem>>)
      %dma_wait3A = tpu.memref_slice %arg6[%mul3A_2] : memref<320000xf32, #tpu.memory_space<hbm>> -> memref<10000xf32, #tpu.memory_space<hbm>>
      %dma_wait3A_9 = tpu.memref_slice %arg6[%mul3A_2] : memref<320000xf32, #tpu.memory_space<hbm>> -> memref<10000xf32, #tpu.memory_space<hbm>>
      tpu.wait_dma2 semaphore(%run_scoped3A : memref<!tpu.dma_semaphore, #tpu.memory_space<semaphore_mem>>) src(%dma_wait3A_9 : memref<10000xf32, #tpu.memory_space<hbm>>) dst(%arg12 : memref<10000xf32, #tpu.memory_space<vmem>>)
      tpu.yield
    }) : () -> ()
    "tpu.region"() ({
      %run_scoped3A = tpu.sem_alloc : memref<!tpu.dma_semaphore, #tpu.memory_space<semaphore_mem>>
      %dma_start3A = tpu.memref_slice %arg7[%mul3A_2] : memref<320000xf32, #tpu.memory_space<hbm>> -> memref<10000xf32, #tpu.memory_space<hbm>>
      %dma_start3A_8 = tpu.memref_slice %arg7[%mul3A_2] : memref<320000xf32, #tpu.memory_space<hbm>> -> memref<10000xf32, #tpu.memory_space<hbm>>
      tpu.enqueue_dma source(%dma_start3A_8 : memref<10000xf32, #tpu.memory_space<hbm>>) target(%arg13 : memref<10000xf32, #tpu.memory_space<vmem>>) target_semaphore(%run_scoped3A : memref<!tpu.dma_semaphore, #tpu.memory_space<semaphore_mem>>)
      %dma_wait3A = tpu.memref_slice %arg7[%mul3A_2] : memref<320000xf32, #tpu.memory_space<hbm>> -> memref<10000xf32, #tpu.memory_space<hbm>>
      %dma_wait3A_9 = tpu.memref_slice %arg7[%mul3A_2] : memref<320000xf32, #tpu.memory_space<hbm>> -> memref<10000xf32, #tpu.memory_space<hbm>>
      tpu.wait_dma2 semaphore(%run_scoped3A : memref<!tpu.dma_semaphore, #tpu.memory_space<semaphore_mem>>) src(%dma_wait3A_9 : memref<10000xf32, #tpu.memory_space<hbm>>) dst(%arg13 : memref<10000xf32, #tpu.memory_space<vmem>>)
      tpu.yield
    }) : () -> ()
    %scan3A = arith.constant 0 : i32
    %scan3A_3 = arith.constant 0 : i32
    %scan3A_4 = arith.constant 625 : i32
    %scan3A_5 = arith.addi %scan3A_3, %scan3A_4 : i32
    %scan3A_6 = arith.constant 1 : i32
    scf.for %scan3A_8 = %scan3A_3 to %scan3A_5 step %scan3A_6  : i32 {
      %mul3A_9 = arith.constant 16 : i32
      %mul3A_10 = arith.muli %scan3A_8, %mul3A_9 : i32
      %get3A = arith.index_cast %mul3A_10 : i32 to index
      %get3A_11 = tpu.vector_load %arg13[%get3A] {strides = array<i32>} : memref<10000xf32, #tpu.memory_space<vmem>>, vector<16xf32>,
      %get3A_12 = arith.index_cast %mul3A_10 : i32 to index
      %get3A_13 = tpu.vector_load %arg11[%get3A_12] {strides = array<i32>} : memref<10000xf32, #tpu.memory_space<vmem>>, vector<16xf32>,
      %add3A_14 = arith.addf %get3A_11, %get3A_13 : vector<16xf32>
      %get3A_15 = arith.index_cast %mul3A_10 : i32 to index
      %get3A_16 = tpu.vector_load %arg12[%get3A_15] {strides = array<i32>} : memref<10000xf32, #tpu.memory_space<vmem>>, vector<16xf32>,
      %ge3A = arith.cmpf oge, %add3A_14, %get3A_16 : vector<16xf32>
      %neg3A = arith.constant 0.000000e+00 : f32
      %neg3A_17 = vector.broadcast %neg3A : f32 to vector<16xf32>
      %neg3A_18 = arith.subf %neg3A_17, %get3A_11 : vector<16xf32>
      %exp3A = math.exp %neg3A_18 : vector<16xf32>
      %add3A_19 = arith.constant 1.000000e+00 : f32
      %add3A_20 = vector.broadcast %add3A_19 : f32 to vector<16xf32>
      %add3A_21 = arith.addf %add3A_20, %exp3A : vector<16xf32>
      %div3A = arith.constant 1.000000e+00 : f32
      %div3A_22 = vector.broadcast %div3A : f32 to vector<16xf32>
      %div3A_23 = arith.divf %div3A_22, %add3A_21 : vector<16xf32>
      %get3A_24 = arith.index_cast %mul3A_10 : i32 to index
      %get3A_25 = tpu.vector_load %arg9[%get3A_24] {strides = array<i32>} : memref<10000xi32, #tpu.memory_space<vmem>>, vector<16xi32>,
      %gather3A = tpu.vector_load_idx %arg15[%get3A_25] : memref<10000xf32, #tpu.memory_space<vmem>>[vector<16xi32>], vector<16xf32>,
      %get3A_26 = arith.index_cast %mul3A_10 : i32 to index
      %get3A_27 = tpu.vector_load %arg10[%get3A_26] {strides = array<i32>} : memref<10000xi32, #tpu.memory_space<vmem>>, vector<16xi32>,
      %gather3A_28 = tpu.vector_load_idx %arg15[%get3A_27] : memref<10000xf32, #tpu.memory_space<vmem>>[vector<16xi32>], vector<16xf32>,
      %add3A_29 = arith.addf %gather3A, %gather3A_28 : vector<16xf32>
      %neg3A_30 = arith.constant 0.000000e+00 : f32
      %neg3A_31 = vector.broadcast %neg3A_30 : f32 to vector<16xf32>
      %neg3A_32 = arith.subf %neg3A_31, %add3A_29 : vector<16xf32>
      %exp3A_33 = math.exp %neg3A_32 : vector<16xf32>
      %add3A_34 = arith.constant 1.000000e+00 : f32
      %add3A_35 = vector.broadcast %add3A_34 : f32 to vector<16xf32>
      %add3A_36 = arith.addf %add3A_35, %exp3A_33 : vector<16xf32>
      %div3A_37 = arith.constant 1.000000e+00 : f32
      %div3A_38 = vector.broadcast %div3A_37 : f32 to vector<16xf32>
      %div3A_39 = arith.divf %div3A_38, %add3A_36 : vector<16xf32>
      %select_n3A = arith.select %ge3A, %div3A_23, %div3A_39 : vector<16xi1>, vector<16xf32>
      %swap3A = arith.index_cast %mul3A_10 : i32 to index
      %swap3A_40 = tpu.vector_load %arg14[%swap3A] {strides = array<i32>} : memref<10000xf32, #tpu.memory_space<vmem>>, vector<16xf32>,
      tpu.vector_store %arg14[%swap3A], %select_n3A {strides = array<i32>} : memref<10000xf32, #tpu.memory_space<vmem>>, vector<16xf32>,
    }
    %scan3A_7 = arith.constant 625 : i32
    "tpu.region"() ({
      %run_scoped3A = tpu.sem_alloc : memref<!tpu.dma_semaphore, #tpu.memory_space<semaphore_mem>>
      %dma_start3A = tpu.memref_slice %arg8[%mul3A_2] : memref<320000xf32, #tpu.memory_space<hbm>> -> memref<10000xf32, #tpu.memory_space<hbm>>
      %dma_start3A_8 = tpu.memref_slice %arg8[%mul3A_2] : memref<320000xf32, #tpu.memory_space<hbm>> -> memref<10000xf32, #tpu.memory_space<hbm>>
      tpu.enqueue_dma source(%arg14 : memref<10000xf32, #tpu.memory_space<vmem>>) target(%dma_start3A_8 : memref<10000xf32, #tpu.memory_space<hbm>>) target_semaphore(%run_scoped3A : memref<!tpu.dma_semaphore, #tpu.memory_space<semaphore_mem>>)
      %dma_wait3A = tpu.memref_slice %arg8[%mul3A_2] : memref<320000xf32, #tpu.memory_space<hbm>> -> memref<10000xf32, #tpu.memory_space<hbm>>
      %dma_wait3A_9 = tpu.memref_slice %arg8[%mul3A_2] : memref<320000xf32, #tpu.memory_space<hbm>> -> memref<10000xf32, #tpu.memory_space<hbm>>
      tpu.wait_dma2 semaphore(%run_scoped3A : memref<!tpu.dma_semaphore, #tpu.memory_space<semaphore_mem>>) src(%arg14 : memref<10000xf32, #tpu.memory_space<vmem>>) dst(%dma_wait3A_9 : memref<10000xf32, #tpu.memory_space<hbm>>)
      tpu.yield
    }) : () -> ()
    return
  }
}

#map = affine_map<(d0, d1) -> (0, 0)>
#map1 = affine_map<(d0, d1) -> (0)>
module attributes {stable_mosaic.version = 14 : i64} {
  func.func @_k4_body(%arg0: i32, %arg1: i32, %arg2: memref<10000x128xf32, #tpu.memory_space<hbm>>, %arg3: memref<10000x128xf32, #tpu.memory_space<hbm>>, %arg4: memref<320000xi32, #tpu.memory_space<hbm>>, %arg5: memref<320000xi32, #tpu.memory_space<hbm>>, %arg6: memref<10000x128xf32, #tpu.memory_space<hbm>>, %arg7: memref<10000x128xf32, #tpu.memory_space<hbm>>, %arg8: memref<160xi32, #tpu.memory_space<vmem>>, %arg9: memref<160xi32, #tpu.memory_space<vmem>>, %arg10: memref<160xi32, #tpu.memory_space<vmem>>, %arg11: memref<160xi32, #tpu.memory_space<vmem>>, %arg12: memref<160x128xf32, #tpu.memory_space<vmem>>, %arg13: memref<160x128xf32, #tpu.memory_space<vmem>>, %arg14: memref<10000x128xf32, #tpu.memory_space<vmem_shared>>, %arg15: memref<!tpu.dma_semaphore, #tpu.memory_space<semaphore_mem>>, %arg16: memref<!tpu.dma_semaphore, #tpu.memory_space<semaphore_mem>>) attributes {dimension_semantics = [#tpu.dimension_semantics<core_parallel>, #tpu.dimension_semantics<subcore_parallel>], iteration_bounds = array<i64: 2, 16>, scalar_prefetch = 0 : i64, scratch_operands = 9 : i64, tpu.core_type = #tpu.core_type<sc_vector_subcore>, window_params = [{transform_indices = #map}, {transform_indices = #map}, {transform_indices = #map1}, {transform_indices = #map1}, {transform_indices = #map}, {transform_indices = #map}]} {
    %eq3A = arith.constant 0 : i32
    %eq3A_0 = arith.cmpi eq, %arg0, %eq3A : i32
    %convert_element_type3A = arith.extui %eq3A_0 : i1 to i32
    %cond3A = arith.constant 0 : i32
    %cond3A_1 = arith.cmpi ne, %convert_element_type3A, %cond3A : i32
    scf.if %cond3A_1 {
      %mul3A = arith.constant 624 : i32
      %mul3A_28 = arith.muli %arg1, %mul3A : i32
      %multiple_of3A = tpu.assume_multiple %mul3A_28, 8 : i32
      %lt3A = arith.constant 15 : i32
      %lt3A_29 = arith.cmpi slt, %arg1, %lt3A : i32
      %convert_element_type3A_30 = arith.extui %lt3A_29 : i1 to i32
      %cond3A_31 = arith.constant 0 : i32
      %cond3A_32 = arith.cmpi ne, %convert_element_type3A_30, %cond3A_31 : i32
      scf.if %cond3A_32 {
        "tpu.region"() ({
          %run_scoped3A = tpu.sem_alloc : memref<!tpu.dma_semaphore, #tpu.memory_space<semaphore_mem>>
          %dma_start3A = arith.constant 0 : i32
          %dma_start3A_38 = tpu.memref_slice %arg14[%multiple_of3A, %dma_start3A] : memref<10000x128xf32, #tpu.memory_space<vmem_shared>> -> memref<624x128xf32, #tpu.memory_space<vmem_shared>>
          %dma_start3A_39 = arith.constant 0 : i32
          %dma_start3A_40 = tpu.memref_slice %arg2[%multiple_of3A, %dma_start3A_39] : memref<10000x128xf32, #tpu.memory_space<hbm>> -> memref<624x128xf32, #tpu.memory_space<hbm>>
          tpu.enqueue_dma source(%dma_start3A_40 : memref<624x128xf32, #tpu.memory_space<hbm>>) target(%dma_start3A_38 : memref<624x128xf32, #tpu.memory_space<vmem_shared>>) target_semaphore(%run_scoped3A : memref<!tpu.dma_semaphore, #tpu.memory_space<semaphore_mem>>)
          %dma_wait3A = arith.constant 0 : i32
          %dma_wait3A_41 = tpu.memref_slice %arg14[%multiple_of3A, %dma_wait3A] : memref<10000x128xf32, #tpu.memory_space<vmem_shared>> -> memref<624x128xf32, #tpu.memory_space<vmem_shared>>
          %dma_wait3A_42 = arith.constant 0 : i32
          %dma_wait3A_43 = tpu.memref_slice %arg2[%multiple_of3A, %dma_wait3A_42] : memref<10000x128xf32, #tpu.memory_space<hbm>> -> memref<624x128xf32, #tpu.memory_space<hbm>>
          tpu.wait_dma2 semaphore(%run_scoped3A : memref<!tpu.dma_semaphore, #tpu.memory_space<semaphore_mem>>) src(%dma_wait3A_43 : memref<624x128xf32, #tpu.memory_space<hbm>>) dst(%dma_wait3A_41 : memref<624x128xf32, #tpu.memory_space<vmem_shared>>)
          tpu.yield
        }) : () -> ()
      } else {
      }
      %eq3A_33 = arith.constant 15 : i32
      %eq3A_34 = arith.cmpi eq, %arg1, %eq3A_33 : i32
      %convert_element_type3A_35 = arith.extui %eq3A_34 : i1 to i32
      %cond3A_36 = arith.constant 0 : i32
      %cond3A_37 = arith.cmpi ne, %convert_element_type3A_35, %cond3A_36 : i32
      scf.if %cond3A_37 {
        "tpu.region"() ({
          %run_scoped3A = tpu.sem_alloc : memref<!tpu.dma_semaphore, #tpu.memory_space<semaphore_mem>>
          %dma_start3A = arith.constant 9360 : i32
          %dma_start3A_38 = arith.constant 0 : i32
          %dma_start3A_39 = tpu.memref_slice %arg14[%dma_start3A, %dma_start3A_38] : memref<10000x128xf32, #tpu.memory_space<vmem_shared>> -> memref<640x128xf32, #tpu.memory_space<vmem_shared>>
          %dma_start3A_40 = arith.constant 9360 : i32
          %dma_start3A_41 = arith.constant 0 : i32
          %dma_start3A_42 = tpu.memref_slice %arg2[%dma_start3A_40, %dma_start3A_41] : memref<10000x128xf32, #tpu.memory_space<hbm>> -> memref<640x128xf32, #tpu.memory_space<hbm>>
          tpu.enqueue_dma source(%dma_start3A_42 : memref<640x128xf32, #tpu.memory_space<hbm>>) target(%dma_start3A_39 : memref<640x128xf32, #tpu.memory_space<vmem_shared>>) target_semaphore(%run_scoped3A : memref<!tpu.dma_semaphore, #tpu.memory_space<semaphore_mem>>)
          %dma_wait3A = arith.constant 9360 : i32
          %dma_wait3A_43 = arith.constant 0 : i32
          %dma_wait3A_44 = tpu.memref_slice %arg14[%dma_wait3A, %dma_wait3A_43] : memref<10000x128xf32, #tpu.memory_space<vmem_shared>> -> memref<640x128xf32, #tpu.memory_space<vmem_shared>>
          %dma_wait3A_45 = arith.constant 9360 : i32
          %dma_wait3A_46 = arith.constant 0 : i32
          %dma_wait3A_47 = tpu.memref_slice %arg2[%dma_wait3A_45, %dma_wait3A_46] : memref<10000x128xf32, #tpu.memory_space<hbm>> -> memref<640x128xf32, #tpu.memory_space<hbm>>
          tpu.wait_dma2 semaphore(%run_scoped3A : memref<!tpu.dma_semaphore, #tpu.memory_space<semaphore_mem>>) src(%dma_wait3A_47 : memref<640x128xf32, #tpu.memory_space<hbm>>) dst(%dma_wait3A_44 : memref<640x128xf32, #tpu.memory_space<vmem_shared>>)
          tpu.yield
        }) : () -> ()
      } else {
      }
    } else {
    }
    %eq3A_2 = arith.constant 1 : i32
    %eq3A_3 = arith.cmpi eq, %arg0, %eq3A_2 : i32
    %convert_element_type3A_4 = arith.extui %eq3A_3 : i1 to i32
    %cond3A_5 = arith.constant 0 : i32
    %cond3A_6 = arith.cmpi ne, %convert_element_type3A_4, %cond3A_5 : i32
    scf.if %cond3A_6 {
      %mul3A = arith.constant 624 : i32
      %mul3A_28 = arith.muli %arg1, %mul3A : i32
      %multiple_of3A = tpu.assume_multiple %mul3A_28, 8 : i32
      %lt3A = arith.constant 15 : i32
      %lt3A_29 = arith.cmpi slt, %arg1, %lt3A : i32
      %convert_element_type3A_30 = arith.extui %lt3A_29 : i1 to i32
      %cond3A_31 = arith.constant 0 : i32
      %cond3A_32 = arith.cmpi ne, %convert_element_type3A_30, %cond3A_31 : i32
      scf.if %cond3A_32 {
        "tpu.region"() ({
          %run_scoped3A = tpu.sem_alloc : memref<!tpu.dma_semaphore, #tpu.memory_space<semaphore_mem>>
          %dma_start3A = arith.constant 0 : i32
          %dma_start3A_38 = tpu.memref_slice %arg14[%multiple_of3A, %dma_start3A] : memref<10000x128xf32, #tpu.memory_space<vmem_shared>> -> memref<624x128xf32, #tpu.memory_space<vmem_shared>>
          %dma_start3A_39 = arith.constant 0 : i32
          %dma_start3A_40 = tpu.memref_slice %arg3[%multiple_of3A, %dma_start3A_39] : memref<10000x128xf32, #tpu.memory_space<hbm>> -> memref<624x128xf32, #tpu.memory_space<hbm>>
          tpu.enqueue_dma source(%dma_start3A_40 : memref<624x128xf32, #tpu.memory_space<hbm>>) target(%dma_start3A_38 : memref<624x128xf32, #tpu.memory_space<vmem_shared>>) target_semaphore(%run_scoped3A : memref<!tpu.dma_semaphore, #tpu.memory_space<semaphore_mem>>)
          %dma_wait3A = arith.constant 0 : i32
          %dma_wait3A_41 = tpu.memref_slice %arg14[%multiple_of3A, %dma_wait3A] : memref<10000x128xf32, #tpu.memory_space<vmem_shared>> -> memref<624x128xf32, #tpu.memory_space<vmem_shared>>
          %dma_wait3A_42 = arith.constant 0 : i32
          %dma_wait3A_43 = tpu.memref_slice %arg3[%multiple_of3A, %dma_wait3A_42] : memref<10000x128xf32, #tpu.memory_space<hbm>> -> memref<624x128xf32, #tpu.memory_space<hbm>>
          tpu.wait_dma2 semaphore(%run_scoped3A : memref<!tpu.dma_semaphore, #tpu.memory_space<semaphore_mem>>) src(%dma_wait3A_43 : memref<624x128xf32, #tpu.memory_space<hbm>>) dst(%dma_wait3A_41 : memref<624x128xf32, #tpu.memory_space<vmem_shared>>)
          tpu.yield
        }) : () -> ()
      } else {
      }
      %eq3A_33 = arith.constant 15 : i32
      %eq3A_34 = arith.cmpi eq, %arg1, %eq3A_33 : i32
      %convert_element_type3A_35 = arith.extui %eq3A_34 : i1 to i32
      %cond3A_36 = arith.constant 0 : i32
      %cond3A_37 = arith.cmpi ne, %convert_element_type3A_35, %cond3A_36 : i32
      scf.if %cond3A_37 {
        "tpu.region"() ({
          %run_scoped3A = tpu.sem_alloc : memref<!tpu.dma_semaphore, #tpu.memory_space<semaphore_mem>>
          %dma_start3A = arith.constant 9360 : i32
          %dma_start3A_38 = arith.constant 0 : i32
          %dma_start3A_39 = tpu.memref_slice %arg14[%dma_start3A, %dma_start3A_38] : memref<10000x128xf32, #tpu.memory_space<vmem_shared>> -> memref<640x128xf32, #tpu.memory_space<vmem_shared>>
          %dma_start3A_40 = arith.constant 9360 : i32
          %dma_start3A_41 = arith.constant 0 : i32
          %dma_start3A_42 = tpu.memref_slice %arg3[%dma_start3A_40, %dma_start3A_41] : memref<10000x128xf32, #tpu.memory_space<hbm>> -> memref<640x128xf32, #tpu.memory_space<hbm>>
          tpu.enqueue_dma source(%dma_start3A_42 : memref<640x128xf32, #tpu.memory_space<hbm>>) target(%dma_start3A_39 : memref<640x128xf32, #tpu.memory_space<vmem_shared>>) target_semaphore(%run_scoped3A : memref<!tpu.dma_semaphore, #tpu.memory_space<semaphore_mem>>)
          %dma_wait3A = arith.constant 9360 : i32
          %dma_wait3A_43 = arith.constant 0 : i32
          %dma_wait3A_44 = tpu.memref_slice %arg14[%dma_wait3A, %dma_wait3A_43] : memref<10000x128xf32, #tpu.memory_space<vmem_shared>> -> memref<640x128xf32, #tpu.memory_space<vmem_shared>>
          %dma_wait3A_45 = arith.constant 9360 : i32
          %dma_wait3A_46 = arith.constant 0 : i32
          %dma_wait3A_47 = tpu.memref_slice %arg3[%dma_wait3A_45, %dma_wait3A_46] : memref<10000x128xf32, #tpu.memory_space<hbm>> -> memref<640x128xf32, #tpu.memory_space<hbm>>
          tpu.wait_dma2 semaphore(%run_scoped3A : memref<!tpu.dma_semaphore, #tpu.memory_space<semaphore_mem>>) src(%dma_wait3A_47 : memref<640x128xf32, #tpu.memory_space<hbm>>) dst(%dma_wait3A_44 : memref<640x128xf32, #tpu.memory_space<vmem_shared>>)
          tpu.yield
        }) : () -> ()
      } else {
      }
    } else {
    }
    %barrier3A = arith.constant 0 : index
    tpu.barrier barrier_id(%barrier3A)
    %eq3A_7 = arith.constant 0 : i32
    %eq3A_8 = arith.cmpi eq, %arg0, %eq3A_7 : i32
    %convert_element_type3A_9 = arith.extui %eq3A_8 : i1 to i32
    %cond3A_10 = arith.constant 0 : i32
    %cond3A_11 = arith.cmpi ne, %convert_element_type3A_9, %cond3A_10 : i32
    scf.if %cond3A_11 {
      %mul3A = arith.constant 20000 : i32
      %mul3A_28 = arith.muli %arg1, %mul3A : i32
      %add3A = arith.constant 0 : i32
      %add3A_29 = arith.addi %mul3A_28, %add3A : i32
      "tpu.region"() ({
        %run_scoped3A = tpu.sem_alloc : memref<!tpu.dma_semaphore, #tpu.memory_space<semaphore_mem>>
        %dma_start3A_39 = tpu.memref_slice %arg4[%add3A_29] : memref<320000xi32, #tpu.memory_space<hbm>> -> memref<160xi32, #tpu.memory_space<hbm>>
        %dma_start3A_40 = tpu.memref_slice %arg4[%add3A_29] : memref<320000xi32, #tpu.memory_space<hbm>> -> memref<160xi32, #tpu.memory_space<hbm>>
        tpu.enqueue_dma source(%dma_start3A_40 : memref<160xi32, #tpu.memory_space<hbm>>) target(%arg8 : memref<160xi32, #tpu.memory_space<vmem>>) target_semaphore(%run_scoped3A : memref<!tpu.dma_semaphore, #tpu.memory_space<semaphore_mem>>)
        %dma_wait3A_41 = tpu.memref_slice %arg4[%add3A_29] : memref<320000xi32, #tpu.memory_space<hbm>> -> memref<160xi32, #tpu.memory_space<hbm>>
        %dma_wait3A_42 = tpu.memref_slice %arg4[%add3A_29] : memref<320000xi32, #tpu.memory_space<hbm>> -> memref<160xi32, #tpu.memory_space<hbm>>
        tpu.wait_dma2 semaphore(%run_scoped3A : memref<!tpu.dma_semaphore, #tpu.memory_space<semaphore_mem>>) src(%dma_wait3A_42 : memref<160xi32, #tpu.memory_space<hbm>>) dst(%arg8 : memref<160xi32, #tpu.memory_space<vmem>>)
        tpu.yield
      }) : () -> ()
      "tpu.region"() ({
        %run_scoped3A = tpu.sem_alloc : memref<!tpu.dma_semaphore, #tpu.memory_space<semaphore_mem>>
        %dma_start3A_39 = tpu.memref_slice %arg5[%add3A_29] : memref<320000xi32, #tpu.memory_space<hbm>> -> memref<160xi32, #tpu.memory_space<hbm>>
        %dma_start3A_40 = tpu.memref_slice %arg5[%add3A_29] : memref<320000xi32, #tpu.memory_space<hbm>> -> memref<160xi32, #tpu.memory_space<hbm>>
        tpu.enqueue_dma source(%dma_start3A_40 : memref<160xi32, #tpu.memory_space<hbm>>) target(%arg9 : memref<160xi32, #tpu.memory_space<vmem>>) target_semaphore(%run_scoped3A : memref<!tpu.dma_semaphore, #tpu.memory_space<semaphore_mem>>)
        %dma_wait3A_41 = tpu.memref_slice %arg5[%add3A_29] : memref<320000xi32, #tpu.memory_space<hbm>> -> memref<160xi32, #tpu.memory_space<hbm>>
        %dma_wait3A_42 = tpu.memref_slice %arg5[%add3A_29] : memref<320000xi32, #tpu.memory_space<hbm>> -> memref<160xi32, #tpu.memory_space<hbm>>
        tpu.wait_dma2 semaphore(%run_scoped3A : memref<!tpu.dma_semaphore, #tpu.memory_space<semaphore_mem>>) src(%dma_wait3A_42 : memref<160xi32, #tpu.memory_space<hbm>>) dst(%arg9 : memref<160xi32, #tpu.memory_space<vmem>>)
        tpu.yield
      }) : () -> ()
      %dma_start3A = arith.constant 0 : i32
      %dma_start3A_30 = arith.constant 0 : i32
      %dma_start3A_31 = tpu.memref_slice %arg2[%dma_start3A, %dma_start3A_30] : memref<10000x128xf32, #tpu.memory_space<hbm>> -> memref<10000x128xf32, #tpu.memory_space<hbm>>
      tpu.enqueue_indirect_dma source(%dma_start3A_31 : memref<10000x128xf32, #tpu.memory_space<hbm>>) target(%arg12 : memref<160x128xf32, #tpu.memory_space<vmem>>) offsets(%arg8 : memref<160xi32, #tpu.memory_space<vmem>>) semaphore(%arg15 : memref<!tpu.dma_semaphore, #tpu.memory_space<semaphore_mem>>)
      %scan3A = arith.constant 0 : i32
      %scan3A_32 = arith.constant 0 : i32
      %scan3A_33 = arith.constant 62 : i32
      %scan3A_34 = arith.addi %scan3A_32, %scan3A_33 : i32
      %scan3A_35 = arith.constant 1 : i32
      scf.for %scan3A_39 = %scan3A_32 to %scan3A_34 step %scan3A_35  : i32 {
        %mul3A_40 = arith.constant 2 : i32
        %mul3A_41 = arith.muli %mul3A_40, %scan3A_39 : i32
        %add3A_42 = arith.constant 1 : i32
        %add3A_43 = arith.addi %mul3A_41, %add3A_42 : i32
        %mul3A_44 = arith.constant 160 : i32
        %mul3A_45 = arith.muli %add3A_43, %mul3A_44 : i32
        %add3A_46 = arith.addi %mul3A_28, %mul3A_45 : i32
        "tpu.region"() ({
          %run_scoped3A = tpu.sem_alloc : memref<!tpu.dma_semaphore, #tpu.memory_space<semaphore_mem>>
          %dma_start3A_64 = tpu.memref_slice %arg4[%add3A_46] : memref<320000xi32, #tpu.memory_space<hbm>> -> memref<160xi32, #tpu.memory_space<hbm>>
          %dma_start3A_65 = tpu.memref_slice %arg4[%add3A_46] : memref<320000xi32, #tpu.memory_space<hbm>> -> memref<160xi32, #tpu.memory_space<hbm>>
          tpu.enqueue_dma source(%dma_start3A_65 : memref<160xi32, #tpu.memory_space<hbm>>) target(%arg10 : memref<160xi32, #tpu.memory_space<vmem>>) target_semaphore(%run_scoped3A : memref<!tpu.dma_semaphore, #tpu.memory_space<semaphore_mem>>)
          %dma_wait3A_66 = tpu.memref_slice %arg4[%add3A_46] : memref<320000xi32, #tpu.memory_space<hbm>> -> memref<160xi32, #tpu.memory_space<hbm>>
          %dma_wait3A_67 = tpu.memref_slice %arg4[%add3A_46] : memref<320000xi32, #tpu.memory_space<hbm>> -> memref<160xi32, #tpu.memory_space<hbm>>
          tpu.wait_dma2 semaphore(%run_scoped3A : memref<!tpu.dma_semaphore, #tpu.memory_space<semaphore_mem>>) src(%dma_wait3A_67 : memref<160xi32, #tpu.memory_space<hbm>>) dst(%arg10 : memref<160xi32, #tpu.memory_space<vmem>>)
          tpu.yield
        }) : () -> ()
        "tpu.region"() ({
          %run_scoped3A = tpu.sem_alloc : memref<!tpu.dma_semaphore, #tpu.memory_space<semaphore_mem>>
          %dma_start3A_64 = tpu.memref_slice %arg5[%add3A_46] : memref<320000xi32, #tpu.memory_space<hbm>> -> memref<160xi32, #tpu.memory_space<hbm>>
          %dma_start3A_65 = tpu.memref_slice %arg5[%add3A_46] : memref<320000xi32, #tpu.memory_space<hbm>> -> memref<160xi32, #tpu.memory_space<hbm>>
          tpu.enqueue_dma source(%dma_start3A_65 : memref<160xi32, #tpu.memory_space<hbm>>) target(%arg11 : memref<160xi32, #tpu.memory_space<vmem>>) target_semaphore(%run_scoped3A : memref<!tpu.dma_semaphore, #tpu.memory_space<semaphore_mem>>)
          %dma_wait3A_66 = tpu.memref_slice %arg5[%add3A_46] : memref<320000xi32, #tpu.memory_space<hbm>> -> memref<160xi32, #tpu.memory_space<hbm>>
          %dma_wait3A_67 = tpu.memref_slice %arg5[%add3A_46] : memref<320000xi32, #tpu.memory_space<hbm>> -> memref<160xi32, #tpu.memory_space<hbm>>
          tpu.wait_dma2 semaphore(%run_scoped3A : memref<!tpu.dma_semaphore, #tpu.memory_space<semaphore_mem>>) src(%dma_wait3A_67 : memref<160xi32, #tpu.memory_space<hbm>>) dst(%arg11 : memref<160xi32, #tpu.memory_space<vmem>>)
          tpu.yield
        }) : () -> ()
        %dma_start3A_47 = arith.constant 0 : i32
        %dma_start3A_48 = arith.constant 0 : i32
        %dma_start3A_49 = tpu.memref_slice %arg2[%dma_start3A_47, %dma_start3A_48] : memref<10000x128xf32, #tpu.memory_space<hbm>> -> memref<10000x128xf32, #tpu.memory_space<hbm>>
        tpu.enqueue_indirect_dma source(%dma_start3A_49 : memref<10000x128xf32, #tpu.memory_space<hbm>>) target(%arg13 : memref<160x128xf32, #tpu.memory_space<vmem>>) offsets(%arg10 : memref<160xi32, #tpu.memory_space<vmem>>) semaphore(%arg16 : memref<!tpu.dma_semaphore, #tpu.memory_space<semaphore_mem>>)
        %dma_wait3A_50 = arith.constant 0 : i32
        %dma_wait3A_51 = arith.constant 0 : i32
        %dma_wait3A_52 = tpu.memref_slice %arg2[%dma_wait3A_50, %dma_wait3A_51] : memref<10000x128xf32, #tpu.memory_space<hbm>> -> memref<10000x128xf32, #tpu.memory_space<hbm>>
        tpu.wait_indirect_dma semaphore(%arg15 : memref<!tpu.dma_semaphore, #tpu.memory_space<semaphore_mem>>) src(%dma_wait3A_52 : memref<10000x128xf32, #tpu.memory_space<hbm>>) dst(%arg12 : memref<160x128xf32, #tpu.memory_space<vmem>>)
        "tpu.region"() ({
          %run_scoped3A = tpu.sem_alloc : memref<!tpu.dma_semaphore, #tpu.memory_space<semaphore_mem>>
          %dma_start3A_64 = arith.constant 0 : i32
          %dma_start3A_65 = arith.constant 0 : i32
          %dma_start3A_66 = tpu.memref_slice %arg14[%dma_start3A_64, %dma_start3A_65] : memref<10000x128xf32, #tpu.memory_space<vmem_shared>> -> memref<10000x128xf32, #tpu.memory_space<vmem_shared>>
          tpu.enqueue_indirect_dma source(%arg12 : memref<160x128xf32, #tpu.memory_space<vmem>>) target(%dma_start3A_66 : memref<10000x128xf32, #tpu.memory_space<vmem_shared>>) offsets(%arg9 : memref<160xi32, #tpu.memory_space<vmem>>) semaphore(%run_scoped3A : memref<!tpu.dma_semaphore, #tpu.memory_space<semaphore_mem>>) {add = true}
          %dma_wait3A_67 = arith.constant 0 : i32
          %dma_wait3A_68 = arith.constant 0 : i32
          %dma_wait3A_69 = tpu.memref_slice %arg14[%dma_wait3A_67, %dma_wait3A_68] : memref<10000x128xf32, #tpu.memory_space<vmem_shared>> -> memref<10000x128xf32, #tpu.memory_space<vmem_shared>>
          tpu.wait_indirect_dma semaphore(%run_scoped3A : memref<!tpu.dma_semaphore, #tpu.memory_space<semaphore_mem>>) src(%arg12 : memref<160x128xf32, #tpu.memory_space<vmem>>) dst(%dma_wait3A_69 : memref<10000x128xf32, #tpu.memory_space<vmem_shared>>)
          tpu.yield
        }) : () -> ()
        %mul3A_53 = arith.constant 2 : i32
        %mul3A_54 = arith.muli %mul3A_53, %scan3A_39 : i32
        %add3A_55 = arith.constant 2 : i32
        %add3A_56 = arith.addi %mul3A_54, %add3A_55 : i32
        %lt3A = arith.constant 125 : i32
        %lt3A_57 = arith.cmpi slt, %add3A_56, %lt3A : i32
        %convert_element_type3A_58 = arith.extui %lt3A_57 : i1 to i32
        %cond3A_59 = arith.constant 0 : i32
        %cond3A_60 = arith.cmpi ne, %convert_element_type3A_58, %cond3A_59 : i32
        scf.if %cond3A_60 {
          %mul3A_64 = arith.constant 2 : i32
          %mul3A_65 = arith.muli %mul3A_64, %scan3A_39 : i32
          %add3A_66 = arith.constant 2 : i32
          %add3A_67 = arith.addi %mul3A_65, %add3A_66 : i32
          %mul3A_68 = arith.constant 160 : i32
          %mul3A_69 = arith.muli %add3A_67, %mul3A_68 : i32
          %add3A_70 = arith.addi %mul3A_28, %mul3A_69 : i32
          "tpu.region"() ({
            %run_scoped3A = tpu.sem_alloc : memref<!tpu.dma_semaphore, #tpu.memory_space<semaphore_mem>>
            %dma_start3A_74 = tpu.memref_slice %arg4[%add3A_70] : memref<320000xi32, #tpu.memory_space<hbm>> -> memref<160xi32, #tpu.memory_space<hbm>>
            %dma_start3A_75 = tpu.memref_slice %arg4[%add3A_70] : memref<320000xi32, #tpu.memory_space<hbm>> -> memref<160xi32, #tpu.memory_space<hbm>>
            tpu.enqueue_dma source(%dma_start3A_75 : memref<160xi32, #tpu.memory_space<hbm>>) target(%arg8 : memref<160xi32, #tpu.memory_space<vmem>>) target_semaphore(%run_scoped3A : memref<!tpu.dma_semaphore, #tpu.memory_space<semaphore_mem>>)
            %dma_wait3A_76 = tpu.memref_slice %arg4[%add3A_70] : memref<320000xi32, #tpu.memory_space<hbm>> -> memref<160xi32, #tpu.memory_space<hbm>>
            %dma_wait3A_77 = tpu.memref_slice %arg4[%add3A_70] : memref<320000xi32, #tpu.memory_space<hbm>> -> memref<160xi32, #tpu.memory_space<hbm>>
            tpu.wait_dma2 semaphore(%run_scoped3A : memref<!tpu.dma_semaphore, #tpu.memory_space<semaphore_mem>>) src(%dma_wait3A_77 : memref<160xi32, #tpu.memory_space<hbm>>) dst(%arg8 : memref<160xi32, #tpu.memory_space<vmem>>)
            tpu.yield
          }) : () -> ()
          "tpu.region"() ({
            %run_scoped3A = tpu.sem_alloc : memref<!tpu.dma_semaphore, #tpu.memory_space<semaphore_mem>>
            %dma_start3A_74 = tpu.memref_slice %arg5[%add3A_70] : memref<320000xi32, #tpu.memory_space<hbm>> -> memref<160xi32, #tpu.memory_space<hbm>>
            %dma_start3A_75 = tpu.memref_slice %arg5[%add3A_70] : memref<320000xi32, #tpu.memory_space<hbm>> -> memref<160xi32, #tpu.memory_space<hbm>>
            tpu.enqueue_dma source(%dma_start3A_75 : memref<160xi32, #tpu.memory_space<hbm>>) target(%arg9 : memref<160xi32, #tpu.memory_space<vmem>>) target_semaphore(%run_scoped3A : memref<!tpu.dma_semaphore, #tpu.memory_space<semaphore_mem>>)
            %dma_wait3A_76 = tpu.memref_slice %arg5[%add3A_70] : memref<320000xi32, #tpu.memory_space<hbm>> -> memref<160xi32, #tpu.memory_space<hbm>>
            %dma_wait3A_77 = tpu.memref_slice %arg5[%add3A_70] : memref<320000xi32, #tpu.memory_space<hbm>> -> memref<160xi32, #tpu.memory_space<hbm>>
            tpu.wait_dma2 semaphore(%run_scoped3A : memref<!tpu.dma_semaphore, #tpu.memory_space<semaphore_mem>>) src(%dma_wait3A_77 : memref<160xi32, #tpu.memory_space<hbm>>) dst(%arg9 : memref<160xi32, #tpu.memory_space<vmem>>)
            tpu.yield
          }) : () -> ()
          %dma_start3A_71 = arith.constant 0 : i32
          %dma_start3A_72 = arith.constant 0 : i32
          %dma_start3A_73 = tpu.memref_slice %arg2[%dma_start3A_71, %dma_start3A_72] : memref<10000x128xf32, #tpu.memory_space<hbm>> -> memref<10000x128xf32, #tpu.memory_space<hbm>>
          tpu.enqueue_indirect_dma source(%dma_start3A_73 : memref<10000x128xf32, #tpu.memory_space<hbm>>) target(%arg12 : memref<160x128xf32, #tpu.memory_space<vmem>>) offsets(%arg8 : memref<160xi32, #tpu.memory_space<vmem>>) semaphore(%arg15 : memref<!tpu.dma_semaphore, #tpu.memory_space<semaphore_mem>>)
        } else {
        }
        %dma_wait3A_61 = arith.constant 0 : i32
        %dma_wait3A_62 = arith.constant 0 : i32
        %dma_wait3A_63 = tpu.memref_slice %arg2[%dma_wait3A_61, %dma_wait3A_62] : memref<10000x128xf32, #tpu.memory_space<hbm>> -> memref<10000x128xf32, #tpu.memory_space<hbm>>
        tpu.wait_indirect_dma semaphore(%arg16 : memref<!tpu.dma_semaphore, #tpu.memory_space<semaphore_mem>>) src(%dma_wait3A_63 : memref<10000x128xf32, #tpu.memory_space<hbm>>) dst(%arg13 : memref<160x128xf32, #tpu.memory_space<vmem>>)
        "tpu.region"() ({
          %run_scoped3A = tpu.sem_alloc : memref<!tpu.dma_semaphore, #tpu.memory_space<semaphore_mem>>
          %dma_start3A_64 = arith.constant 0 : i32
          %dma_start3A_65 = arith.constant 0 : i32
          %dma_start3A_66 = tpu.memref_slice %arg14[%dma_start3A_64, %dma_start3A_65] : memref<10000x128xf32, #tpu.memory_space<vmem_shared>> -> memref<10000x128xf32, #tpu.memory_space<vmem_shared>>
          tpu.enqueue_indirect_dma source(%arg13 : memref<160x128xf32, #tpu.memory_space<vmem>>) target(%dma_start3A_66 : memref<10000x128xf32, #tpu.memory_space<vmem_shared>>) offsets(%arg11 : memref<160xi32, #tpu.memory_space<vmem>>) semaphore(%run_scoped3A : memref<!tpu.dma_semaphore, #tpu.memory_space<semaphore_mem>>) {add = true}
          %dma_wait3A_67 = arith.constant 0 : i32
          %dma_wait3A_68 = arith.constant 0 : i32
          %dma_wait3A_69 = tpu.memref_slice %arg14[%dma_wait3A_67, %dma_wait3A_68] : memref<10000x128xf32, #tpu.memory_space<vmem_shared>> -> memref<10000x128xf32, #tpu.memory_space<vmem_shared>>
          tpu.wait_indirect_dma semaphore(%run_scoped3A : memref<!tpu.dma_semaphore, #tpu.memory_space<semaphore_mem>>) src(%arg13 : memref<160x128xf32, #tpu.memory_space<vmem>>) dst(%dma_wait3A_69 : memref<10000x128xf32, #tpu.memory_space<vmem_shared>>)
          tpu.yield
        }) : () -> ()
      }
      %scan3A_36 = arith.constant 62 : i32
      %dma_wait3A = arith.constant 0 : i32
      %dma_wait3A_37 = arith.constant 0 : i32
      %dma_wait3A_38 = tpu.memref_slice %arg2[%dma_wait3A, %dma_wait3A_37] : memref<10000x128xf32, #tpu.memory_space<hbm>> -> memref<10000x128xf32, #tpu.memory_space<hbm>>
      tpu.wait_indirect_dma semaphore(%arg15 : memref<!tpu.dma_semaphore, #tpu.memory_space<semaphore_mem>>) src(%dma_wait3A_38 : memref<10000x128xf32, #tpu.memory_space<hbm>>) dst(%arg12 : memref<160x128xf32, #tpu.memory_space<vmem>>)
      "tpu.region"() ({
        %run_scoped3A = tpu.sem_alloc : memref<!tpu.dma_semaphore, #tpu.memory_space<semaphore_mem>>
        %dma_start3A_39 = arith.constant 0 : i32
        %dma_start3A_40 = arith.constant 0 : i32
        %dma_start3A_41 = tpu.memref_slice %arg14[%dma_start3A_39, %dma_start3A_40] : memref<10000x128xf32, #tpu.memory_space<vmem_shared>> -> memref<10000x128xf32, #tpu.memory_space<vmem_shared>>
        tpu.enqueue_indirect_dma source(%arg12 : memref<160x128xf32, #tpu.memory_space<vmem>>) target(%dma_start3A_41 : memref<10000x128xf32, #tpu.memory_space<vmem_shared>>) offsets(%arg9 : memref<160xi32, #tpu.memory_space<vmem>>) semaphore(%run_scoped3A : memref<!tpu.dma_semaphore, #tpu.memory_space<semaphore_mem>>) {add = true}
        %dma_wait3A_42 = arith.constant 0 : i32
        %dma_wait3A_43 = arith.constant 0 : i32
        %dma_wait3A_44 = tpu.memref_slice %arg14[%dma_wait3A_42, %dma_wait3A_43] : memref<10000x128xf32, #tpu.memory_space<vmem_shared>> -> memref<10000x128xf32, #tpu.memory_space<vmem_shared>>
        tpu.wait_indirect_dma semaphore(%run_scoped3A : memref<!tpu.dma_semaphore, #tpu.memory_space<semaphore_mem>>) src(%arg12 : memref<160x128xf32, #tpu.memory_space<vmem>>) dst(%dma_wait3A_44 : memref<10000x128xf32, #tpu.memory_space<vmem_shared>>)
        tpu.yield
      }) : () -> ()
    } else {
    }
    %eq3A_12 = arith.constant 1 : i32
    %eq3A_13 = arith.cmpi eq, %arg0, %eq3A_12 : i32
    %convert_element_type3A_14 = arith.extui %eq3A_13 : i1 to i32
    %cond3A_15 = arith.constant 0 : i32
    %cond3A_16 = arith.cmpi ne, %convert_element_type3A_14, %cond3A_15 : i32
    scf.if %cond3A_16 {
      %mul3A = arith.constant 20000 : i32
      %mul3A_28 = arith.muli %arg1, %mul3A : i32
      %add3A = arith.constant 0 : i32
      %add3A_29 = arith.addi %mul3A_28, %add3A : i32
      "tpu.region"() ({
        %run_scoped3A = tpu.sem_alloc : memref<!tpu.dma_semaphore, #tpu.memory_space<semaphore_mem>>
        %dma_start3A_39 = tpu.memref_slice %arg4[%add3A_29] : memref<320000xi32, #tpu.memory_space<hbm>> -> memref<160xi32, #tpu.memory_space<hbm>>
        %dma_start3A_40 = tpu.memref_slice %arg4[%add3A_29] : memref<320000xi32, #tpu.memory_space<hbm>> -> memref<160xi32, #tpu.memory_space<hbm>>
        tpu.enqueue_dma source(%dma_start3A_40 : memref<160xi32, #tpu.memory_space<hbm>>) target(%arg8 : memref<160xi32, #tpu.memory_space<vmem>>) target_semaphore(%run_scoped3A : memref<!tpu.dma_semaphore, #tpu.memory_space<semaphore_mem>>)
        %dma_wait3A_41 = tpu.memref_slice %arg4[%add3A_29] : memref<320000xi32, #tpu.memory_space<hbm>> -> memref<160xi32, #tpu.memory_space<hbm>>
        %dma_wait3A_42 = tpu.memref_slice %arg4[%add3A_29] : memref<320000xi32, #tpu.memory_space<hbm>> -> memref<160xi32, #tpu.memory_space<hbm>>
        tpu.wait_dma2 semaphore(%run_scoped3A : memref<!tpu.dma_semaphore, #tpu.memory_space<semaphore_mem>>) src(%dma_wait3A_42 : memref<160xi32, #tpu.memory_space<hbm>>) dst(%arg8 : memref<160xi32, #tpu.memory_space<vmem>>)
        tpu.yield
      }) : () -> ()
      "tpu.region"() ({
        %run_scoped3A = tpu.sem_alloc : memref<!tpu.dma_semaphore, #tpu.memory_space<semaphore_mem>>
        %dma_start3A_39 = tpu.memref_slice %arg5[%add3A_29] : memref<320000xi32, #tpu.memory_space<hbm>> -> memref<160xi32, #tpu.memory_space<hbm>>
        %dma_start3A_40 = tpu.memref_slice %arg5[%add3A_29] : memref<320000xi32, #tpu.memory_space<hbm>> -> memref<160xi32, #tpu.memory_space<hbm>>
        tpu.enqueue_dma source(%dma_start3A_40 : memref<160xi32, #tpu.memory_space<hbm>>) target(%arg9 : memref<160xi32, #tpu.memory_space<vmem>>) target_semaphore(%run_scoped3A : memref<!tpu.dma_semaphore, #tpu.memory_space<semaphore_mem>>)
        %dma_wait3A_41 = tpu.memref_slice %arg5[%add3A_29] : memref<320000xi32, #tpu.memory_space<hbm>> -> memref<160xi32, #tpu.memory_space<hbm>>
        %dma_wait3A_42 = tpu.memref_slice %arg5[%add3A_29] : memref<320000xi32, #tpu.memory_space<hbm>> -> memref<160xi32, #tpu.memory_space<hbm>>
        tpu.wait_dma2 semaphore(%run_scoped3A : memref<!tpu.dma_semaphore, #tpu.memory_space<semaphore_mem>>) src(%dma_wait3A_42 : memref<160xi32, #tpu.memory_space<hbm>>) dst(%arg9 : memref<160xi32, #tpu.memory_space<vmem>>)
        tpu.yield
      }) : () -> ()
      %dma_start3A = arith.constant 0 : i32
      %dma_start3A_30 = arith.constant 0 : i32
      %dma_start3A_31 = tpu.memref_slice %arg3[%dma_start3A, %dma_start3A_30] : memref<10000x128xf32, #tpu.memory_space<hbm>> -> memref<10000x128xf32, #tpu.memory_space<hbm>>
      tpu.enqueue_indirect_dma source(%dma_start3A_31 : memref<10000x128xf32, #tpu.memory_space<hbm>>) target(%arg12 : memref<160x128xf32, #tpu.memory_space<vmem>>) offsets(%arg8 : memref<160xi32, #tpu.memory_space<vmem>>) semaphore(%arg15 : memref<!tpu.dma_semaphore, #tpu.memory_space<semaphore_mem>>)
      %scan3A = arith.constant 0 : i32
      %scan3A_32 = arith.constant 0 : i32
      %scan3A_33 = arith.constant 62 : i32
      %scan3A_34 = arith.addi %scan3A_32, %scan3A_33 : i32
      %scan3A_35 = arith.constant 1 : i32
      scf.for %scan3A_39 = %scan3A_32 to %scan3A_34 step %scan3A_35  : i32 {
        %mul3A_40 = arith.constant 2 : i32
        %mul3A_41 = arith.muli %mul3A_40, %scan3A_39 : i32
        %add3A_42 = arith.constant 1 : i32
        %add3A_43 = arith.addi %mul3A_41, %add3A_42 : i32
        %mul3A_44 = arith.constant 160 : i32
        %mul3A_45 = arith.muli %add3A_43, %mul3A_44 : i32
        %add3A_46 = arith.addi %mul3A_28, %mul3A_45 : i32
        "tpu.region"() ({
          %run_scoped3A = tpu.sem_alloc : memref<!tpu.dma_semaphore, #tpu.memory_space<semaphore_mem>>
          %dma_start3A_64 = tpu.memref_slice %arg4[%add3A_46] : memref<320000xi32, #tpu.memory_space<hbm>> -> memref<160xi32, #tpu.memory_space<hbm>>
          %dma_start3A_65 = tpu.memref_slice %arg4[%add3A_46] : memref<320000xi32, #tpu.memory_space<hbm>> -> memref<160xi32, #tpu.memory_space<hbm>>
          tpu.enqueue_dma source(%dma_start3A_65 : memref<160xi32, #tpu.memory_space<hbm>>) target(%arg10 : memref<160xi32, #tpu.memory_space<vmem>>) target_semaphore(%run_scoped3A : memref<!tpu.dma_semaphore, #tpu.memory_space<semaphore_mem>>)
          %dma_wait3A_66 = tpu.memref_slice %arg4[%add3A_46] : memref<320000xi32, #tpu.memory_space<hbm>> -> memref<160xi32, #tpu.memory_space<hbm>>
          %dma_wait3A_67 = tpu.memref_slice %arg4[%add3A_46] : memref<320000xi32, #tpu.memory_space<hbm>> -> memref<160xi32, #tpu.memory_space<hbm>>
          tpu.wait_dma2 semaphore(%run_scoped3A : memref<!tpu.dma_semaphore, #tpu.memory_space<semaphore_mem>>) src(%dma_wait3A_67 : memref<160xi32, #tpu.memory_space<hbm>>) dst(%arg10 : memref<160xi32, #tpu.memory_space<vmem>>)
          tpu.yield
        }) : () -> ()
        "tpu.region"() ({
          %run_scoped3A = tpu.sem_alloc : memref<!tpu.dma_semaphore, #tpu.memory_space<semaphore_mem>>
          %dma_start3A_64 = tpu.memref_slice %arg5[%add3A_46] : memref<320000xi32, #tpu.memory_space<hbm>> -> memref<160xi32, #tpu.memory_space<hbm>>
          %dma_start3A_65 = tpu.memref_slice %arg5[%add3A_46] : memref<320000xi32, #tpu.memory_space<hbm>> -> memref<160xi32, #tpu.memory_space<hbm>>
          tpu.enqueue_dma source(%dma_start3A_65 : memref<160xi32, #tpu.memory_space<hbm>>) target(%arg11 : memref<160xi32, #tpu.memory_space<vmem>>) target_semaphore(%run_scoped3A : memref<!tpu.dma_semaphore, #tpu.memory_space<semaphore_mem>>)
          %dma_wait3A_66 = tpu.memref_slice %arg5[%add3A_46] : memref<320000xi32, #tpu.memory_space<hbm>> -> memref<160xi32, #tpu.memory_space<hbm>>
          %dma_wait3A_67 = tpu.memref_slice %arg5[%add3A_46] : memref<320000xi32, #tpu.memory_space<hbm>> -> memref<160xi32, #tpu.memory_space<hbm>>
          tpu.wait_dma2 semaphore(%run_scoped3A : memref<!tpu.dma_semaphore, #tpu.memory_space<semaphore_mem>>) src(%dma_wait3A_67 : memref<160xi32, #tpu.memory_space<hbm>>) dst(%arg11 : memref<160xi32, #tpu.memory_space<vmem>>)
          tpu.yield
        }) : () -> ()
        %dma_start3A_47 = arith.constant 0 : i32
        %dma_start3A_48 = arith.constant 0 : i32
        %dma_start3A_49 = tpu.memref_slice %arg3[%dma_start3A_47, %dma_start3A_48] : memref<10000x128xf32, #tpu.memory_space<hbm>> -> memref<10000x128xf32, #tpu.memory_space<hbm>>
        tpu.enqueue_indirect_dma source(%dma_start3A_49 : memref<10000x128xf32, #tpu.memory_space<hbm>>) target(%arg13 : memref<160x128xf32, #tpu.memory_space<vmem>>) offsets(%arg10 : memref<160xi32, #tpu.memory_space<vmem>>) semaphore(%arg16 : memref<!tpu.dma_semaphore, #tpu.memory_space<semaphore_mem>>)
        %dma_wait3A_50 = arith.constant 0 : i32
        %dma_wait3A_51 = arith.constant 0 : i32
        %dma_wait3A_52 = tpu.memref_slice %arg3[%dma_wait3A_50, %dma_wait3A_51] : memref<10000x128xf32, #tpu.memory_space<hbm>> -> memref<10000x128xf32, #tpu.memory_space<hbm>>
        tpu.wait_indirect_dma semaphore(%arg15 : memref<!tpu.dma_semaphore, #tpu.memory_space<semaphore_mem>>) src(%dma_wait3A_52 : memref<10000x128xf32, #tpu.memory_space<hbm>>) dst(%arg12 : memref<160x128xf32, #tpu.memory_space<vmem>>)
        "tpu.region"() ({
          %run_scoped3A = tpu.sem_alloc : memref<!tpu.dma_semaphore, #tpu.memory_space<semaphore_mem>>
          %dma_start3A_64 = arith.constant 0 : i32
          %dma_start3A_65 = arith.constant 0 : i32
          %dma_start3A_66 = tpu.memref_slice %arg14[%dma_start3A_64, %dma_start3A_65] : memref<10000x128xf32, #tpu.memory_space<vmem_shared>> -> memref<10000x128xf32, #tpu.memory_space<vmem_shared>>
          tpu.enqueue_indirect_dma source(%arg12 : memref<160x128xf32, #tpu.memory_space<vmem>>) target(%dma_start3A_66 : memref<10000x128xf32, #tpu.memory_space<vmem_shared>>) offsets(%arg9 : memref<160xi32, #tpu.memory_space<vmem>>) semaphore(%run_scoped3A : memref<!tpu.dma_semaphore, #tpu.memory_space<semaphore_mem>>) {add = true}
          %dma_wait3A_67 = arith.constant 0 : i32
          %dma_wait3A_68 = arith.constant 0 : i32
          %dma_wait3A_69 = tpu.memref_slice %arg14[%dma_wait3A_67, %dma_wait3A_68] : memref<10000x128xf32, #tpu.memory_space<vmem_shared>> -> memref<10000x128xf32, #tpu.memory_space<vmem_shared>>
          tpu.wait_indirect_dma semaphore(%run_scoped3A : memref<!tpu.dma_semaphore, #tpu.memory_space<semaphore_mem>>) src(%arg12 : memref<160x128xf32, #tpu.memory_space<vmem>>) dst(%dma_wait3A_69 : memref<10000x128xf32, #tpu.memory_space<vmem_shared>>)
          tpu.yield
        }) : () -> ()
        %mul3A_53 = arith.constant 2 : i32
        %mul3A_54 = arith.muli %mul3A_53, %scan3A_39 : i32
        %add3A_55 = arith.constant 2 : i32
        %add3A_56 = arith.addi %mul3A_54, %add3A_55 : i32
        %lt3A = arith.constant 125 : i32
        %lt3A_57 = arith.cmpi slt, %add3A_56, %lt3A : i32
        %convert_element_type3A_58 = arith.extui %lt3A_57 : i1 to i32
        %cond3A_59 = arith.constant 0 : i32
        %cond3A_60 = arith.cmpi ne, %convert_element_type3A_58, %cond3A_59 : i32
        scf.if %cond3A_60 {
          %mul3A_64 = arith.constant 2 : i32
          %mul3A_65 = arith.muli %mul3A_64, %scan3A_39 : i32
          %add3A_66 = arith.constant 2 : i32
          %add3A_67 = arith.addi %mul3A_65, %add3A_66 : i32
          %mul3A_68 = arith.constant 160 : i32
          %mul3A_69 = arith.muli %add3A_67, %mul3A_68 : i32
          %add3A_70 = arith.addi %mul3A_28, %mul3A_69 : i32
          "tpu.region"() ({
            %run_scoped3A = tpu.sem_alloc : memref<!tpu.dma_semaphore, #tpu.memory_space<semaphore_mem>>
            %dma_start3A_74 = tpu.memref_slice %arg4[%add3A_70] : memref<320000xi32, #tpu.memory_space<hbm>> -> memref<160xi32, #tpu.memory_space<hbm>>
            %dma_start3A_75 = tpu.memref_slice %arg4[%add3A_70] : memref<320000xi32, #tpu.memory_space<hbm>> -> memref<160xi32, #tpu.memory_space<hbm>>
            tpu.enqueue_dma source(%dma_start3A_75 : memref<160xi32, #tpu.memory_space<hbm>>) target(%arg8 : memref<160xi32, #tpu.memory_space<vmem>>) target_semaphore(%run_scoped3A : memref<!tpu.dma_semaphore, #tpu.memory_space<semaphore_mem>>)
            %dma_wait3A_76 = tpu.memref_slice %arg4[%add3A_70] : memref<320000xi32, #tpu.memory_space<hbm>> -> memref<160xi32, #tpu.memory_space<hbm>>
            %dma_wait3A_77 = tpu.memref_slice %arg4[%add3A_70] : memref<320000xi32, #tpu.memory_space<hbm>> -> memref<160xi32, #tpu.memory_space<hbm>>
            tpu.wait_dma2 semaphore(%run_scoped3A : memref<!tpu.dma_semaphore, #tpu.memory_space<semaphore_mem>>) src(%dma_wait3A_77 : memref<160xi32, #tpu.memory_space<hbm>>) dst(%arg8 : memref<160xi32, #tpu.memory_space<vmem>>)
            tpu.yield
          }) : () -> ()
          "tpu.region"() ({
            %run_scoped3A = tpu.sem_alloc : memref<!tpu.dma_semaphore, #tpu.memory_space<semaphore_mem>>
            %dma_start3A_74 = tpu.memref_slice %arg5[%add3A_70] : memref<320000xi32, #tpu.memory_space<hbm>> -> memref<160xi32, #tpu.memory_space<hbm>>
            %dma_start3A_75 = tpu.memref_slice %arg5[%add3A_70] : memref<320000xi32, #tpu.memory_space<hbm>> -> memref<160xi32, #tpu.memory_space<hbm>>
            tpu.enqueue_dma source(%dma_start3A_75 : memref<160xi32, #tpu.memory_space<hbm>>) target(%arg9 : memref<160xi32, #tpu.memory_space<vmem>>) target_semaphore(%run_scoped3A : memref<!tpu.dma_semaphore, #tpu.memory_space<semaphore_mem>>)
            %dma_wait3A_76 = tpu.memref_slice %arg5[%add3A_70] : memref<320000xi32, #tpu.memory_space<hbm>> -> memref<160xi32, #tpu.memory_space<hbm>>
            %dma_wait3A_77 = tpu.memref_slice %arg5[%add3A_70] : memref<320000xi32, #tpu.memory_space<hbm>> -> memref<160xi32, #tpu.memory_space<hbm>>
            tpu.wait_dma2 semaphore(%run_scoped3A : memref<!tpu.dma_semaphore, #tpu.memory_space<semaphore_mem>>) src(%dma_wait3A_77 : memref<160xi32, #tpu.memory_space<hbm>>) dst(%arg9 : memref<160xi32, #tpu.memory_space<vmem>>)
            tpu.yield
          }) : () -> ()
          %dma_start3A_71 = arith.constant 0 : i32
          %dma_start3A_72 = arith.constant 0 : i32
          %dma_start3A_73 = tpu.memref_slice %arg3[%dma_start3A_71, %dma_start3A_72] : memref<10000x128xf32, #tpu.memory_space<hbm>> -> memref<10000x128xf32, #tpu.memory_space<hbm>>
          tpu.enqueue_indirect_dma source(%dma_start3A_73 : memref<10000x128xf32, #tpu.memory_space<hbm>>) target(%arg12 : memref<160x128xf32, #tpu.memory_space<vmem>>) offsets(%arg8 : memref<160xi32, #tpu.memory_space<vmem>>) semaphore(%arg15 : memref<!tpu.dma_semaphore, #tpu.memory_space<semaphore_mem>>)
        } else {
        }
        %dma_wait3A_61 = arith.constant 0 : i32
        %dma_wait3A_62 = arith.constant 0 : i32
        %dma_wait3A_63 = tpu.memref_slice %arg3[%dma_wait3A_61, %dma_wait3A_62] : memref<10000x128xf32, #tpu.memory_space<hbm>> -> memref<10000x128xf32, #tpu.memory_space<hbm>>
        tpu.wait_indirect_dma semaphore(%arg16 : memref<!tpu.dma_semaphore, #tpu.memory_space<semaphore_mem>>) src(%dma_wait3A_63 : memref<10000x128xf32, #tpu.memory_space<hbm>>) dst(%arg13 : memref<160x128xf32, #tpu.memory_space<vmem>>)
        "tpu.region"() ({
          %run_scoped3A = tpu.sem_alloc : memref<!tpu.dma_semaphore, #tpu.memory_space<semaphore_mem>>
          %dma_start3A_64 = arith.constant 0 : i32
          %dma_start3A_65 = arith.constant 0 : i32
          %dma_start3A_66 = tpu.memref_slice %arg14[%dma_start3A_64, %dma_start3A_65] : memref<10000x128xf32, #tpu.memory_space<vmem_shared>> -> memref<10000x128xf32, #tpu.memory_space<vmem_shared>>
          tpu.enqueue_indirect_dma source(%arg13 : memref<160x128xf32, #tpu.memory_space<vmem>>) target(%dma_start3A_66 : memref<10000x128xf32, #tpu.memory_space<vmem_shared>>) offsets(%arg11 : memref<160xi32, #tpu.memory_space<vmem>>) semaphore(%run_scoped3A : memref<!tpu.dma_semaphore, #tpu.memory_space<semaphore_mem>>) {add = true}
          %dma_wait3A_67 = arith.constant 0 : i32
          %dma_wait3A_68 = arith.constant 0 : i32
          %dma_wait3A_69 = tpu.memref_slice %arg14[%dma_wait3A_67, %dma_wait3A_68] : memref<10000x128xf32, #tpu.memory_space<vmem_shared>> -> memref<10000x128xf32, #tpu.memory_space<vmem_shared>>
          tpu.wait_indirect_dma semaphore(%run_scoped3A : memref<!tpu.dma_semaphore, #tpu.memory_space<semaphore_mem>>) src(%arg13 : memref<160x128xf32, #tpu.memory_space<vmem>>) dst(%dma_wait3A_69 : memref<10000x128xf32, #tpu.memory_space<vmem_shared>>)
          tpu.yield
        }) : () -> ()
      }
      %scan3A_36 = arith.constant 62 : i32
      %dma_wait3A = arith.constant 0 : i32
      %dma_wait3A_37 = arith.constant 0 : i32
      %dma_wait3A_38 = tpu.memref_slice %arg3[%dma_wait3A, %dma_wait3A_37] : memref<10000x128xf32, #tpu.memory_space<hbm>> -> memref<10000x128xf32, #tpu.memory_space<hbm>>
      tpu.wait_indirect_dma semaphore(%arg15 : memref<!tpu.dma_semaphore, #tpu.memory_space<semaphore_mem>>) src(%dma_wait3A_38 : memref<10000x128xf32, #tpu.memory_space<hbm>>) dst(%arg12 : memref<160x128xf32, #tpu.memory_space<vmem>>)
      "tpu.region"() ({
        %run_scoped3A = tpu.sem_alloc : memref<!tpu.dma_semaphore, #tpu.memory_space<semaphore_mem>>
        %dma_start3A_39 = arith.constant 0 : i32
        %dma_start3A_40 = arith.constant 0 : i32
        %dma_start3A_41 = tpu.memref_slice %arg14[%dma_start3A_39, %dma_start3A_40] : memref<10000x128xf32, #tpu.memory_space<vmem_shared>> -> memref<10000x128xf32, #tpu.memory_space<vmem_shared>>
        tpu.enqueue_indirect_dma source(%arg12 : memref<160x128xf32, #tpu.memory_space<vmem>>) target(%dma_start3A_41 : memref<10000x128xf32, #tpu.memory_space<vmem_shared>>) offsets(%arg9 : memref<160xi32, #tpu.memory_space<vmem>>) semaphore(%run_scoped3A : memref<!tpu.dma_semaphore, #tpu.memory_space<semaphore_mem>>) {add = true}
        %dma_wait3A_42 = arith.constant 0 : i32
        %dma_wait3A_43 = arith.constant 0 : i32
        %dma_wait3A_44 = tpu.memref_slice %arg14[%dma_wait3A_42, %dma_wait3A_43] : memref<10000x128xf32, #tpu.memory_space<vmem_shared>> -> memref<10000x128xf32, #tpu.memory_space<vmem_shared>>
        tpu.wait_indirect_dma semaphore(%run_scoped3A : memref<!tpu.dma_semaphore, #tpu.memory_space<semaphore_mem>>) src(%arg12 : memref<160x128xf32, #tpu.memory_space<vmem>>) dst(%dma_wait3A_44 : memref<10000x128xf32, #tpu.memory_space<vmem_shared>>)
        tpu.yield
      }) : () -> ()
    } else {
    }
    %barrier3A_17 = arith.constant 0 : index
    tpu.barrier barrier_id(%barrier3A_17)
    %eq3A_18 = arith.constant 0 : i32
    %eq3A_19 = arith.cmpi eq, %arg0, %eq3A_18 : i32
    %convert_element_type3A_20 = arith.extui %eq3A_19 : i1 to i32
    %cond3A_21 = arith.constant 0 : i32
    %cond3A_22 = arith.cmpi ne, %convert_element_type3A_20, %cond3A_21 : i32
    scf.if %cond3A_22 {
      %mul3A = arith.constant 624 : i32
      %mul3A_28 = arith.muli %arg1, %mul3A : i32
      %multiple_of3A = tpu.assume_multiple %mul3A_28, 8 : i32
      %lt3A = arith.constant 15 : i32
      %lt3A_29 = arith.cmpi slt, %arg1, %lt3A : i32
      %convert_element_type3A_30 = arith.extui %lt3A_29 : i1 to i32
      %cond3A_31 = arith.constant 0 : i32
      %cond3A_32 = arith.cmpi ne, %convert_element_type3A_30, %cond3A_31 : i32
      scf.if %cond3A_32 {
        "tpu.region"() ({
          %run_scoped3A = tpu.sem_alloc : memref<!tpu.dma_semaphore, #tpu.memory_space<semaphore_mem>>
          %dma_start3A = arith.constant 0 : i32
          %dma_start3A_38 = tpu.memref_slice %arg6[%multiple_of3A, %dma_start3A] : memref<10000x128xf32, #tpu.memory_space<hbm>> -> memref<624x128xf32, #tpu.memory_space<hbm>>
          %dma_start3A_39 = arith.constant 0 : i32
          %dma_start3A_40 = tpu.memref_slice %arg14[%multiple_of3A, %dma_start3A_39] : memref<10000x128xf32, #tpu.memory_space<vmem_shared>> -> memref<624x128xf32, #tpu.memory_space<vmem_shared>>
          tpu.enqueue_dma source(%dma_start3A_40 : memref<624x128xf32, #tpu.memory_space<vmem_shared>>) target(%dma_start3A_38 : memref<624x128xf32, #tpu.memory_space<hbm>>) target_semaphore(%run_scoped3A : memref<!tpu.dma_semaphore, #tpu.memory_space<semaphore_mem>>)
          %dma_wait3A = arith.constant 0 : i32
          %dma_wait3A_41 = tpu.memref_slice %arg6[%multiple_of3A, %dma_wait3A] : memref<10000x128xf32, #tpu.memory_space<hbm>> -> memref<624x128xf32, #tpu.memory_space<hbm>>
          %dma_wait3A_42 = arith.constant 0 : i32
          %dma_wait3A_43 = tpu.memref_slice %arg14[%multiple_of3A, %dma_wait3A_42] : memref<10000x128xf32, #tpu.memory_space<vmem_shared>> -> memref<624x128xf32, #tpu.memory_space<vmem_shared>>
          tpu.wait_dma2 semaphore(%run_scoped3A : memref<!tpu.dma_semaphore, #tpu.memory_space<semaphore_mem>>) src(%dma_wait3A_43 : memref<624x128xf32, #tpu.memory_space<vmem_shared>>) dst(%dma_wait3A_41 : memref<624x128xf32, #tpu.memory_space<hbm>>)
          tpu.yield
        }) : () -> ()
      } else {
      }
      %eq3A_33 = arith.constant 15 : i32
      %eq3A_34 = arith.cmpi eq, %arg1, %eq3A_33 : i32
      %convert_element_type3A_35 = arith.extui %eq3A_34 : i1 to i32
      %cond3A_36 = arith.constant 0 : i32
      %cond3A_37 = arith.cmpi ne, %convert_element_type3A_35, %cond3A_36 : i32
      scf.if %cond3A_37 {
        "tpu.region"() ({
          %run_scoped3A = tpu.sem_alloc : memref<!tpu.dma_semaphore, #tpu.memory_space<semaphore_mem>>
          %dma_start3A = arith.constant 9360 : i32
          %dma_start3A_38 = arith.constant 0 : i32
          %dma_start3A_39 = tpu.memref_slice %arg6[%dma_start3A, %dma_start3A_38] : memref<10000x128xf32, #tpu.memory_space<hbm>> -> memref<640x128xf32, #tpu.memory_space<hbm>>
          %dma_start3A_40 = arith.constant 9360 : i32
          %dma_start3A_41 = arith.constant 0 : i32
          %dma_start3A_42 = tpu.memref_slice %arg14[%dma_start3A_40, %dma_start3A_41] : memref<10000x128xf32, #tpu.memory_space<vmem_shared>> -> memref<640x128xf32, #tpu.memory_space<vmem_shared>>
          tpu.enqueue_dma source(%dma_start3A_42 : memref<640x128xf32, #tpu.memory_space<vmem_shared>>) target(%dma_start3A_39 : memref<640x128xf32, #tpu.memory_space<hbm>>) target_semaphore(%run_scoped3A : memref<!tpu.dma_semaphore, #tpu.memory_space<semaphore_mem>>)
          %dma_wait3A = arith.constant 9360 : i32
          %dma_wait3A_43 = arith.constant 0 : i32
          %dma_wait3A_44 = tpu.memref_slice %arg6[%dma_wait3A, %dma_wait3A_43] : memref<10000x128xf32, #tpu.memory_space<hbm>> -> memref<640x128xf32, #tpu.memory_space<hbm>>
          %dma_wait3A_45 = arith.constant 9360 : i32
          %dma_wait3A_46 = arith.constant 0 : i32
          %dma_wait3A_47 = tpu.memref_slice %arg14[%dma_wait3A_45, %dma_wait3A_46] : memref<10000x128xf32, #tpu.memory_space<vmem_shared>> -> memref<640x128xf32, #tpu.memory_space<vmem_shared>>
          tpu.wait_dma2 semaphore(%run_scoped3A : memref<!tpu.dma_semaphore, #tpu.memory_space<semaphore_mem>>) src(%dma_wait3A_47 : memref<640x128xf32, #tpu.memory_space<vmem_shared>>) dst(%dma_wait3A_44 : memref<640x128xf32, #tpu.memory_space<hbm>>)
          tpu.yield
        }) : () -> ()
      } else {
      }
    } else {
    }
    %eq3A_23 = arith.constant 1 : i32
    %eq3A_24 = arith.cmpi eq, %arg0, %eq3A_23 : i32
    %convert_element_type3A_25 = arith.extui %eq3A_24 : i1 to i32
    %cond3A_26 = arith.constant 0 : i32
    %cond3A_27 = arith.cmpi ne, %convert_element_type3A_25, %cond3A_26 : i32
    scf.if %cond3A_27 {
      %mul3A = arith.constant 624 : i32
      %mul3A_28 = arith.muli %arg1, %mul3A : i32
      %multiple_of3A = tpu.assume_multiple %mul3A_28, 8 : i32
      %lt3A = arith.constant 15 : i32
      %lt3A_29 = arith.cmpi slt, %arg1, %lt3A : i32
      %convert_element_type3A_30 = arith.extui %lt3A_29 : i1 to i32
      %cond3A_31 = arith.constant 0 : i32
      %cond3A_32 = arith.cmpi ne, %convert_element_type3A_30, %cond3A_31 : i32
      scf.if %cond3A_32 {
        "tpu.region"() ({
          %run_scoped3A = tpu.sem_alloc : memref<!tpu.dma_semaphore, #tpu.memory_space<semaphore_mem>>
          %dma_start3A = arith.constant 0 : i32
          %dma_start3A_38 = tpu.memref_slice %arg7[%multiple_of3A, %dma_start3A] : memref<10000x128xf32, #tpu.memory_space<hbm>> -> memref<624x128xf32, #tpu.memory_space<hbm>>
          %dma_start3A_39 = arith.constant 0 : i32
          %dma_start3A_40 = tpu.memref_slice %arg14[%multiple_of3A, %dma_start3A_39] : memref<10000x128xf32, #tpu.memory_space<vmem_shared>> -> memref<624x128xf32, #tpu.memory_space<vmem_shared>>
          tpu.enqueue_dma source(%dma_start3A_40 : memref<624x128xf32, #tpu.memory_space<vmem_shared>>) target(%dma_start3A_38 : memref<624x128xf32, #tpu.memory_space<hbm>>) target_semaphore(%run_scoped3A : memref<!tpu.dma_semaphore, #tpu.memory_space<semaphore_mem>>)
          %dma_wait3A = arith.constant 0 : i32
          %dma_wait3A_41 = tpu.memref_slice %arg7[%multiple_of3A, %dma_wait3A] : memref<10000x128xf32, #tpu.memory_space<hbm>> -> memref<624x128xf32, #tpu.memory_space<hbm>>
          %dma_wait3A_42 = arith.constant 0 : i32
          %dma_wait3A_43 = tpu.memref_slice %arg14[%multiple_of3A, %dma_wait3A_42] : memref<10000x128xf32, #tpu.memory_space<vmem_shared>> -> memref<624x128xf32, #tpu.memory_space<vmem_shared>>
          tpu.wait_dma2 semaphore(%run_scoped3A : memref<!tpu.dma_semaphore, #tpu.memory_space<semaphore_mem>>) src(%dma_wait3A_43 : memref<624x128xf32, #tpu.memory_space<vmem_shared>>) dst(%dma_wait3A_41 : memref<624x128xf32, #tpu.memory_space<hbm>>)
          tpu.yield
        }) : () -> ()
      } else {
      }
      %eq3A_33 = arith.constant 15 : i32
      %eq3A_34 = arith.cmpi eq, %arg1, %eq3A_33 : i32
      %convert_element_type3A_35 = arith.extui %eq3A_34 : i1 to i32
      %cond3A_36 = arith.constant 0 : i32
      %cond3A_37 = arith.cmpi ne, %convert_element_type3A_35, %cond3A_36 : i32
      scf.if %cond3A_37 {
        "tpu.region"() ({
          %run_scoped3A = tpu.sem_alloc : memref<!tpu.dma_semaphore, #tpu.memory_space<semaphore_mem>>
          %dma_start3A = arith.constant 9360 : i32
          %dma_start3A_38 = arith.constant 0 : i32
          %dma_start3A_39 = tpu.memref_slice %arg7[%dma_start3A, %dma_start3A_38] : memref<10000x128xf32, #tpu.memory_space<hbm>> -> memref<640x128xf32, #tpu.memory_space<hbm>>
          %dma_start3A_40 = arith.constant 9360 : i32
          %dma_start3A_41 = arith.constant 0 : i32
          %dma_start3A_42 = tpu.memref_slice %arg14[%dma_start3A_40, %dma_start3A_41] : memref<10000x128xf32, #tpu.memory_space<vmem_shared>> -> memref<640x128xf32, #tpu.memory_space<vmem_shared>>
          tpu.enqueue_dma source(%dma_start3A_42 : memref<640x128xf32, #tpu.memory_space<vmem_shared>>) target(%dma_start3A_39 : memref<640x128xf32, #tpu.memory_space<hbm>>) target_semaphore(%run_scoped3A : memref<!tpu.dma_semaphore, #tpu.memory_space<semaphore_mem>>)
          %dma_wait3A = arith.constant 9360 : i32
          %dma_wait3A_43 = arith.constant 0 : i32
          %dma_wait3A_44 = tpu.memref_slice %arg7[%dma_wait3A, %dma_wait3A_43] : memref<10000x128xf32, #tpu.memory_space<hbm>> -> memref<640x128xf32, #tpu.memory_space<hbm>>
          %dma_wait3A_45 = arith.constant 9360 : i32
          %dma_wait3A_46 = arith.constant 0 : i32
          %dma_wait3A_47 = tpu.memref_slice %arg14[%dma_wait3A_45, %dma_wait3A_46] : memref<10000x128xf32, #tpu.memory_space<vmem_shared>> -> memref<640x128xf32, #tpu.memory_space<vmem_shared>>
          tpu.wait_dma2 semaphore(%run_scoped3A : memref<!tpu.dma_semaphore, #tpu.memory_space<semaphore_mem>>) src(%dma_wait3A_47 : memref<640x128xf32, #tpu.memory_space<vmem_shared>>) dst(%dma_wait3A_44 : memref<640x128xf32, #tpu.memory_space<hbm>>)
          tpu.yield
        }) : () -> ()
      } else {
      }
    } else {
    }
    return
  }
}

#map = affine_map<(d0, d1) -> (0, 0)>
#map1 = affine_map<(d0, d1) -> (0)>
module attributes {stable_mosaic.version = 14 : i64} {
  func.func @_k7_body(%arg0: i32, %arg1: i32, %arg2: memref<10000x128xf32, #tpu.memory_space<hbm>>, %arg3: memref<320000xi32, #tpu.memory_space<hbm>>, %arg4: memref<320000xi32, #tpu.memory_space<hbm>>, %arg5: memref<320000xf32, #tpu.memory_space<hbm>>, %arg6: memref<200xi32, #tpu.memory_space<vmem>>, %arg7: memref<200xi32, #tpu.memory_space<vmem>>, %arg8: memref<200xi32, #tpu.memory_space<vmem>>, %arg9: memref<200xi32, #tpu.memory_space<vmem>>, %arg10: memref<200x128xf32, #tpu.memory_space<vmem>>, %arg11: memref<200x128xf32, #tpu.memory_space<vmem>>, %arg12: memref<200x128xf32, #tpu.memory_space<vmem>>, %arg13: memref<200x128xf32, #tpu.memory_space<vmem>>, %arg14: memref<3216xf32, #tpu.memory_space<vmem>>, %arg15: memref<216xf32, #tpu.memory_space<vmem>>, %arg16: memref<!tpu.dma_semaphore, #tpu.memory_space<semaphore_mem>>, %arg17: memref<!tpu.dma_semaphore, #tpu.memory_space<semaphore_mem>>, %arg18: memref<!tpu.dma_semaphore, #tpu.memory_space<semaphore_mem>>, %arg19: memref<!tpu.dma_semaphore, #tpu.memory_space<semaphore_mem>>) attributes {dimension_semantics = [#tpu.dimension_semantics<core_parallel>, #tpu.dimension_semantics<subcore_parallel>], iteration_bounds = array<i64: 2, 16>, scalar_prefetch = 0 : i64, scratch_operands = 14 : i64, tpu.core_type = #tpu.core_type<sc_vector_subcore>, window_params = [{transform_indices = #map}, {transform_indices = #map1}, {transform_indices = #map1}, {transform_indices = #map1}]} {
    %mul3A = arith.constant 2 : i32
    %mul3A_0 = arith.muli %arg1, %mul3A : i32
    %add3A = arith.addi %mul3A_0, %arg0 : i32
    %mul3A_1 = arith.constant 10000 : i32
    %mul3A_2 = arith.muli %add3A, %mul3A_1 : i32
    %iota3A = tpu.iota {dimensions = array<i32: 0>} : vector<16xi32>
    %add3A_3 = arith.constant 0 : i32
    %add3A_4 = arith.addi %mul3A_2, %add3A_3 : i32
    "tpu.region"() ({
      %run_scoped3A = tpu.sem_alloc : memref<!tpu.dma_semaphore, #tpu.memory_space<semaphore_mem>>
      %dma_start3A_15 = tpu.memref_slice %arg3[%add3A_4] : memref<320000xi32, #tpu.memory_space<hbm>> -> memref<200xi32, #tpu.memory_space<hbm>>
      %dma_start3A_16 = tpu.memref_slice %arg3[%add3A_4] : memref<320000xi32, #tpu.memory_space<hbm>> -> memref<200xi32, #tpu.memory_space<hbm>>
      tpu.enqueue_dma source(%dma_start3A_16 : memref<200xi32, #tpu.memory_space<hbm>>) target(%arg6 : memref<200xi32, #tpu.memory_space<vmem>>) target_semaphore(%run_scoped3A : memref<!tpu.dma_semaphore, #tpu.memory_space<semaphore_mem>>)
      %dma_wait3A = tpu.memref_slice %arg3[%add3A_4] : memref<320000xi32, #tpu.memory_space<hbm>> -> memref<200xi32, #tpu.memory_space<hbm>>
      %dma_wait3A_17 = tpu.memref_slice %arg3[%add3A_4] : memref<320000xi32, #tpu.memory_space<hbm>> -> memref<200xi32, #tpu.memory_space<hbm>>
      tpu.wait_dma2 semaphore(%run_scoped3A : memref<!tpu.dma_semaphore, #tpu.memory_space<semaphore_mem>>) src(%dma_wait3A_17 : memref<200xi32, #tpu.memory_space<hbm>>) dst(%arg6 : memref<200xi32, #tpu.memory_space<vmem>>)
      tpu.yield
    }) : () -> ()
    "tpu.region"() ({
      %run_scoped3A = tpu.sem_alloc : memref<!tpu.dma_semaphore, #tpu.memory_space<semaphore_mem>>
      %dma_start3A_15 = tpu.memref_slice %arg4[%add3A_4] : memref<320000xi32, #tpu.memory_space<hbm>> -> memref<200xi32, #tpu.memory_space<hbm>>
      %dma_start3A_16 = tpu.memref_slice %arg4[%add3A_4] : memref<320000xi32, #tpu.memory_space<hbm>> -> memref<200xi32, #tpu.memory_space<hbm>>
      tpu.enqueue_dma source(%dma_start3A_16 : memref<200xi32, #tpu.memory_space<hbm>>) target(%arg7 : memref<200xi32, #tpu.memory_space<vmem>>) target_semaphore(%run_scoped3A : memref<!tpu.dma_semaphore, #tpu.memory_space<semaphore_mem>>)
      %dma_wait3A = tpu.memref_slice %arg4[%add3A_4] : memref<320000xi32, #tpu.memory_space<hbm>> -> memref<200xi32, #tpu.memory_space<hbm>>
      %dma_wait3A_17 = tpu.memref_slice %arg4[%add3A_4] : memref<320000xi32, #tpu.memory_space<hbm>> -> memref<200xi32, #tpu.memory_space<hbm>>
      tpu.wait_dma2 semaphore(%run_scoped3A : memref<!tpu.dma_semaphore, #tpu.memory_space<semaphore_mem>>) src(%dma_wait3A_17 : memref<200xi32, #tpu.memory_space<hbm>>) dst(%arg7 : memref<200xi32, #tpu.memory_space<vmem>>)
      tpu.yield
    }) : () -> ()
    %dma_start3A = arith.constant 0 : i32
    %dma_start3A_5 = arith.constant 0 : i32
    %dma_start3A_6 = tpu.memref_slice %arg2[%dma_start3A, %dma_start3A_5] : memref<10000x128xf32, #tpu.memory_space<hbm>> -> memref<10000x128xf32, #tpu.memory_space<hbm>>
    tpu.enqueue_indirect_dma source(%dma_start3A_6 : memref<10000x128xf32, #tpu.memory_space<hbm>>) target(%arg10 : memref<200x128xf32, #tpu.memory_space<vmem>>) offsets(%arg6 : memref<200xi32, #tpu.memory_space<vmem>>) semaphore(%arg16 : memref<!tpu.dma_semaphore, #tpu.memory_space<semaphore_mem>>)
    %dma_start3A_7 = arith.constant 0 : i32
    %dma_start3A_8 = arith.constant 0 : i32
    %dma_start3A_9 = tpu.memref_slice %arg2[%dma_start3A_7, %dma_start3A_8] : memref<10000x128xf32, #tpu.memory_space<hbm>> -> memref<10000x128xf32, #tpu.memory_space<hbm>>
    tpu.enqueue_indirect_dma source(%dma_start3A_9 : memref<10000x128xf32, #tpu.memory_space<hbm>>) target(%arg11 : memref<200x128xf32, #tpu.memory_space<vmem>>) offsets(%arg7 : memref<200xi32, #tpu.memory_space<vmem>>) semaphore(%arg17 : memref<!tpu.dma_semaphore, #tpu.memory_space<semaphore_mem>>)
    %scan3A = arith.constant 0 : i32
    %scan3A_10 = arith.constant 0 : i32
    %scan3A_11 = arith.constant 25 : i32
    %scan3A_12 = arith.addi %scan3A_10, %scan3A_11 : i32
    %scan3A_13 = arith.constant 1 : i32
    scf.for %scan3A_15 = %scan3A_10 to %scan3A_12 step %scan3A_13  : i32 {
      %mul3A_16 = arith.constant 2 : i32
      %mul3A_17 = arith.muli %mul3A_16, %scan3A_15 : i32
      %add3A_18 = arith.constant 1 : i32
      %add3A_19 = arith.addi %mul3A_17, %add3A_18 : i32
      %mul3A_20 = arith.constant 200 : i32
      %mul3A_21 = arith.muli %add3A_19, %mul3A_20 : i32
      %add3A_22 = arith.addi %mul3A_2, %mul3A_21 : i32
      "tpu.region"() ({
        %run_scoped3A = tpu.sem_alloc : memref<!tpu.dma_semaphore, #tpu.memory_space<semaphore_mem>>
        %dma_start3A_75 = tpu.memref_slice %arg3[%add3A_22] : memref<320000xi32, #tpu.memory_space<hbm>> -> memref<200xi32, #tpu.memory_space<hbm>>
        %dma_start3A_76 = tpu.memref_slice %arg3[%add3A_22] : memref<320000xi32, #tpu.memory_space<hbm>> -> memref<200xi32, #tpu.memory_space<hbm>>
        tpu.enqueue_dma source(%dma_start3A_76 : memref<200xi32, #tpu.memory_space<hbm>>) target(%arg8 : memref<200xi32, #tpu.memory_space<vmem>>) target_semaphore(%run_scoped3A : memref<!tpu.dma_semaphore, #tpu.memory_space<semaphore_mem>>)
        %dma_wait3A_77 = tpu.memref_slice %arg3[%add3A_22] : memref<320000xi32, #tpu.memory_space<hbm>> -> memref<200xi32, #tpu.memory_space<hbm>>
        %dma_wait3A_78 = tpu.memref_slice %arg3[%add3A_22] : memref<320000xi32, #tpu.memory_space<hbm>> -> memref<200xi32, #tpu.memory_space<hbm>>
        tpu.wait_dma2 semaphore(%run_scoped3A : memref<!tpu.dma_semaphore, #tpu.memory_space<semaphore_mem>>) src(%dma_wait3A_78 : memref<200xi32, #tpu.memory_space<hbm>>) dst(%arg8 : memref<200xi32, #tpu.memory_space<vmem>>)
        tpu.yield
      }) : () -> ()
      "tpu.region"() ({
        %run_scoped3A = tpu.sem_alloc : memref<!tpu.dma_semaphore, #tpu.memory_space<semaphore_mem>>
        %dma_start3A_75 = tpu.memref_slice %arg4[%add3A_22] : memref<320000xi32, #tpu.memory_space<hbm>> -> memref<200xi32, #tpu.memory_space<hbm>>
        %dma_start3A_76 = tpu.memref_slice %arg4[%add3A_22] : memref<320000xi32, #tpu.memory_space<hbm>> -> memref<200xi32, #tpu.memory_space<hbm>>
        tpu.enqueue_dma source(%dma_start3A_76 : memref<200xi32, #tpu.memory_space<hbm>>) target(%arg9 : memref<200xi32, #tpu.memory_space<vmem>>) target_semaphore(%run_scoped3A : memref<!tpu.dma_semaphore, #tpu.memory_space<semaphore_mem>>)
        %dma_wait3A_77 = tpu.memref_slice %arg4[%add3A_22] : memref<320000xi32, #tpu.memory_space<hbm>> -> memref<200xi32, #tpu.memory_space<hbm>>
        %dma_wait3A_78 = tpu.memref_slice %arg4[%add3A_22] : memref<320000xi32, #tpu.memory_space<hbm>> -> memref<200xi32, #tpu.memory_space<hbm>>
        tpu.wait_dma2 semaphore(%run_scoped3A : memref<!tpu.dma_semaphore, #tpu.memory_space<semaphore_mem>>) src(%dma_wait3A_78 : memref<200xi32, #tpu.memory_space<hbm>>) dst(%arg9 : memref<200xi32, #tpu.memory_space<vmem>>)
        tpu.yield
      }) : () -> ()
      %dma_start3A_23 = arith.constant 0 : i32
      %dma_start3A_24 = arith.constant 0 : i32
      %dma_start3A_25 = tpu.memref_slice %arg2[%dma_start3A_23, %dma_start3A_24] : memref<10000x128xf32, #tpu.memory_space<hbm>> -> memref<10000x128xf32, #tpu.memory_space<hbm>>
      tpu.enqueue_indirect_dma source(%dma_start3A_25 : memref<10000x128xf32, #tpu.memory_space<hbm>>) target(%arg12 : memref<200x128xf32, #tpu.memory_space<vmem>>) offsets(%arg8 : memref<200xi32, #tpu.memory_space<vmem>>) semaphore(%arg18 : memref<!tpu.dma_semaphore, #tpu.memory_space<semaphore_mem>>)
      %dma_start3A_26 = arith.constant 0 : i32
      %dma_start3A_27 = arith.constant 0 : i32
      %dma_start3A_28 = tpu.memref_slice %arg2[%dma_start3A_26, %dma_start3A_27] : memref<10000x128xf32, #tpu.memory_space<hbm>> -> memref<10000x128xf32, #tpu.memory_space<hbm>>
      tpu.enqueue_indirect_dma source(%dma_start3A_28 : memref<10000x128xf32, #tpu.memory_space<hbm>>) target(%arg13 : memref<200x128xf32, #tpu.memory_space<vmem>>) offsets(%arg9 : memref<200xi32, #tpu.memory_space<vmem>>) semaphore(%arg19 : memref<!tpu.dma_semaphore, #tpu.memory_space<semaphore_mem>>)
      %mul3A_29 = arith.constant 2 : i32
      %mul3A_30 = arith.muli %mul3A_29, %scan3A_15 : i32
      %mul3A_31 = arith.constant 200 : i32
      %mul3A_32 = arith.muli %mul3A_30, %mul3A_31 : i32
      %add3A_33 = arith.addi %mul3A_2, %mul3A_32 : i32
      %dma_wait3A = arith.constant 0 : i32
      %dma_wait3A_34 = arith.constant 0 : i32
      %dma_wait3A_35 = tpu.memref_slice %arg2[%dma_wait3A, %dma_wait3A_34] : memref<10000x128xf32, #tpu.memory_space<hbm>> -> memref<10000x128xf32, #tpu.memory_space<hbm>>
      tpu.wait_indirect_dma semaphore(%arg16 : memref<!tpu.dma_semaphore, #tpu.memory_space<semaphore_mem>>) src(%dma_wait3A_35 : memref<10000x128xf32, #tpu.memory_space<hbm>>) dst(%arg10 : memref<200x128xf32, #tpu.memory_space<vmem>>)
      %dma_wait3A_36 = arith.constant 0 : i32
      %dma_wait3A_37 = arith.constant 0 : i32
      %dma_wait3A_38 = tpu.memref_slice %arg2[%dma_wait3A_36, %dma_wait3A_37] : memref<10000x128xf32, #tpu.memory_space<hbm>> -> memref<10000x128xf32, #tpu.memory_space<hbm>>
      tpu.wait_indirect_dma semaphore(%arg17 : memref<!tpu.dma_semaphore, #tpu.memory_space<semaphore_mem>>) src(%dma_wait3A_38 : memref<10000x128xf32, #tpu.memory_space<hbm>>) dst(%arg11 : memref<200x128xf32, #tpu.memory_space<vmem>>)
      %parallel_loop3A = arith.constant 0 : i32
      %parallel_loop3A_39 = arith.constant 200 : i32
      %parallel_loop3A_40 = arith.constant 1 : i32
      scf.for %parallel_loop3A_75 = %parallel_loop3A to %parallel_loop3A_39 step %parallel_loop3A_40  : i32 {
        %parallel_loop3A_76 = arith.index_cast %parallel_loop3A_75 : i32 to index
        %parallel_loop3A_77 = arith.constant 0 : index
        %parallel_loop3A_78 = tpu.vector_load %arg10[%parallel_loop3A_76, %parallel_loop3A_77] {strides = array<i32>} : memref<200x128xf32, #tpu.memory_space<vmem>>, vector<16xf32>,
        %parallel_loop3A_79 = arith.index_cast %parallel_loop3A_75 : i32 to index
        %parallel_loop3A_80 = arith.constant 0 : index
        %parallel_loop3A_81 = tpu.vector_load %arg11[%parallel_loop3A_79, %parallel_loop3A_80] {strides = array<i32>} : memref<200x128xf32, #tpu.memory_space<vmem>>, vector<16xf32>,
        %parallel_loop3A_82 = arith.mulf %parallel_loop3A_78, %parallel_loop3A_81 : vector<16xf32>
        %parallel_loop3A_83 = arith.index_cast %parallel_loop3A_75 : i32 to index
        %parallel_loop3A_84 = arith.constant 16 : index
        %parallel_loop3A_85 = tpu.vector_load %arg10[%parallel_loop3A_83, %parallel_loop3A_84] {strides = array<i32>} : memref<200x128xf32, #tpu.memory_space<vmem>>, vector<16xf32>,
        %parallel_loop3A_86 = arith.index_cast %parallel_loop3A_75 : i32 to index
        %parallel_loop3A_87 = arith.constant 16 : index
        %parallel_loop3A_88 = tpu.vector_load %arg11[%parallel_loop3A_86, %parallel_loop3A_87] {strides = array<i32>} : memref<200x128xf32, #tpu.memory_space<vmem>>, vector<16xf32>,
        %parallel_loop3A_89 = arith.mulf %parallel_loop3A_85, %parallel_loop3A_88 : vector<16xf32>
        %parallel_loop3A_90 = arith.index_cast %parallel_loop3A_75 : i32 to index
        %parallel_loop3A_91 = arith.constant 32 : index
        %parallel_loop3A_92 = tpu.vector_load %arg10[%parallel_loop3A_90, %parallel_loop3A_91] {strides = array<i32>} : memref<200x128xf32, #tpu.memory_space<vmem>>, vector<16xf32>,
        %parallel_loop3A_93 = arith.index_cast %parallel_loop3A_75 : i32 to index
        %parallel_loop3A_94 = arith.constant 32 : index
        %parallel_loop3A_95 = tpu.vector_load %arg11[%parallel_loop3A_93, %parallel_loop3A_94] {strides = array<i32>} : memref<200x128xf32, #tpu.memory_space<vmem>>, vector<16xf32>,
        %parallel_loop3A_96 = arith.mulf %parallel_loop3A_92, %parallel_loop3A_95 : vector<16xf32>
        %parallel_loop3A_97 = arith.index_cast %parallel_loop3A_75 : i32 to index
        %parallel_loop3A_98 = arith.constant 48 : index
        %parallel_loop3A_99 = tpu.vector_load %arg10[%parallel_loop3A_97, %parallel_loop3A_98] {strides = array<i32>} : memref<200x128xf32, #tpu.memory_space<vmem>>, vector<16xf32>,
        %parallel_loop3A_100 = arith.index_cast %parallel_loop3A_75 : i32 to index
        %parallel_loop3A_101 = arith.constant 48 : index
        %parallel_loop3A_102 = tpu.vector_load %arg11[%parallel_loop3A_100, %parallel_loop3A_101] {strides = array<i32>} : memref<200x128xf32, #tpu.memory_space<vmem>>, vector<16xf32>,
        %parallel_loop3A_103 = arith.mulf %parallel_loop3A_99, %parallel_loop3A_102 : vector<16xf32>
        %parallel_loop3A_104 = arith.index_cast %parallel_loop3A_75 : i32 to index
        %parallel_loop3A_105 = arith.constant 64 : index
        %parallel_loop3A_106 = tpu.vector_load %arg10[%parallel_loop3A_104, %parallel_loop3A_105] {strides = array<i32>} : memref<200x128xf32, #tpu.memory_space<vmem>>, vector<16xf32>,
        %parallel_loop3A_107 = arith.index_cast %parallel_loop3A_75 : i32 to index
        %parallel_loop3A_108 = arith.constant 64 : index
        %parallel_loop3A_109 = tpu.vector_load %arg11[%parallel_loop3A_107, %parallel_loop3A_108] {strides = array<i32>} : memref<200x128xf32, #tpu.memory_space<vmem>>, vector<16xf32>,
        %parallel_loop3A_110 = arith.mulf %parallel_loop3A_106, %parallel_loop3A_109 : vector<16xf32>
        %parallel_loop3A_111 = arith.addf %parallel_loop3A_82, %parallel_loop3A_110 : vector<16xf32>
        %parallel_loop3A_112 = arith.index_cast %parallel_loop3A_75 : i32 to index
        %parallel_loop3A_113 = arith.constant 80 : index
        %parallel_loop3A_114 = tpu.vector_load %arg10[%parallel_loop3A_112, %parallel_loop3A_113] {strides = array<i32>} : memref<200x128xf32, #tpu.memory_space<vmem>>, vector<16xf32>,
        %parallel_loop3A_115 = arith.index_cast %parallel_loop3A_75 : i32 to index
        %parallel_loop3A_116 = arith.constant 80 : index
        %parallel_loop3A_117 = tpu.vector_load %arg11[%parallel_loop3A_115, %parallel_loop3A_116] {strides = array<i32>} : memref<200x128xf32, #tpu.memory_space<vmem>>, vector<16xf32>,
        %parallel_loop3A_118 = arith.mulf %parallel_loop3A_114, %parallel_loop3A_117 : vector<16xf32>
        %parallel_loop3A_119 = arith.addf %parallel_loop3A_89, %parallel_loop3A_118 : vector<16xf32>
        %parallel_loop3A_120 = arith.index_cast %parallel_loop3A_75 : i32 to index
        %parallel_loop3A_121 = arith.constant 96 : index
        %parallel_loop3A_122 = tpu.vector_load %arg10[%parallel_loop3A_120, %parallel_loop3A_121] {strides = array<i32>} : memref<200x128xf32, #tpu.memory_space<vmem>>, vector<16xf32>,
        %parallel_loop3A_123 = arith.index_cast %parallel_loop3A_75 : i32 to index
        %parallel_loop3A_124 = arith.constant 96 : index
        %parallel_loop3A_125 = tpu.vector_load %arg11[%parallel_loop3A_123, %parallel_loop3A_124] {strides = array<i32>} : memref<200x128xf32, #tpu.memory_space<vmem>>, vector<16xf32>,
        %parallel_loop3A_126 = arith.mulf %parallel_loop3A_122, %parallel_loop3A_125 : vector<16xf32>
        %parallel_loop3A_127 = arith.addf %parallel_loop3A_96, %parallel_loop3A_126 : vector<16xf32>
        %parallel_loop3A_128 = arith.index_cast %parallel_loop3A_75 : i32 to index
        %parallel_loop3A_129 = arith.constant 112 : index
        %parallel_loop3A_130 = tpu.vector_load %arg10[%parallel_loop3A_128, %parallel_loop3A_129] {strides = array<i32>} : memref<200x128xf32, #tpu.memory_space<vmem>>, vector<16xf32>,
        %parallel_loop3A_131 = arith.index_cast %parallel_loop3A_75 : i32 to index
        %parallel_loop3A_132 = arith.constant 112 : index
        %parallel_loop3A_133 = tpu.vector_load %arg11[%parallel_loop3A_131, %parallel_loop3A_132] {strides = array<i32>} : memref<200x128xf32, #tpu.memory_space<vmem>>, vector<16xf32>,
        %parallel_loop3A_134 = arith.mulf %parallel_loop3A_130, %parallel_loop3A_133 : vector<16xf32>
        %parallel_loop3A_135 = arith.addf %parallel_loop3A_103, %parallel_loop3A_134 : vector<16xf32>
        %parallel_loop3A_136 = arith.addf %parallel_loop3A_111, %parallel_loop3A_119 : vector<16xf32>
        %parallel_loop3A_137 = arith.addf %parallel_loop3A_127, %parallel_loop3A_135 : vector<16xf32>
        %parallel_loop3A_138 = arith.addf %parallel_loop3A_136, %parallel_loop3A_137 : vector<16xf32>
        %parallel_loop3A_139 = arith.constant 200 : i32
        %parallel_loop3A_140 = vector.broadcast %parallel_loop3A_139 : i32 to vector<16xi32>
        %parallel_loop3A_141 = arith.muli %iota3A, %parallel_loop3A_140 : vector<16xi32>
        %parallel_loop3A_142 = vector.broadcast %parallel_loop3A_75 : i32 to vector<16xi32>
        %parallel_loop3A_143 = arith.addi %parallel_loop3A_141, %parallel_loop3A_142 : vector<16xi32>
        tpu.vector_store_idx %arg14[%parallel_loop3A_143], %parallel_loop3A_138 : memref<3216xf32, #tpu.memory_space<vmem>>[vector<16xi32>], vector<16xf32>,
      } {sc.loop_unroll_factor = 2 : i64, sc.parallel_access}
      %scan3A_41 = arith.constant 0 : i32
      %scan3A_42 = arith.constant 0 : i32
      %scan3A_43 = arith.constant 13 : i32
      %scan3A_44 = arith.addi %scan3A_42, %scan3A_43 : i32
      %scan3A_45 = arith.constant 1 : i32
      scf.for %scan3A_75 = %scan3A_42 to %scan3A_44 step %scan3A_45  : i32 {
        %mul3A_76 = arith.constant 16 : i32
        %mul3A_77 = arith.muli %scan3A_75, %mul3A_76 : i32
        %mul3A_78 = arith.constant 16 : i32
        %mul3A_79 = arith.muli %scan3A_75, %mul3A_78 : i32
        %add3A_80 = arith.constant 0 : i32
        %add3A_81 = arith.addi %add3A_80, %mul3A_79 : i32
        %get3A = arith.index_cast %add3A_81 : i32 to index
        %get3A_82 = tpu.vector_load %arg14[%get3A] {strides = array<i32>} : memref<3216xf32, #tpu.memory_space<vmem>>, vector<16xf32>,
        %mul3A_83 = arith.constant 16 : i32
        %mul3A_84 = arith.muli %scan3A_75, %mul3A_83 : i32
        %add3A_85 = arith.constant 200 : i32
        %add3A_86 = arith.addi %add3A_85, %mul3A_84 : i32
        %get3A_87 = arith.index_cast %add3A_86 : i32 to index
        %get3A_88 = tpu.vector_load %arg14[%get3A_87] {strides = array<i32>} : memref<3216xf32, #tpu.memory_space<vmem>>, vector<16xf32>,
        %mul3A_89 = arith.constant 16 : i32
        %mul3A_90 = arith.muli %scan3A_75, %mul3A_89 : i32
        %add3A_91 = arith.constant 400 : i32
        %add3A_92 = arith.addi %add3A_91, %mul3A_90 : i32
        %get3A_93 = arith.index_cast %add3A_92 : i32 to index
        %get3A_94 = tpu.vector_load %arg14[%get3A_93] {strides = array<i32>} : memref<3216xf32, #tpu.memory_space<vmem>>, vector<16xf32>,
        %mul3A_95 = arith.constant 16 : i32
        %mul3A_96 = arith.muli %scan3A_75, %mul3A_95 : i32
        %add3A_97 = arith.constant 600 : i32
        %add3A_98 = arith.addi %add3A_97, %mul3A_96 : i32
        %get3A_99 = arith.index_cast %add3A_98 : i32 to index
        %get3A_100 = tpu.vector_load %arg14[%get3A_99] {strides = array<i32>} : memref<3216xf32, #tpu.memory_space<vmem>>, vector<16xf32>,
        %mul3A_101 = arith.constant 16 : i32
        %mul3A_102 = arith.muli %scan3A_75, %mul3A_101 : i32
        %add3A_103 = arith.constant 800 : i32
        %add3A_104 = arith.addi %add3A_103, %mul3A_102 : i32
        %get3A_105 = arith.index_cast %add3A_104 : i32 to index
        %get3A_106 = tpu.vector_load %arg14[%get3A_105] {strides = array<i32>} : memref<3216xf32, #tpu.memory_space<vmem>>, vector<16xf32>,
        %mul3A_107 = arith.constant 16 : i32
        %mul3A_108 = arith.muli %scan3A_75, %mul3A_107 : i32
        %add3A_109 = arith.constant 1000 : i32
        %add3A_110 = arith.addi %add3A_109, %mul3A_108 : i32
        %get3A_111 = arith.index_cast %add3A_110 : i32 to index
        %get3A_112 = tpu.vector_load %arg14[%get3A_111] {strides = array<i32>} : memref<3216xf32, #tpu.memory_space<vmem>>, vector<16xf32>,
        %mul3A_113 = arith.constant 16 : i32
        %mul3A_114 = arith.muli %scan3A_75, %mul3A_113 : i32
        %add3A_115 = arith.constant 1200 : i32
        %add3A_116 = arith.addi %add3A_115, %mul3A_114 : i32
        %get3A_117 = arith.index_cast %add3A_116 : i32 to index
        %get3A_118 = tpu.vector_load %arg14[%get3A_117] {strides = array<i32>} : memref<3216xf32, #tpu.memory_space<vmem>>, vector<16xf32>,
        %mul3A_119 = arith.constant 16 : i32
        %mul3A_120 = arith.muli %scan3A_75, %mul3A_119 : i32
        %add3A_121 = arith.constant 1400 : i32
        %add3A_122 = arith.addi %add3A_121, %mul3A_120 : i32
        %get3A_123 = arith.index_cast %add3A_122 : i32 to index
        %get3A_124 = tpu.vector_load %arg14[%get3A_123] {strides = array<i32>} : memref<3216xf32, #tpu.memory_space<vmem>>, vector<16xf32>,
        %mul3A_125 = arith.constant 16 : i32
        %mul3A_126 = arith.muli %scan3A_75, %mul3A_125 : i32
        %add3A_127 = arith.constant 1600 : i32
        %add3A_128 = arith.addi %add3A_127, %mul3A_126 : i32
        %get3A_129 = arith.index_cast %add3A_128 : i32 to index
        %get3A_130 = tpu.vector_load %arg14[%get3A_129] {strides = array<i32>} : memref<3216xf32, #tpu.memory_space<vmem>>, vector<16xf32>,
        %mul3A_131 = arith.constant 16 : i32
        %mul3A_132 = arith.muli %scan3A_75, %mul3A_131 : i32
        %add3A_133 = arith.constant 1800 : i32
        %add3A_134 = arith.addi %add3A_133, %mul3A_132 : i32
        %get3A_135 = arith.index_cast %add3A_134 : i32 to index
        %get3A_136 = tpu.vector_load %arg14[%get3A_135] {strides = array<i32>} : memref<3216xf32, #tpu.memory_space<vmem>>, vector<16xf32>,
        %mul3A_137 = arith.constant 16 : i32
        %mul3A_138 = arith.muli %scan3A_75, %mul3A_137 : i32
        %add3A_139 = arith.constant 2000 : i32
        %add3A_140 = arith.addi %add3A_139, %mul3A_138 : i32
        %get3A_141 = arith.index_cast %add3A_140 : i32 to index
        %get3A_142 = tpu.vector_load %arg14[%get3A_141] {strides = array<i32>} : memref<3216xf32, #tpu.memory_space<vmem>>, vector<16xf32>,
        %mul3A_143 = arith.constant 16 : i32
        %mul3A_144 = arith.muli %scan3A_75, %mul3A_143 : i32
        %add3A_145 = arith.constant 2200 : i32
        %add3A_146 = arith.addi %add3A_145, %mul3A_144 : i32
        %get3A_147 = arith.index_cast %add3A_146 : i32 to index
        %get3A_148 = tpu.vector_load %arg14[%get3A_147] {strides = array<i32>} : memref<3216xf32, #tpu.memory_space<vmem>>, vector<16xf32>,
        %mul3A_149 = arith.constant 16 : i32
        %mul3A_150 = arith.muli %scan3A_75, %mul3A_149 : i32
        %add3A_151 = arith.constant 2400 : i32
        %add3A_152 = arith.addi %add3A_151, %mul3A_150 : i32
        %get3A_153 = arith.index_cast %add3A_152 : i32 to index
        %get3A_154 = tpu.vector_load %arg14[%get3A_153] {strides = array<i32>} : memref<3216xf32, #tpu.memory_space<vmem>>, vector<16xf32>,
        %mul3A_155 = arith.constant 16 : i32
        %mul3A_156 = arith.muli %scan3A_75, %mul3A_155 : i32
        %add3A_157 = arith.constant 2600 : i32
        %add3A_158 = arith.addi %add3A_157, %mul3A_156 : i32
        %get3A_159 = arith.index_cast %add3A_158 : i32 to index
        %get3A_160 = tpu.vector_load %arg14[%get3A_159] {strides = array<i32>} : memref<3216xf32, #tpu.memory_space<vmem>>, vector<16xf32>,
        %mul3A_161 = arith.constant 16 : i32
        %mul3A_162 = arith.muli %scan3A_75, %mul3A_161 : i32
        %add3A_163 = arith.constant 2800 : i32
        %add3A_164 = arith.addi %add3A_163, %mul3A_162 : i32
        %get3A_165 = arith.index_cast %add3A_164 : i32 to index
        %get3A_166 = tpu.vector_load %arg14[%get3A_165] {strides = array<i32>} : memref<3216xf32, #tpu.memory_space<vmem>>, vector<16xf32>,
        %mul3A_167 = arith.constant 16 : i32
        %mul3A_168 = arith.muli %scan3A_75, %mul3A_167 : i32
        %add3A_169 = arith.constant 3000 : i32
        %add3A_170 = arith.addi %add3A_169, %mul3A_168 : i32
        %get3A_171 = arith.index_cast %add3A_170 : i32 to index
        %get3A_172 = tpu.vector_load %arg14[%get3A_171] {strides = array<i32>} : memref<3216xf32, #tpu.memory_space<vmem>>, vector<16xf32>,
        %add3A_173 = arith.addf %get3A_82, %get3A_88 : vector<16xf32>
        %add3A_174 = arith.addf %get3A_94, %get3A_100 : vector<16xf32>
        %add3A_175 = arith.addf %get3A_106, %get3A_112 : vector<16xf32>
        %add3A_176 = arith.addf %get3A_118, %get3A_124 : vector<16xf32>
        %add3A_177 = arith.addf %get3A_130, %get3A_136 : vector<16xf32>
        %add3A_178 = arith.addf %get3A_142, %get3A_148 : vector<16xf32>
        %add3A_179 = arith.addf %get3A_154, %get3A_160 : vector<16xf32>
        %add3A_180 = arith.addf %get3A_166, %get3A_172 : vector<16xf32>
        %add3A_181 = arith.addf %add3A_173, %add3A_174 : vector<16xf32>
        %add3A_182 = arith.addf %add3A_175, %add3A_176 : vector<16xf32>
        %add3A_183 = arith.addf %add3A_177, %add3A_178 : vector<16xf32>
        %add3A_184 = arith.addf %add3A_179, %add3A_180 : vector<16xf32>
        %add3A_185 = arith.addf %add3A_181, %add3A_182 : vector<16xf32>
        %add3A_186 = arith.addf %add3A_183, %add3A_184 : vector<16xf32>
        %add3A_187 = arith.addf %add3A_185, %add3A_186 : vector<16xf32>
        %swap3A = arith.index_cast %mul3A_77 : i32 to index
        %swap3A_188 = tpu.vector_load %arg15[%swap3A] {strides = array<i32>} : memref<216xf32, #tpu.memory_space<vmem>>, vector<16xf32>,
        tpu.vector_store %arg15[%swap3A], %add3A_187 {strides = array<i32>} : memref<216xf32, #tpu.memory_space<vmem>>, vector<16xf32>,
      }
      %scan3A_46 = arith.constant 13 : i32
      "tpu.region"() ({
        %run_scoped3A = tpu.sem_alloc : memref<!tpu.dma_semaphore, #tpu.memory_space<semaphore_mem>>
        %dma_start3A_75 = arith.constant 0 : i32
        %dma_start3A_76 = tpu.memref_slice %arg15[%dma_start3A_75] : memref<216xf32, #tpu.memory_space<vmem>> -> memref<200xf32, #tpu.memory_space<vmem>>
        %dma_start3A_77 = tpu.memref_slice %arg5[%add3A_33] : memref<320000xf32, #tpu.memory_space<hbm>> -> memref<200xf32, #tpu.memory_space<hbm>>
        %dma_start3A_78 = tpu.memref_slice %arg5[%add3A_33] : memref<320000xf32, #tpu.memory_space<hbm>> -> memref<200xf32, #tpu.memory_space<hbm>>
        %dma_start3A_79 = arith.constant 0 : i32
        %dma_start3A_80 = tpu.memref_slice %arg15[%dma_start3A_79] : memref<216xf32, #tpu.memory_space<vmem>> -> memref<200xf32, #tpu.memory_space<vmem>>
        tpu.enqueue_dma source(%dma_start3A_80 : memref<200xf32, #tpu.memory_space<vmem>>) target(%dma_start3A_78 : memref<200xf32, #tpu.memory_space<hbm>>) target_semaphore(%run_scoped3A : memref<!tpu.dma_semaphore, #tpu.memory_space<semaphore_mem>>)
        %dma_wait3A_81 = arith.constant 0 : i32
        %dma_wait3A_82 = tpu.memref_slice %arg15[%dma_wait3A_81] : memref<216xf32, #tpu.memory_space<vmem>> -> memref<200xf32, #tpu.memory_space<vmem>>
        %dma_wait3A_83 = tpu.memref_slice %arg5[%add3A_33] : memref<320000xf32, #tpu.memory_space<hbm>> -> memref<200xf32, #tpu.memory_space<hbm>>
        %dma_wait3A_84 = tpu.memref_slice %arg5[%add3A_33] : memref<320000xf32, #tpu.memory_space<hbm>> -> memref<200xf32, #tpu.memory_space<hbm>>
        %dma_wait3A_85 = arith.constant 0 : i32
        %dma_wait3A_86 = tpu.memref_slice %arg15[%dma_wait3A_85] : memref<216xf32, #tpu.memory_space<vmem>> -> memref<200xf32, #tpu.memory_space<vmem>>
        tpu.wait_dma2 semaphore(%run_scoped3A : memref<!tpu.dma_semaphore, #tpu.memory_space<semaphore_mem>>) src(%dma_wait3A_86 : memref<200xf32, #tpu.memory_space<vmem>>) dst(%dma_wait3A_84 : memref<200xf32, #tpu.memory_space<hbm>>)
        tpu.yield
      }) : () -> ()
      %mul3A_47 = arith.constant 2 : i32
      %mul3A_48 = arith.muli %mul3A_47, %scan3A_15 : i32
      %add3A_49 = arith.constant 2 : i32
      %add3A_50 = arith.addi %mul3A_48, %add3A_49 : i32
      %lt3A = arith.constant 50 : i32
      %lt3A_51 = arith.cmpi slt, %add3A_50, %lt3A : i32
      %convert_element_type3A = arith.extui %lt3A_51 : i1 to i32
      %cond3A = arith.constant 0 : i32
      %cond3A_52 = arith.cmpi ne, %convert_element_type3A, %cond3A : i32
      scf.if %cond3A_52 {
        %mul3A_75 = arith.constant 2 : i32
        %mul3A_76 = arith.muli %mul3A_75, %scan3A_15 : i32
        %add3A_77 = arith.constant 2 : i32
        %add3A_78 = arith.addi %mul3A_76, %add3A_77 : i32
        %mul3A_79 = arith.constant 200 : i32
        %mul3A_80 = arith.muli %add3A_78, %mul3A_79 : i32
        %add3A_81 = arith.addi %mul3A_2, %mul3A_80 : i32
        "tpu.region"() ({
          %run_scoped3A = tpu.sem_alloc : memref<!tpu.dma_semaphore, #tpu.memory_space<semaphore_mem>>
          %dma_start3A_88 = tpu.memref_slice %arg3[%add3A_81] : memref<320000xi32, #tpu.memory_space<hbm>> -> memref<200xi32, #tpu.memory_space<hbm>>
          %dma_start3A_89 = tpu.memref_slice %arg3[%add3A_81] : memref<320000xi32, #tpu.memory_space<hbm>> -> memref<200xi32, #tpu.memory_space<hbm>>
          tpu.enqueue_dma source(%dma_start3A_89 : memref<200xi32, #tpu.memory_space<hbm>>) target(%arg6 : memref<200xi32, #tpu.memory_space<vmem>>) target_semaphore(%run_scoped3A : memref<!tpu.dma_semaphore, #tpu.memory_space<semaphore_mem>>)
          %dma_wait3A_90 = tpu.memref_slice %arg3[%add3A_81] : memref<320000xi32, #tpu.memory_space<hbm>> -> memref<200xi32, #tpu.memory_space<hbm>>
          %dma_wait3A_91 = tpu.memref_slice %arg3[%add3A_81] : memref<320000xi32, #tpu.memory_space<hbm>> -> memref<200xi32, #tpu.memory_space<hbm>>
          tpu.wait_dma2 semaphore(%run_scoped3A : memref<!tpu.dma_semaphore, #tpu.memory_space<semaphore_mem>>) src(%dma_wait3A_91 : memref<200xi32, #tpu.memory_space<hbm>>) dst(%arg6 : memref<200xi32, #tpu.memory_space<vmem>>)
          tpu.yield
        }) : () -> ()
        "tpu.region"() ({
          %run_scoped3A = tpu.sem_alloc : memref<!tpu.dma_semaphore, #tpu.memory_space<semaphore_mem>>
          %dma_start3A_88 = tpu.memref_slice %arg4[%add3A_81] : memref<320000xi32, #tpu.memory_space<hbm>> -> memref<200xi32, #tpu.memory_space<hbm>>
          %dma_start3A_89 = tpu.memref_slice %arg4[%add3A_81] : memref<320000xi32, #tpu.memory_space<hbm>> -> memref<200xi32, #tpu.memory_space<hbm>>
          tpu.enqueue_dma source(%dma_start3A_89 : memref<200xi32, #tpu.memory_space<hbm>>) target(%arg7 : memref<200xi32, #tpu.memory_space<vmem>>) target_semaphore(%run_scoped3A : memref<!tpu.dma_semaphore, #tpu.memory_space<semaphore_mem>>)
          %dma_wait3A_90 = tpu.memref_slice %arg4[%add3A_81] : memref<320000xi32, #tpu.memory_space<hbm>> -> memref<200xi32, #tpu.memory_space<hbm>>
          %dma_wait3A_91 = tpu.memref_slice %arg4[%add3A_81] : memref<320000xi32, #tpu.memory_space<hbm>> -> memref<200xi32, #tpu.memory_space<hbm>>
          tpu.wait_dma2 semaphore(%run_scoped3A : memref<!tpu.dma_semaphore, #tpu.memory_space<semaphore_mem>>) src(%dma_wait3A_91 : memref<200xi32, #tpu.memory_space<hbm>>) dst(%arg7 : memref<200xi32, #tpu.memory_space<vmem>>)
          tpu.yield
        }) : () -> ()
        %dma_start3A_82 = arith.constant 0 : i32
        %dma_start3A_83 = arith.constant 0 : i32
        %dma_start3A_84 = tpu.memref_slice %arg2[%dma_start3A_82, %dma_start3A_83] : memref<10000x128xf32, #tpu.memory_space<hbm>> -> memref<10000x128xf32, #tpu.memory_space<hbm>>
        tpu.enqueue_indirect_dma source(%dma_start3A_84 : memref<10000x128xf32, #tpu.memory_space<hbm>>) target(%arg10 : memref<200x128xf32, #tpu.memory_space<vmem>>) offsets(%arg6 : memref<200xi32, #tpu.memory_space<vmem>>) semaphore(%arg16 : memref<!tpu.dma_semaphore, #tpu.memory_space<semaphore_mem>>)
        %dma_start3A_85 = arith.constant 0 : i32
        %dma_start3A_86 = arith.constant 0 : i32
        %dma_start3A_87 = tpu.memref_slice %arg2[%dma_start3A_85, %dma_start3A_86] : memref<10000x128xf32, #tpu.memory_space<hbm>> -> memref<10000x128xf32, #tpu.memory_space<hbm>>
        tpu.enqueue_indirect_dma source(%dma_start3A_87 : memref<10000x128xf32, #tpu.memory_space<hbm>>) target(%arg11 : memref<200x128xf32, #tpu.memory_space<vmem>>) offsets(%arg7 : memref<200xi32, #tpu.memory_space<vmem>>) semaphore(%arg17 : memref<!tpu.dma_semaphore, #tpu.memory_space<semaphore_mem>>)
      } else {
      }
      %mul3A_53 = arith.constant 2 : i32
      %mul3A_54 = arith.muli %mul3A_53, %scan3A_15 : i32
      %add3A_55 = arith.constant 1 : i32
      %add3A_56 = arith.addi %mul3A_54, %add3A_55 : i32
      %mul3A_57 = arith.constant 200 : i32
      %mul3A_58 = arith.muli %add3A_56, %mul3A_57 : i32
      %add3A_59 = arith.addi %mul3A_2, %mul3A_58 : i32
      %dma_wait3A_60 = arith.constant 0 : i32
      %dma_wait3A_61 = arith.constant 0 : i32
      %dma_wait3A_62 = tpu.memref_slice %arg2[%dma_wait3A_60, %dma_wait3A_61] : memref<10000x128xf32, #tpu.memory_space<hbm>> -> memref<10000x128xf32, #tpu.memory_space<hbm>>
      tpu.wait_indirect_dma semaphore(%arg18 : memref<!tpu.dma_semaphore, #tpu.memory_space<semaphore_mem>>) src(%dma_wait3A_62 : memref<10000x128xf32, #tpu.memory_space<hbm>>) dst(%arg12 : memref<200x128xf32, #tpu.memory_space<vmem>>)
      %dma_wait3A_63 = arith.constant 0 : i32
      %dma_wait3A_64 = arith.constant 0 : i32
      %dma_wait3A_65 = tpu.memref_slice %arg2[%dma_wait3A_63, %dma_wait3A_64] : memref<10000x128xf32, #tpu.memory_space<hbm>> -> memref<10000x128xf32, #tpu.memory_space<hbm>>
      tpu.wait_indirect_dma semaphore(%arg19 : memref<!tpu.dma_semaphore, #tpu.memory_space<semaphore_mem>>) src(%dma_wait3A_65 : memref<10000x128xf32, #tpu.memory_space<hbm>>) dst(%arg13 : memref<200x128xf32, #tpu.memory_space<vmem>>)
      %parallel_loop3A_66 = arith.constant 0 : i32
      %parallel_loop3A_67 = arith.constant 200 : i32
      %parallel_loop3A_68 = arith.constant 1 : i32
      scf.for %parallel_loop3A_75 = %parallel_loop3A_66 to %parallel_loop3A_67 step %parallel_loop3A_68  : i32 {
        %parallel_loop3A_76 = arith.index_cast %parallel_loop3A_75 : i32 to index
        %parallel_loop3A_77 = arith.constant 0 : index
        %parallel_loop3A_78 = tpu.vector_load %arg12[%parallel_loop3A_76, %parallel_loop3A_77] {strides = array<i32>} : memref<200x128xf32, #tpu.memory_space<vmem>>, vector<16xf32>,
        %parallel_loop3A_79 = arith.index_cast %parallel_loop3A_75 : i32 to index
        %parallel_loop3A_80 = arith.constant 0 : index
        %parallel_loop3A_81 = tpu.vector_load %arg13[%parallel_loop3A_79, %parallel_loop3A_80] {strides = array<i32>} : memref<200x128xf32, #tpu.memory_space<vmem>>, vector<16xf32>,
        %parallel_loop3A_82 = arith.mulf %parallel_loop3A_78, %parallel_loop3A_81 : vector<16xf32>
        %parallel_loop3A_83 = arith.index_cast %parallel_loop3A_75 : i32 to index
        %parallel_loop3A_84 = arith.constant 16 : index
        %parallel_loop3A_85 = tpu.vector_load %arg12[%parallel_loop3A_83, %parallel_loop3A_84] {strides = array<i32>} : memref<200x128xf32, #tpu.memory_space<vmem>>, vector<16xf32>,
        %parallel_loop3A_86 = arith.index_cast %parallel_loop3A_75 : i32 to index
        %parallel_loop3A_87 = arith.constant 16 : index
        %parallel_loop3A_88 = tpu.vector_load %arg13[%parallel_loop3A_86, %parallel_loop3A_87] {strides = array<i32>} : memref<200x128xf32, #tpu.memory_space<vmem>>, vector<16xf32>,
        %parallel_loop3A_89 = arith.mulf %parallel_loop3A_85, %parallel_loop3A_88 : vector<16xf32>
        %parallel_loop3A_90 = arith.index_cast %parallel_loop3A_75 : i32 to index
        %parallel_loop3A_91 = arith.constant 32 : index
        %parallel_loop3A_92 = tpu.vector_load %arg12[%parallel_loop3A_90, %parallel_loop3A_91] {strides = array<i32>} : memref<200x128xf32, #tpu.memory_space<vmem>>, vector<16xf32>,
        %parallel_loop3A_93 = arith.index_cast %parallel_loop3A_75 : i32 to index
        %parallel_loop3A_94 = arith.constant 32 : index
        %parallel_loop3A_95 = tpu.vector_load %arg13[%parallel_loop3A_93, %parallel_loop3A_94] {strides = array<i32>} : memref<200x128xf32, #tpu.memory_space<vmem>>, vector<16xf32>,
        %parallel_loop3A_96 = arith.mulf %parallel_loop3A_92, %parallel_loop3A_95 : vector<16xf32>
        %parallel_loop3A_97 = arith.index_cast %parallel_loop3A_75 : i32 to index
        %parallel_loop3A_98 = arith.constant 48 : index
        %parallel_loop3A_99 = tpu.vector_load %arg12[%parallel_loop3A_97, %parallel_loop3A_98] {strides = array<i32>} : memref<200x128xf32, #tpu.memory_space<vmem>>, vector<16xf32>,
        %parallel_loop3A_100 = arith.index_cast %parallel_loop3A_75 : i32 to index
        %parallel_loop3A_101 = arith.constant 48 : index
        %parallel_loop3A_102 = tpu.vector_load %arg13[%parallel_loop3A_100, %parallel_loop3A_101] {strides = array<i32>} : memref<200x128xf32, #tpu.memory_space<vmem>>, vector<16xf32>,
        %parallel_loop3A_103 = arith.mulf %parallel_loop3A_99, %parallel_loop3A_102 : vector<16xf32>
        %parallel_loop3A_104 = arith.index_cast %parallel_loop3A_75 : i32 to index
        %parallel_loop3A_105 = arith.constant 64 : index
        %parallel_loop3A_106 = tpu.vector_load %arg12[%parallel_loop3A_104, %parallel_loop3A_105] {strides = array<i32>} : memref<200x128xf32, #tpu.memory_space<vmem>>, vector<16xf32>,
        %parallel_loop3A_107 = arith.index_cast %parallel_loop3A_75 : i32 to index
        %parallel_loop3A_108 = arith.constant 64 : index
        %parallel_loop3A_109 = tpu.vector_load %arg13[%parallel_loop3A_107, %parallel_loop3A_108] {strides = array<i32>} : memref<200x128xf32, #tpu.memory_space<vmem>>, vector<16xf32>,
        %parallel_loop3A_110 = arith.mulf %parallel_loop3A_106, %parallel_loop3A_109 : vector<16xf32>
        %parallel_loop3A_111 = arith.addf %parallel_loop3A_82, %parallel_loop3A_110 : vector<16xf32>
        %parallel_loop3A_112 = arith.index_cast %parallel_loop3A_75 : i32 to index
        %parallel_loop3A_113 = arith.constant 80 : index
        %parallel_loop3A_114 = tpu.vector_load %arg12[%parallel_loop3A_112, %parallel_loop3A_113] {strides = array<i32>} : memref<200x128xf32, #tpu.memory_space<vmem>>, vector<16xf32>,
        %parallel_loop3A_115 = arith.index_cast %parallel_loop3A_75 : i32 to index
        %parallel_loop3A_116 = arith.constant 80 : index
        %parallel_loop3A_117 = tpu.vector_load %arg13[%parallel_loop3A_115, %parallel_loop3A_116] {strides = array<i32>} : memref<200x128xf32, #tpu.memory_space<vmem>>, vector<16xf32>,
        %parallel_loop3A_118 = arith.mulf %parallel_loop3A_114, %parallel_loop3A_117 : vector<16xf32>
        %parallel_loop3A_119 = arith.addf %parallel_loop3A_89, %parallel_loop3A_118 : vector<16xf32>
        %parallel_loop3A_120 = arith.index_cast %parallel_loop3A_75 : i32 to index
        %parallel_loop3A_121 = arith.constant 96 : index
        %parallel_loop3A_122 = tpu.vector_load %arg12[%parallel_loop3A_120, %parallel_loop3A_121] {strides = array<i32>} : memref<200x128xf32, #tpu.memory_space<vmem>>, vector<16xf32>,
        %parallel_loop3A_123 = arith.index_cast %parallel_loop3A_75 : i32 to index
        %parallel_loop3A_124 = arith.constant 96 : index
        %parallel_loop3A_125 = tpu.vector_load %arg13[%parallel_loop3A_123, %parallel_loop3A_124] {strides = array<i32>} : memref<200x128xf32, #tpu.memory_space<vmem>>, vector<16xf32>,
        %parallel_loop3A_126 = arith.mulf %parallel_loop3A_122, %parallel_loop3A_125 : vector<16xf32>
        %parallel_loop3A_127 = arith.addf %parallel_loop3A_96, %parallel_loop3A_126 : vector<16xf32>
        %parallel_loop3A_128 = arith.index_cast %parallel_loop3A_75 : i32 to index
        %parallel_loop3A_129 = arith.constant 112 : index
        %parallel_loop3A_130 = tpu.vector_load %arg12[%parallel_loop3A_128, %parallel_loop3A_129] {strides = array<i32>} : memref<200x128xf32, #tpu.memory_space<vmem>>, vector<16xf32>,
        %parallel_loop3A_131 = arith.index_cast %parallel_loop3A_75 : i32 to index
        %parallel_loop3A_132 = arith.constant 112 : index
        %parallel_loop3A_133 = tpu.vector_load %arg13[%parallel_loop3A_131, %parallel_loop3A_132] {strides = array<i32>} : memref<200x128xf32, #tpu.memory_space<vmem>>, vector<16xf32>,
        %parallel_loop3A_134 = arith.mulf %parallel_loop3A_130, %parallel_loop3A_133 : vector<16xf32>
        %parallel_loop3A_135 = arith.addf %parallel_loop3A_103, %parallel_loop3A_134 : vector<16xf32>
        %parallel_loop3A_136 = arith.addf %parallel_loop3A_111, %parallel_loop3A_119 : vector<16xf32>
        %parallel_loop3A_137 = arith.addf %parallel_loop3A_127, %parallel_loop3A_135 : vector<16xf32>
        %parallel_loop3A_138 = arith.addf %parallel_loop3A_136, %parallel_loop3A_137 : vector<16xf32>
        %parallel_loop3A_139 = arith.constant 200 : i32
        %parallel_loop3A_140 = vector.broadcast %parallel_loop3A_139 : i32 to vector<16xi32>
        %parallel_loop3A_141 = arith.muli %iota3A, %parallel_loop3A_140 : vector<16xi32>
        %parallel_loop3A_142 = vector.broadcast %parallel_loop3A_75 : i32 to vector<16xi32>
        %parallel_loop3A_143 = arith.addi %parallel_loop3A_141, %parallel_loop3A_142 : vector<16xi32>
        tpu.vector_store_idx %arg14[%parallel_loop3A_143], %parallel_loop3A_138 : memref<3216xf32, #tpu.memory_space<vmem>>[vector<16xi32>], vector<16xf32>,
      } {sc.loop_unroll_factor = 2 : i64, sc.parallel_access}
      %scan3A_69 = arith.constant 0 : i32
      %scan3A_70 = arith.constant 0 : i32
      %scan3A_71 = arith.constant 13 : i32
      %scan3A_72 = arith.addi %scan3A_70, %scan3A_71 : i32
      %scan3A_73 = arith.constant 1 : i32
      scf.for %scan3A_75 = %scan3A_70 to %scan3A_72 step %scan3A_73  : i32 {
        %mul3A_76 = arith.constant 16 : i32
        %mul3A_77 = arith.muli %scan3A_75, %mul3A_76 : i32
        %mul3A_78 = arith.constant 16 : i32
        %mul3A_79 = arith.muli %scan3A_75, %mul3A_78 : i32
        %add3A_80 = arith.constant 0 : i32
        %add3A_81 = arith.addi %add3A_80, %mul3A_79 : i32
        %get3A = arith.index_cast %add3A_81 : i32 to index
        %get3A_82 = tpu.vector_load %arg14[%get3A] {strides = array<i32>} : memref<3216xf32, #tpu.memory_space<vmem>>, vector<16xf32>,
        %mul3A_83 = arith.constant 16 : i32
        %mul3A_84 = arith.muli %scan3A_75, %mul3A_83 : i32
        %add3A_85 = arith.constant 200 : i32
        %add3A_86 = arith.addi %add3A_85, %mul3A_84 : i32
        %get3A_87 = arith.index_cast %add3A_86 : i32 to index
        %get3A_88 = tpu.vector_load %arg14[%get3A_87] {strides = array<i32>} : memref<3216xf32, #tpu.memory_space<vmem>>, vector<16xf32>,
        %mul3A_89 = arith.constant 16 : i32
        %mul3A_90 = arith.muli %scan3A_75, %mul3A_89 : i32
        %add3A_91 = arith.constant 400 : i32
        %add3A_92 = arith.addi %add3A_91, %mul3A_90 : i32
        %get3A_93 = arith.index_cast %add3A_92 : i32 to index
        %get3A_94 = tpu.vector_load %arg14[%get3A_93] {strides = array<i32>} : memref<3216xf32, #tpu.memory_space<vmem>>, vector<16xf32>,
        %mul3A_95 = arith.constant 16 : i32
        %mul3A_96 = arith.muli %scan3A_75, %mul3A_95 : i32
        %add3A_97 = arith.constant 600 : i32
        %add3A_98 = arith.addi %add3A_97, %mul3A_96 : i32
        %get3A_99 = arith.index_cast %add3A_98 : i32 to index
        %get3A_100 = tpu.vector_load %arg14[%get3A_99] {strides = array<i32>} : memref<3216xf32, #tpu.memory_space<vmem>>, vector<16xf32>,
        %mul3A_101 = arith.constant 16 : i32
        %mul3A_102 = arith.muli %scan3A_75, %mul3A_101 : i32
        %add3A_103 = arith.constant 800 : i32
        %add3A_104 = arith.addi %add3A_103, %mul3A_102 : i32
        %get3A_105 = arith.index_cast %add3A_104 : i32 to index
        %get3A_106 = tpu.vector_load %arg14[%get3A_105] {strides = array<i32>} : memref<3216xf32, #tpu.memory_space<vmem>>, vector<16xf32>,
        %mul3A_107 = arith.constant 16 : i32
        %mul3A_108 = arith.muli %scan3A_75, %mul3A_107 : i32
        %add3A_109 = arith.constant 1000 : i32
        %add3A_110 = arith.addi %add3A_109, %mul3A_108 : i32
        %get3A_111 = arith.index_cast %add3A_110 : i32 to index
        %get3A_112 = tpu.vector_load %arg14[%get3A_111] {strides = array<i32>} : memref<3216xf32, #tpu.memory_space<vmem>>, vector<16xf32>,
        %mul3A_113 = arith.constant 16 : i32
        %mul3A_114 = arith.muli %scan3A_75, %mul3A_113 : i32
        %add3A_115 = arith.constant 1200 : i32
        %add3A_116 = arith.addi %add3A_115, %mul3A_114 : i32
        %get3A_117 = arith.index_cast %add3A_116 : i32 to index
        %get3A_118 = tpu.vector_load %arg14[%get3A_117] {strides = array<i32>} : memref<3216xf32, #tpu.memory_space<vmem>>, vector<16xf32>,
        %mul3A_119 = arith.constant 16 : i32
        %mul3A_120 = arith.muli %scan3A_75, %mul3A_119 : i32
        %add3A_121 = arith.constant 1400 : i32
        %add3A_122 = arith.addi %add3A_121, %mul3A_120 : i32
        %get3A_123 = arith.index_cast %add3A_122 : i32 to index
        %get3A_124 = tpu.vector_load %arg14[%get3A_123] {strides = array<i32>} : memref<3216xf32, #tpu.memory_space<vmem>>, vector<16xf32>,
        %mul3A_125 = arith.constant 16 : i32
        %mul3A_126 = arith.muli %scan3A_75, %mul3A_125 : i32
        %add3A_127 = arith.constant 1600 : i32
        %add3A_128 = arith.addi %add3A_127, %mul3A_126 : i32
        %get3A_129 = arith.index_cast %add3A_128 : i32 to index
        %get3A_130 = tpu.vector_load %arg14[%get3A_129] {strides = array<i32>} : memref<3216xf32, #tpu.memory_space<vmem>>, vector<16xf32>,
        %mul3A_131 = arith.constant 16 : i32
        %mul3A_132 = arith.muli %scan3A_75, %mul3A_131 : i32
        %add3A_133 = arith.constant 1800 : i32
        %add3A_134 = arith.addi %add3A_133, %mul3A_132 : i32
        %get3A_135 = arith.index_cast %add3A_134 : i32 to index
        %get3A_136 = tpu.vector_load %arg14[%get3A_135] {strides = array<i32>} : memref<3216xf32, #tpu.memory_space<vmem>>, vector<16xf32>,
        %mul3A_137 = arith.constant 16 : i32
        %mul3A_138 = arith.muli %scan3A_75, %mul3A_137 : i32
        %add3A_139 = arith.constant 2000 : i32
        %add3A_140 = arith.addi %add3A_139, %mul3A_138 : i32
        %get3A_141 = arith.index_cast %add3A_140 : i32 to index
        %get3A_142 = tpu.vector_load %arg14[%get3A_141] {strides = array<i32>} : memref<3216xf32, #tpu.memory_space<vmem>>, vector<16xf32>,
        %mul3A_143 = arith.constant 16 : i32
        %mul3A_144 = arith.muli %scan3A_75, %mul3A_143 : i32
        %add3A_145 = arith.constant 2200 : i32
        %add3A_146 = arith.addi %add3A_145, %mul3A_144 : i32
        %get3A_147 = arith.index_cast %add3A_146 : i32 to index
        %get3A_148 = tpu.vector_load %arg14[%get3A_147] {strides = array<i32>} : memref<3216xf32, #tpu.memory_space<vmem>>, vector<16xf32>,
        %mul3A_149 = arith.constant 16 : i32
        %mul3A_150 = arith.muli %scan3A_75, %mul3A_149 : i32
        %add3A_151 = arith.constant 2400 : i32
        %add3A_152 = arith.addi %add3A_151, %mul3A_150 : i32
        %get3A_153 = arith.index_cast %add3A_152 : i32 to index
        %get3A_154 = tpu.vector_load %arg14[%get3A_153] {strides = array<i32>} : memref<3216xf32, #tpu.memory_space<vmem>>, vector<16xf32>,
        %mul3A_155 = arith.constant 16 : i32
        %mul3A_156 = arith.muli %scan3A_75, %mul3A_155 : i32
        %add3A_157 = arith.constant 2600 : i32
        %add3A_158 = arith.addi %add3A_157, %mul3A_156 : i32
        %get3A_159 = arith.index_cast %add3A_158 : i32 to index
        %get3A_160 = tpu.vector_load %arg14[%get3A_159] {strides = array<i32>} : memref<3216xf32, #tpu.memory_space<vmem>>, vector<16xf32>,
        %mul3A_161 = arith.constant 16 : i32
        %mul3A_162 = arith.muli %scan3A_75, %mul3A_161 : i32
        %add3A_163 = arith.constant 2800 : i32
        %add3A_164 = arith.addi %add3A_163, %mul3A_162 : i32
        %get3A_165 = arith.index_cast %add3A_164 : i32 to index
        %get3A_166 = tpu.vector_load %arg14[%get3A_165] {strides = array<i32>} : memref<3216xf32, #tpu.memory_space<vmem>>, vector<16xf32>,
        %mul3A_167 = arith.constant 16 : i32
        %mul3A_168 = arith.muli %scan3A_75, %mul3A_167 : i32
        %add3A_169 = arith.constant 3000 : i32
        %add3A_170 = arith.addi %add3A_169, %mul3A_168 : i32
        %get3A_171 = arith.index_cast %add3A_170 : i32 to index
        %get3A_172 = tpu.vector_load %arg14[%get3A_171] {strides = array<i32>} : memref<3216xf32, #tpu.memory_space<vmem>>, vector<16xf32>,
        %add3A_173 = arith.addf %get3A_82, %get3A_88 : vector<16xf32>
        %add3A_174 = arith.addf %get3A_94, %get3A_100 : vector<16xf32>
        %add3A_175 = arith.addf %get3A_106, %get3A_112 : vector<16xf32>
        %add3A_176 = arith.addf %get3A_118, %get3A_124 : vector<16xf32>
        %add3A_177 = arith.addf %get3A_130, %get3A_136 : vector<16xf32>
        %add3A_178 = arith.addf %get3A_142, %get3A_148 : vector<16xf32>
        %add3A_179 = arith.addf %get3A_154, %get3A_160 : vector<16xf32>
        %add3A_180 = arith.addf %get3A_166, %get3A_172 : vector<16xf32>
        %add3A_181 = arith.addf %add3A_173, %add3A_174 : vector<16xf32>
        %add3A_182 = arith.addf %add3A_175, %add3A_176 : vector<16xf32>
        %add3A_183 = arith.addf %add3A_177, %add3A_178 : vector<16xf32>
        %add3A_184 = arith.addf %add3A_179, %add3A_180 : vector<16xf32>
        %add3A_185 = arith.addf %add3A_181, %add3A_182 : vector<16xf32>
        %add3A_186 = arith.addf %add3A_183, %add3A_184 : vector<16xf32>
        %add3A_187 = arith.addf %add3A_185, %add3A_186 : vector<16xf32>
        %swap3A = arith.index_cast %mul3A_77 : i32 to index
        %swap3A_188 = tpu.vector_load %arg15[%swap3A] {strides = array<i32>} : memref<216xf32, #tpu.memory_space<vmem>>, vector<16xf32>,
        tpu.vector_store %arg15[%swap3A], %add3A_187 {strides = array<i32>} : memref<216xf32, #tpu.memory_space<vmem>>, vector<16xf32>,
      }
      %scan3A_74 = arith.constant 13 : i32
      "tpu.region"() ({
        %run_scoped3A = tpu.sem_alloc : memref<!tpu.dma_semaphore, #tpu.memory_space<semaphore_mem>>
        %dma_start3A_75 = arith.constant 0 : i32
        %dma_start3A_76 = tpu.memref_slice %arg15[%dma_start3A_75] : memref<216xf32, #tpu.memory_space<vmem>> -> memref<200xf32, #tpu.memory_space<vmem>>
        %dma_start3A_77 = tpu.memref_slice %arg5[%add3A_59] : memref<320000xf32, #tpu.memory_space<hbm>> -> memref<200xf32, #tpu.memory_space<hbm>>
        %dma_start3A_78 = tpu.memref_slice %arg5[%add3A_59] : memref<320000xf32, #tpu.memory_space<hbm>> -> memref<200xf32, #tpu.memory_space<hbm>>
        %dma_start3A_79 = arith.constant 0 : i32
        %dma_start3A_80 = tpu.memref_slice %arg15[%dma_start3A_79] : memref<216xf32, #tpu.memory_space<vmem>> -> memref<200xf32, #tpu.memory_space<vmem>>
        tpu.enqueue_dma source(%dma_start3A_80 : memref<200xf32, #tpu.memory_space<vmem>>) target(%dma_start3A_78 : memref<200xf32, #tpu.memory_space<hbm>>) target_semaphore(%run_scoped3A : memref<!tpu.dma_semaphore, #tpu.memory_space<semaphore_mem>>)
        %dma_wait3A_81 = arith.constant 0 : i32
        %dma_wait3A_82 = tpu.memref_slice %arg15[%dma_wait3A_81] : memref<216xf32, #tpu.memory_space<vmem>> -> memref<200xf32, #tpu.memory_space<vmem>>
        %dma_wait3A_83 = tpu.memref_slice %arg5[%add3A_59] : memref<320000xf32, #tpu.memory_space<hbm>> -> memref<200xf32, #tpu.memory_space<hbm>>
        %dma_wait3A_84 = tpu.memref_slice %arg5[%add3A_59] : memref<320000xf32, #tpu.memory_space<hbm>> -> memref<200xf32, #tpu.memory_space<hbm>>
        %dma_wait3A_85 = arith.constant 0 : i32
        %dma_wait3A_86 = tpu.memref_slice %arg15[%dma_wait3A_85] : memref<216xf32, #tpu.memory_space<vmem>> -> memref<200xf32, #tpu.memory_space<vmem>>
        tpu.wait_dma2 semaphore(%run_scoped3A : memref<!tpu.dma_semaphore, #tpu.memory_space<semaphore_mem>>) src(%dma_wait3A_86 : memref<200xf32, #tpu.memory_space<vmem>>) dst(%dma_wait3A_84 : memref<200xf32, #tpu.memory_space<hbm>>)
        tpu.yield
      }) : () -> ()
    }
    %scan3A_14 = arith.constant 25 : i32
    return
  }
}

module attributes {stable_mosaic.version = 14 : i64} {
  func.func @_k13_body(%arg0: i32, %arg1: memref<512x128xf32, #tpu.memory_space<vmem>>, %arg2: memref<128x128xf32, #tpu.memory_space<vmem>>, %arg3: memref<128x128xf32, #tpu.memory_space<vmem>>, %arg4: memref<128x128xf32, #tpu.memory_space<vmem>>, %arg5: memref<1x128xf32, #tpu.memory_space<vmem>>, %arg6: memref<1x128xf32, #tpu.memory_space<vmem>>, %arg7: memref<512x1xf32, #tpu.memory_space<vmem>>, %arg8: memref<512x1xf32, #tpu.memory_space<vmem>>, %arg9: memref<512x128xf32, #tpu.memory_space<vmem>>, %arg10: memref<512x128xf32, #tpu.memory_space<vmem>>, %arg11: memref<512x1xf32, #tpu.memory_space<vmem>>) attributes {dimension_semantics = [#tpu.dimension_semantics<arbitrary>], iteration_bounds = array<i64: 20>, scalar_prefetch = 0 : i64, scratch_operands = 0 : i64, tpu.core_type = #tpu.core_type<tc>, window_params = [{transform_indices = @transform_0, window_bounds = array<i64: 512, 128>}, {pipeline_mode = #tpu.pipeline_mode<synchronous>, transform_indices = @transform_1, window_bounds = array<i64: 128, 128>}, {pipeline_mode = #tpu.pipeline_mode<synchronous>, transform_indices = @transform_2, window_bounds = array<i64: 128, 128>}, {pipeline_mode = #tpu.pipeline_mode<synchronous>, transform_indices = @transform_3, window_bounds = array<i64: 128, 128>}, {pipeline_mode = #tpu.pipeline_mode<synchronous>, transform_indices = @transform_4, window_bounds = array<i64: 1, 128>}, {pipeline_mode = #tpu.pipeline_mode<synchronous>, transform_indices = @transform_5, window_bounds = array<i64: 1, 128>}, {transform_indices = @transform_6, window_bounds = array<i64: 512, 1>}, {transform_indices = @transform_7, window_bounds = array<i64: 512, 1>}, {transform_indices = @transform_8, window_bounds = array<i64: 512, 128>}, {transform_indices = @transform_9, window_bounds = array<i64: 512, 128>}, {transform_indices = @transform_10, window_bounds = array<i64: 512, 1>}]} {
    %get3A = arith.constant 0 : index
    %get3A_0 = arith.constant 0 : index
    %get3A_1 = vector.load %arg1[%get3A, %get3A_0] : memref<512x128xf32, #tpu.memory_space<vmem>>, vector<512x128xf32>
    %get3A_2 = arith.constant 0 : index
    %get3A_3 = arith.constant 0 : index
    %get3A_4 = vector.load %arg7[%get3A_2, %get3A_3] : memref<512x1xf32, #tpu.memory_space<vmem>>, vector<512x1xf32>
    %get3A_5 = arith.constant 0 : index
    %get3A_6 = arith.constant 0 : index
    %get3A_7 = vector.load %arg8[%get3A_5, %get3A_6] : memref<512x1xf32, #tpu.memory_space<vmem>>, vector<512x1xf32>
    %add3A = arith.addf %get3A_4, %get3A_7 : vector<512x1xf32>
    %add3A_8 = arith.constant 1.000000e+00 : f32
    %add3A_9 = vector.broadcast %add3A_8 : f32 to vector<512x1xf32>
    %add3A_10 = arith.addf %add3A, %add3A_9 : vector<512x1xf32>
    %max3A = arith.constant 9.99999996E-13 : f32
    %max3A_11 = vector.broadcast %max3A : f32 to vector<512x1xf32>
    %max3A_12 = arith.maximumf %add3A_10, %max3A_11 : vector<512x1xf32>
    %sqrt3A = math.sqrt %max3A_12 : vector<512x1xf32>
    %div3A = arith.constant 1.000000e+00 : f32
    %div3A_13 = vector.broadcast %div3A : f32 to vector<512x1xf32>
    %div3A_14 = arith.divf %div3A_13, %sqrt3A : vector<512x1xf32>
    %get3A_15 = arith.constant 0 : index
    %get3A_16 = arith.constant 0 : index
    %get3A_17 = vector.load %arg2[%get3A_15, %get3A_16] : memref<128x128xf32, #tpu.memory_space<vmem>>, vector<128x128xf32>
    %dot_general3A = arith.constant dense<0.000000e+00> : vector<512x128xf32>
    %dot_general3A_18 = tpu.matmul %get3A_1, %get3A_17, %dot_general3A {dimension_numbers = #tpu.dot_dimension_numbers<[1], [1], [0], [0], [0, 0, 1, 0], [], []>, transpose_lhs_hint = false} : vector<512x128xf32>, vector<128x128xf32>, vector<512x128xf32> -> vector<512x128xf32>
    %get3A_19 = arith.constant 0 : index
    %get3A_20 = arith.constant 0 : index
    %get3A_21 = vector.load %arg5[%get3A_19, %get3A_20] : memref<1x128xf32, #tpu.memory_space<vmem>>, vector<1x128xf32>
    %add3A_22 = vector.broadcast %get3A_21 : vector<1x128xf32> to vector<512x128xf32>
    %add3A_23 = arith.addf %dot_general3A_18, %add3A_22 : vector<512x128xf32>
    %get3A_24 = arith.constant 0 : index
    %get3A_25 = arith.constant 0 : index
    %get3A_26 = vector.load %arg4[%get3A_24, %get3A_25] : memref<128x128xf32, #tpu.memory_space<vmem>>, vector<128x128xf32>
    %dot_general3A_27 = arith.constant dense<0.000000e+00> : vector<512x128xf32>
    %dot_general3A_28 = tpu.matmul %add3A_23, %get3A_26, %dot_general3A_27 {dimension_numbers = #tpu.dot_dimension_numbers<[1], [1], [0], [0], [0, 0, 1, 0], [], []>, transpose_lhs_hint = false} : vector<512x128xf32>, vector<128x128xf32>, vector<512x128xf32> -> vector<512x128xf32>
    %mul3A = vector.broadcast %div3A_14 : vector<512x1xf32> to vector<512x128xf32>
    %mul3A_29 = arith.mulf %dot_general3A_28, %mul3A : vector<512x128xf32>
    %swap3A = arith.constant 0 : index
    %swap3A_30 = arith.constant 0 : index
    %swap3A_31 = vector.load %arg9[%swap3A, %swap3A_30] : memref<512x128xf32, #tpu.memory_space<vmem>>, vector<512x128xf32>
    tpu.vector_store %arg9[%swap3A, %swap3A_30], %mul3A_29 {strides = array<i32>} : memref<512x128xf32, #tpu.memory_space<vmem>>, vector<512x128xf32>,
    %get3A_32 = arith.constant 0 : index
    %get3A_33 = arith.constant 0 : index
    %get3A_34 = vector.load %arg3[%get3A_32, %get3A_33] : memref<128x128xf32, #tpu.memory_space<vmem>>, vector<128x128xf32>
    %dot_general3A_35 = arith.constant dense<0.000000e+00> : vector<512x128xf32>
    %dot_general3A_36 = tpu.matmul %get3A_1, %get3A_34, %dot_general3A_35 {dimension_numbers = #tpu.dot_dimension_numbers<[1], [1], [0], [0], [0, 0, 1, 0], [], []>, transpose_lhs_hint = false} : vector<512x128xf32>, vector<128x128xf32>, vector<512x128xf32> -> vector<512x128xf32>
    %get3A_37 = arith.constant 0 : index
    %get3A_38 = arith.constant 0 : index
    %get3A_39 = vector.load %arg6[%get3A_37, %get3A_38] : memref<1x128xf32, #tpu.memory_space<vmem>>, vector<1x128xf32>
    %add3A_40 = vector.broadcast %get3A_39 : vector<1x128xf32> to vector<512x128xf32>
    %add3A_41 = arith.addf %dot_general3A_36, %add3A_40 : vector<512x128xf32>
    %mul3A_42 = arith.mulf %add3A_41, %add3A_41 : vector<512x128xf32>
    %reduce_sum3A = arith.constant dense<0.000000e+00> : vector<512xf32>
    %reduce_sum3A_43 = vector.multi_reduction <add>, %mul3A_42, %reduce_sum3A [1] : vector<512x128xf32> to vector<512xf32>
    %broadcast_in_dim3A = vector.shape_cast %reduce_sum3A_43 : vector<512xf32> to vector<512x1xf32>
    %sqrt3A_44 = math.sqrt %broadcast_in_dim3A : vector<512x1xf32>
    %max3A_45 = arith.constant 9.99999996E-13 : f32
    %max3A_46 = vector.broadcast %max3A_45 : f32 to vector<512x1xf32>
    %max3A_47 = arith.maximumf %sqrt3A_44, %max3A_46 : vector<512x1xf32>
    %div3A_48 = vector.broadcast %max3A_47 : vector<512x1xf32> to vector<512x128xf32>
    %div3A_49 = arith.divf %add3A_41, %div3A_48 : vector<512x128xf32>
    %mul3A_50 = arith.constant 1.800000e+00 : f32
    %mul3A_51 = vector.broadcast %mul3A_50 : f32 to vector<512x128xf32>
    %mul3A_52 = arith.mulf %div3A_49, %mul3A_51 : vector<512x128xf32>
    %get3A_53 = arith.constant 0 : index
    %get3A_54 = arith.constant 0 : index
    %get3A_55 = vector.load %arg4[%get3A_53, %get3A_54] : memref<128x128xf32, #tpu.memory_space<vmem>>, vector<128x128xf32>
    %dot_general3A_56 = arith.constant dense<0.000000e+00> : vector<512x128xf32>
    %dot_general3A_57 = tpu.matmul %mul3A_52, %get3A_55, %dot_general3A_56 {dimension_numbers = #tpu.dot_dimension_numbers<[1], [1], [0], [0], [0, 0, 1, 0], [], []>, transpose_lhs_hint = false} : vector<512x128xf32>, vector<128x128xf32>, vector<512x128xf32> -> vector<512x128xf32>
    %mul3A_58 = vector.broadcast %div3A_14 : vector<512x1xf32> to vector<512x128xf32>
    %mul3A_59 = arith.mulf %dot_general3A_57, %mul3A_58 : vector<512x128xf32>
    %swap3A_60 = arith.constant 0 : index
    %swap3A_61 = arith.constant 0 : index
    %swap3A_62 = vector.load %arg10[%swap3A_60, %swap3A_61] : memref<512x128xf32, #tpu.memory_space<vmem>>, vector<512x128xf32>
    tpu.vector_store %arg10[%swap3A_60, %swap3A_61], %mul3A_59 {strides = array<i32>} : memref<512x128xf32, #tpu.memory_space<vmem>>, vector<512x128xf32>,
    %swap3A_63 = arith.constant 0 : index
    %swap3A_64 = arith.constant 0 : index
    %swap3A_65 = vector.load %arg11[%swap3A_63, %swap3A_64] : memref<512x1xf32, #tpu.memory_space<vmem>>, vector<512x1xf32>
    tpu.vector_store %arg11[%swap3A_63, %swap3A_64], %div3A_14 {strides = array<i32>} : memref<512x1xf32, #tpu.memory_space<vmem>>, vector<512x1xf32>,
    return
  }
  func.func @transform_0(%arg0: i32) -> (i32, i32) {
    %c0_i32 = arith.constant 0 : i32
    %c0_i32_0 = arith.constant 0 : i32
    return %arg0, %c0_i32 : i32, i32
  }
  func.func @transform_1(%arg0: i32) -> (i32, i32) {
    %c0_i32 = arith.constant 0 : i32
    %c0_i32_0 = arith.constant 0 : i32
    %c0_i32_1 = arith.constant 0 : i32
    return %c0_i32, %c0_i32_0 : i32, i32
  }
  func.func @transform_2(%arg0: i32) -> (i32, i32) {
    %c0_i32 = arith.constant 0 : i32
    %c0_i32_0 = arith.constant 0 : i32
    %c0_i32_1 = arith.constant 0 : i32
    return %c0_i32, %c0_i32_0 : i32, i32
  }
  func.func @transform_3(%arg0: i32) -> (i32, i32) {
    %c0_i32 = arith.constant 0 : i32
    %c0_i32_0 = arith.constant 0 : i32
    %c0_i32_1 = arith.constant 0 : i32
    return %c0_i32, %c0_i32_0 : i32, i32
  }
  func.func @transform_4(%arg0: i32) -> (i32, i32) {
    %c0_i32 = arith.constant 0 : i32
    %c0_i32_0 = arith.constant 0 : i32
    %c0_i32_1 = arith.constant 0 : i32
    return %c0_i32, %c0_i32_0 : i32, i32
  }
  func.func @transform_5(%arg0: i32) -> (i32, i32) {
    %c0_i32 = arith.constant 0 : i32
    %c0_i32_0 = arith.constant 0 : i32
    %c0_i32_1 = arith.constant 0 : i32
    return %c0_i32, %c0_i32_0 : i32, i32
  }
  func.func @transform_6(%arg0: i32) -> (i32, i32) {
    %c0_i32 = arith.constant 0 : i32
    %c0_i32_0 = arith.constant 0 : i32
    return %arg0, %c0_i32 : i32, i32
  }
  func.func @transform_7(%arg0: i32) -> (i32, i32) {
    %c0_i32 = arith.constant 0 : i32
    %c0_i32_0 = arith.constant 0 : i32
    return %arg0, %c0_i32 : i32, i32
  }
  func.func @transform_8(%arg0: i32) -> (i32, i32) {
    %c0_i32 = arith.constant 0 : i32
    %c0_i32_0 = arith.constant 0 : i32
    return %arg0, %c0_i32 : i32, i32
  }
  func.func @transform_9(%arg0: i32) -> (i32, i32) {
    %c0_i32 = arith.constant 0 : i32
    %c0_i32_0 = arith.constant 0 : i32
    return %arg0, %c0_i32 : i32, i32
  }
  func.func @transform_10(%arg0: i32) -> (i32, i32) {
    %c0_i32 = arith.constant 0 : i32
    %c0_i32_0 = arith.constant 0 : i32
    return %arg0, %c0_i32 : i32, i32
  }
}

module attributes {stable_mosaic.version = 14 : i64} {
  func.func @_k6_body(%arg0: i32, %arg1: memref<200x10000xf32, #tpu.memory_space<vmem>>, %arg2: memref<4x10000xf32, #tpu.memory_space<vmem>>, %arg3: memref<200x1xf32, #tpu.memory_space<vmem>>, %arg4: memref<2x6400xf32, #tpu.memory_space<vmem>>, %arg5: memref<200x1xf32, #tpu.memory_space<vmem>>, %arg6: memref<2x6400xf32, #tpu.memory_space<vmem>>) attributes {dimension_semantics = [#tpu.dimension_semantics<arbitrary>], iteration_bounds = array<i64: 25>, scalar_prefetch = 0 : i64, scratch_operands = 0 : i64, tpu.core_type = #tpu.core_type<tc>, window_params = [{transform_indices = @transform_0, window_bounds = array<i64: 200, 10000>}, {pipeline_mode = #tpu.pipeline_mode<synchronous>, transform_indices = @transform_1, window_bounds = array<i64: 4, 10000>}, {transform_indices = @transform_2, window_bounds = array<i64: 200, 1>}, {transform_indices = @transform_3, window_bounds = array<i64: 2, 6400>}, {transform_indices = @transform_4, window_bounds = array<i64: 200, 1>}, {transform_indices = @transform_5, window_bounds = array<i64: 2, 6400>}]} {
    %get3A = arith.constant 0 : index
    %get3A_0 = arith.constant 0 : index
    %get3A_1 = vector.load %arg1[%get3A, %get3A_0] : memref<200x10000xf32, #tpu.memory_space<vmem>>, vector<200x10000xf32>
    %get3A_2 = arith.constant 0 : index
    %get3A_3 = arith.constant 0 : index
    %get3A_4 = vector.load %arg2[%get3A_2, %get3A_3] : memref<4x10000xf32, #tpu.memory_space<vmem>>, vector<4x10000xf32>
    %dot_general3A = arith.constant dense<0.000000e+00> : vector<200x4xf32>
    %dot_general3A_5 = tpu.matmul %get3A_1, %get3A_4, %dot_general3A {dimension_numbers = #tpu.dot_dimension_numbers<[1], [1], [0], [0], [0, 0, 1, 0], [], []>, transpose_lhs_hint = false} : vector<200x10000xf32>, vector<4x10000xf32>, vector<200x4xf32> -> vector<200x4xf32>
    %slice3A = vector.extract_strided_slice %dot_general3A_5 {offsets = [0, 0], sizes = [200, 1], strides = [1, 1]} : vector<200x4xf32> to vector<200x1xf32>
    %slice3A_6 = vector.extract_strided_slice %dot_general3A_5 {offsets = [0, 1], sizes = [200, 1], strides = [1, 1]} : vector<200x4xf32> to vector<200x1xf32>
    %slice3A_7 = vector.extract_strided_slice %dot_general3A_5 {offsets = [0, 2], sizes = [200, 1], strides = [1, 1]} : vector<200x4xf32> to vector<200x1xf32>
    %mul3A = arith.mulf %slice3A, %slice3A : vector<200x1xf32>
    %mul3A_8 = arith.mulf %slice3A_6, %slice3A_6 : vector<200x1xf32>
    %add3A = arith.addf %mul3A, %mul3A_8 : vector<200x1xf32>
    %sqrt3A = math.sqrt %add3A : vector<200x1xf32>
    %max3A = arith.constant 9.99999996E-13 : f32
    %max3A_9 = vector.broadcast %max3A : f32 to vector<200x1xf32>
    %max3A_10 = arith.maximumf %sqrt3A, %max3A_9 : vector<200x1xf32>
    %div3A = arith.divf %slice3A, %max3A_10 : vector<200x1xf32>
    %mul3A_11 = arith.constant 8.000000e-01 : f32
    %mul3A_12 = vector.broadcast %mul3A_11 : f32 to vector<200x1xf32>
    %mul3A_13 = arith.mulf %div3A, %mul3A_12 : vector<200x1xf32>
    %get3A_14 = arith.constant 0 : index
    %get3A_15 = arith.constant 0 : index
    %get3A_16 = vector.load %arg3[%get3A_14, %get3A_15] : memref<200x1xf32, #tpu.memory_space<vmem>>, vector<200x1xf32>
    %min3A = arith.constant 1.000000e+01 : f32
    %min3A_17 = vector.broadcast %min3A : f32 to vector<200x1xf32>
    %min3A_18 = arith.minimumf %slice3A_7, %min3A_17 : vector<200x1xf32>
    %exp3A = math.exp %min3A_18 : vector<200x1xf32>
    %mul3A_19 = arith.mulf %get3A_16, %exp3A : vector<200x1xf32>
    %add3A_20 = arith.addf %mul3A_13, %mul3A_19 : vector<200x1xf32>
    %swap3A = arith.constant 0 : index
    %swap3A_21 = arith.constant 0 : index
    %swap3A_22 = vector.load %arg5[%swap3A, %swap3A_21] : memref<200x1xf32, #tpu.memory_space<vmem>>, vector<200x1xf32>
    tpu.vector_store %arg5[%swap3A, %swap3A_21], %add3A_20 {strides = array<i32>} : memref<200x1xf32, #tpu.memory_space<vmem>>, vector<200x1xf32>,
    %get3A_23 = arith.constant 0 : index
    %get3A_24 = arith.constant 0 : index
    %get3A_25 = vector.load %arg4[%get3A_23, %get3A_24] : memref<2x6400xf32, #tpu.memory_space<vmem>>, vector<2x6400xf32>
    %log3A = math.log %get3A_25 : vector<2x6400xf32>
    %neg3A = arith.constant 0.000000e+00 : f32
    %neg3A_26 = vector.broadcast %neg3A : f32 to vector<2x6400xf32>
    %neg3A_27 = arith.subf %neg3A_26, %log3A : vector<2x6400xf32>
    %log3A_28 = math.log %neg3A_27 : vector<2x6400xf32>
    %neg3A_29 = arith.constant 0.000000e+00 : f32
    %neg3A_30 = vector.broadcast %neg3A_29 : f32 to vector<2x6400xf32>
    %neg3A_31 = arith.subf %neg3A_30, %log3A_28 : vector<2x6400xf32>
    %swap3A_32 = arith.constant 0 : index
    %swap3A_33 = arith.constant 0 : index
    %swap3A_34 = vector.load %arg6[%swap3A_32, %swap3A_33] : memref<2x6400xf32, #tpu.memory_space<vmem>>, vector<2x6400xf32>
    tpu.vector_store %arg6[%swap3A_32, %swap3A_33], %neg3A_31 {strides = array<i32>} : memref<2x6400xf32, #tpu.memory_space<vmem>>, vector<2x6400xf32>,
    return
  }
  func.func @transform_0(%arg0: i32) -> (i32, i32) {
    %add3A = arith.constant 0 : i32
    %add3A_0 = arith.addi %add3A, %arg0 : i32
    %c0_i32 = arith.constant 0 : i32
    %c0_i32_1 = arith.constant 0 : i32
    return %add3A_0, %c0_i32 : i32, i32
  }
  func.func @transform_1(%arg0: i32) -> (i32, i32) {
    %c0_i32 = arith.constant 0 : i32
    %c0_i32_0 = arith.constant 0 : i32
    %c0_i32_1 = arith.constant 0 : i32
    return %c0_i32, %c0_i32_0 : i32, i32
  }
  func.func @transform_2(%arg0: i32) -> (i32, i32) {
    %add3A = arith.constant 0 : i32
    %add3A_0 = arith.addi %add3A, %arg0 : i32
    %c0_i32 = arith.constant 0 : i32
    %c0_i32_1 = arith.constant 0 : i32
    return %add3A_0, %c0_i32 : i32, i32
  }
  func.func @transform_3(%arg0: i32) -> (i32, i32) {
    %add3A = arith.constant 0 : i32
    %add3A_0 = arith.addi %add3A, %arg0 : i32
    %c0_i32 = arith.constant 0 : i32
    %c0_i32_1 = arith.constant 0 : i32
    return %c0_i32, %add3A_0 : i32, i32
  }
  func.func @transform_4(%arg0: i32) -> (i32, i32) {
    %c0_i32 = arith.constant 0 : i32
    %c0_i32_0 = arith.constant 0 : i32
    return %arg0, %c0_i32 : i32, i32
  }
  func.func @transform_5(%arg0: i32) -> (i32, i32) {
    %c0_i32 = arith.constant 0 : i32
    %c0_i32_0 = arith.constant 0 : i32
    return %c0_i32, %arg0 : i32, i32
  }
}

module attributes {stable_mosaic.version = 14 : i64} {
  func.func @_k5_body(%arg0: i32, %arg1: memref<512x128xf32, #tpu.memory_space<vmem>>, %arg2: memref<512x128xf32, #tpu.memory_space<vmem>>, %arg3: memref<512x1xf32, #tpu.memory_space<vmem>>, %arg4: memref<1x128xf32, #tpu.memory_space<vmem>>, %arg5: memref<512x128xf32, #tpu.memory_space<vmem>>, %arg6: memref<512x128xf32, #tpu.memory_space<vmem>>) attributes {dimension_semantics = [#tpu.dimension_semantics<arbitrary>], iteration_bounds = array<i64: 20>, scalar_prefetch = 0 : i64, scratch_operands = 0 : i64, tpu.core_type = #tpu.core_type<tc>, window_params = [{transform_indices = @transform_0, window_bounds = array<i64: 512, 128>}, {transform_indices = @transform_1, window_bounds = array<i64: 512, 128>}, {transform_indices = @transform_2, window_bounds = array<i64: 512, 1>}, {pipeline_mode = #tpu.pipeline_mode<synchronous>, transform_indices = @transform_3, window_bounds = array<i64: 1, 128>}, {transform_indices = @transform_4, window_bounds = array<i64: 512, 128>}, {transform_indices = @transform_5, window_bounds = array<i64: 512, 128>}]} {
    %get3A = arith.constant 0 : index
    %get3A_0 = arith.constant 0 : index
    %get3A_1 = vector.load %arg3[%get3A, %get3A_0] : memref<512x1xf32, #tpu.memory_space<vmem>>, vector<512x1xf32>
    %get3A_2 = arith.constant 0 : index
    %get3A_3 = arith.constant 0 : index
    %get3A_4 = vector.load %arg1[%get3A_2, %get3A_3] : memref<512x128xf32, #tpu.memory_space<vmem>>, vector<512x128xf32>
    %mul3A = vector.broadcast %get3A_1 : vector<512x1xf32> to vector<512x128xf32>
    %mul3A_5 = arith.mulf %mul3A, %get3A_4 : vector<512x128xf32>
    %get3A_6 = arith.constant 0 : index
    %get3A_7 = arith.constant 0 : index
    %get3A_8 = vector.load %arg4[%get3A_6, %get3A_7] : memref<1x128xf32, #tpu.memory_space<vmem>>, vector<1x128xf32>
    %add3A = vector.broadcast %get3A_8 : vector<1x128xf32> to vector<512x128xf32>
    %add3A_9 = arith.addf %mul3A_5, %add3A : vector<512x128xf32>
    %min3A = arith.constant 1.000000e+01 : f32
    %min3A_10 = vector.broadcast %min3A : f32 to vector<512x128xf32>
    %min3A_11 = arith.minimumf %add3A_9, %min3A_10 : vector<512x128xf32>
    %get3A_12 = arith.constant 0 : index
    %get3A_13 = arith.constant 0 : index
    %get3A_14 = vector.load %arg2[%get3A_12, %get3A_13] : memref<512x128xf32, #tpu.memory_space<vmem>>, vector<512x128xf32>
    %mul3A_15 = vector.broadcast %get3A_1 : vector<512x1xf32> to vector<512x128xf32>
    %mul3A_16 = arith.mulf %mul3A_15, %get3A_14 : vector<512x128xf32>
    %get3A_17 = arith.constant 0 : index
    %get3A_18 = arith.constant 0 : index
    %get3A_19 = vector.load %arg4[%get3A_17, %get3A_18] : memref<1x128xf32, #tpu.memory_space<vmem>>, vector<1x128xf32>
    %add3A_20 = vector.broadcast %get3A_19 : vector<1x128xf32> to vector<512x128xf32>
    %add3A_21 = arith.addf %mul3A_16, %add3A_20 : vector<512x128xf32>
    %get3A_22 = arith.constant 0 : index
    %get3A_23 = arith.constant 0 : index
    %get3A_24 = vector.load %arg5[%get3A_22, %get3A_23] : memref<512x128xf32, #tpu.memory_space<vmem>>, vector<512x128xf32>
    %exp3A = math.exp %min3A_11 : vector<512x128xf32>
    %mul3A_25 = arith.mulf %get3A_24, %exp3A : vector<512x128xf32>
    %add3A_26 = arith.addf %add3A_21, %mul3A_25 : vector<512x128xf32>
    %swap3A = arith.constant 0 : index
    %swap3A_27 = arith.constant 0 : index
    %swap3A_28 = vector.load %arg6[%swap3A, %swap3A_27] : memref<512x128xf32, #tpu.memory_space<vmem>>, vector<512x128xf32>
    tpu.vector_store %arg6[%swap3A, %swap3A_27], %add3A_26 {strides = array<i32>} : memref<512x128xf32, #tpu.memory_space<vmem>>, vector<512x128xf32>,
    return
  }
  func.func @transform_0(%arg0: i32) -> (i32, i32) {
    %c0_i32 = arith.constant 0 : i32
    %c0_i32_0 = arith.constant 0 : i32
    return %arg0, %c0_i32 : i32, i32
  }
  func.func @transform_1(%arg0: i32) -> (i32, i32) {
    %c0_i32 = arith.constant 0 : i32
    %c0_i32_0 = arith.constant 0 : i32
    return %arg0, %c0_i32 : i32, i32
  }
  func.func @transform_2(%arg0: i32) -> (i32, i32) {
    %c0_i32 = arith.constant 0 : i32
    %c0_i32_0 = arith.constant 0 : i32
    return %arg0, %c0_i32 : i32, i32
  }
  func.func @transform_3(%arg0: i32) -> (i32, i32) {
    %c0_i32 = arith.constant 0 : i32
    %c0_i32_0 = arith.constant 0 : i32
    %c0_i32_1 = arith.constant 0 : i32
    return %c0_i32, %c0_i32_0 : i32, i32
  }
  func.func @transform_4(%arg0: i32) -> (i32, i32) {
    %c0_i32 = arith.constant 0 : i32
    %c0_i32_0 = arith.constant 0 : i32
    return %arg0, %c0_i32 : i32, i32
  }
  func.func @transform_5(%arg0: i32) -> (i32, i32) {
    %c0_i32 = arith.constant 0 : i32
    %c0_i32_0 = arith.constant 0 : i32
    return %arg0, %c0_i32 : i32, i32
  }
}

module attributes {stable_mosaic.version = 14 : i64} {
  func.func @_k6_body(%arg0: i32, %arg1: memref<200x10000xf32, #tpu.memory_space<vmem>>, %arg2: memref<4x10000xf32, #tpu.memory_space<vmem>>, %arg3: memref<200x1xf32, #tpu.memory_space<vmem>>, %arg4: memref<2x6400xf32, #tpu.memory_space<vmem>>, %arg5: memref<200x1xf32, #tpu.memory_space<vmem>>, %arg6: memref<2x6400xf32, #tpu.memory_space<vmem>>) attributes {dimension_semantics = [#tpu.dimension_semantics<arbitrary>], iteration_bounds = array<i64: 25>, scalar_prefetch = 0 : i64, scratch_operands = 0 : i64, tpu.core_type = #tpu.core_type<tc>, window_params = [{transform_indices = @transform_0, window_bounds = array<i64: 200, 10000>}, {pipeline_mode = #tpu.pipeline_mode<synchronous>, transform_indices = @transform_1, window_bounds = array<i64: 4, 10000>}, {transform_indices = @transform_2, window_bounds = array<i64: 200, 1>}, {transform_indices = @transform_3, window_bounds = array<i64: 2, 6400>}, {transform_indices = @transform_4, window_bounds = array<i64: 200, 1>}, {transform_indices = @transform_5, window_bounds = array<i64: 2, 6400>}]} {
    %get3A = arith.constant 0 : index
    %get3A_0 = arith.constant 0 : index
    %get3A_1 = vector.load %arg1[%get3A, %get3A_0] : memref<200x10000xf32, #tpu.memory_space<vmem>>, vector<200x10000xf32>
    %get3A_2 = arith.constant 0 : index
    %get3A_3 = arith.constant 0 : index
    %get3A_4 = vector.load %arg2[%get3A_2, %get3A_3] : memref<4x10000xf32, #tpu.memory_space<vmem>>, vector<4x10000xf32>
    %dot_general3A = arith.constant dense<0.000000e+00> : vector<200x4xf32>
    %dot_general3A_5 = tpu.matmul %get3A_1, %get3A_4, %dot_general3A {dimension_numbers = #tpu.dot_dimension_numbers<[1], [1], [0], [0], [0, 0, 1, 0], [], []>, transpose_lhs_hint = false} : vector<200x10000xf32>, vector<4x10000xf32>, vector<200x4xf32> -> vector<200x4xf32>
    %slice3A = vector.extract_strided_slice %dot_general3A_5 {offsets = [0, 0], sizes = [200, 1], strides = [1, 1]} : vector<200x4xf32> to vector<200x1xf32>
    %slice3A_6 = vector.extract_strided_slice %dot_general3A_5 {offsets = [0, 1], sizes = [200, 1], strides = [1, 1]} : vector<200x4xf32> to vector<200x1xf32>
    %slice3A_7 = vector.extract_strided_slice %dot_general3A_5 {offsets = [0, 2], sizes = [200, 1], strides = [1, 1]} : vector<200x4xf32> to vector<200x1xf32>
    %mul3A = arith.mulf %slice3A, %slice3A : vector<200x1xf32>
    %mul3A_8 = arith.mulf %slice3A_6, %slice3A_6 : vector<200x1xf32>
    %add3A = arith.addf %mul3A, %mul3A_8 : vector<200x1xf32>
    %sqrt3A = math.sqrt %add3A : vector<200x1xf32>
    %max3A = arith.constant 9.99999996E-13 : f32
    %max3A_9 = vector.broadcast %max3A : f32 to vector<200x1xf32>
    %max3A_10 = arith.maximumf %sqrt3A, %max3A_9 : vector<200x1xf32>
    %div3A = arith.divf %slice3A, %max3A_10 : vector<200x1xf32>
    %mul3A_11 = arith.constant 8.000000e-01 : f32
    %mul3A_12 = vector.broadcast %mul3A_11 : f32 to vector<200x1xf32>
    %mul3A_13 = arith.mulf %div3A, %mul3A_12 : vector<200x1xf32>
    %get3A_14 = arith.constant 0 : index
    %get3A_15 = arith.constant 0 : index
    %get3A_16 = vector.load %arg3[%get3A_14, %get3A_15] : memref<200x1xf32, #tpu.memory_space<vmem>>, vector<200x1xf32>
    %min3A = arith.constant 1.000000e+01 : f32
    %min3A_17 = vector.broadcast %min3A : f32 to vector<200x1xf32>
    %min3A_18 = arith.minimumf %slice3A_7, %min3A_17 : vector<200x1xf32>
    %exp3A = math.exp %min3A_18 : vector<200x1xf32>
    %mul3A_19 = arith.mulf %get3A_16, %exp3A : vector<200x1xf32>
    %add3A_20 = arith.addf %mul3A_13, %mul3A_19 : vector<200x1xf32>
    %swap3A = arith.constant 0 : index
    %swap3A_21 = arith.constant 0 : index
    %swap3A_22 = vector.load %arg5[%swap3A, %swap3A_21] : memref<200x1xf32, #tpu.memory_space<vmem>>, vector<200x1xf32>
    tpu.vector_store %arg5[%swap3A, %swap3A_21], %add3A_20 {strides = array<i32>} : memref<200x1xf32, #tpu.memory_space<vmem>>, vector<200x1xf32>,
    %get3A_23 = arith.constant 0 : index
    %get3A_24 = arith.constant 0 : index
    %get3A_25 = vector.load %arg4[%get3A_23, %get3A_24] : memref<2x6400xf32, #tpu.memory_space<vmem>>, vector<2x6400xf32>
    %log3A = math.log %get3A_25 : vector<2x6400xf32>
    %neg3A = arith.constant 0.000000e+00 : f32
    %neg3A_26 = vector.broadcast %neg3A : f32 to vector<2x6400xf32>
    %neg3A_27 = arith.subf %neg3A_26, %log3A : vector<2x6400xf32>
    %log3A_28 = math.log %neg3A_27 : vector<2x6400xf32>
    %neg3A_29 = arith.constant 0.000000e+00 : f32
    %neg3A_30 = vector.broadcast %neg3A_29 : f32 to vector<2x6400xf32>
    %neg3A_31 = arith.subf %neg3A_30, %log3A_28 : vector<2x6400xf32>
    %swap3A_32 = arith.constant 0 : index
    %swap3A_33 = arith.constant 0 : index
    %swap3A_34 = vector.load %arg6[%swap3A_32, %swap3A_33] : memref<2x6400xf32, #tpu.memory_space<vmem>>, vector<2x6400xf32>
    tpu.vector_store %arg6[%swap3A_32, %swap3A_33], %neg3A_31 {strides = array<i32>} : memref<2x6400xf32, #tpu.memory_space<vmem>>, vector<2x6400xf32>,
    return
  }
  func.func @transform_0(%arg0: i32) -> (i32, i32) {
    %add3A = arith.constant 25 : i32
    %add3A_0 = arith.addi %add3A, %arg0 : i32
    %c0_i32 = arith.constant 0 : i32
    %c0_i32_1 = arith.constant 0 : i32
    return %add3A_0, %c0_i32 : i32, i32
  }
  func.func @transform_1(%arg0: i32) -> (i32, i32) {
    %c0_i32 = arith.constant 0 : i32
    %c0_i32_0 = arith.constant 0 : i32
    %c0_i32_1 = arith.constant 0 : i32
    return %c0_i32, %c0_i32_0 : i32, i32
  }
  func.func @transform_2(%arg0: i32) -> (i32, i32) {
    %add3A = arith.constant 25 : i32
    %add3A_0 = arith.addi %add3A, %arg0 : i32
    %c0_i32 = arith.constant 0 : i32
    %c0_i32_1 = arith.constant 0 : i32
    return %add3A_0, %c0_i32 : i32, i32
  }
  func.func @transform_3(%arg0: i32) -> (i32, i32) {
    %add3A = arith.constant 25 : i32
    %add3A_0 = arith.addi %add3A, %arg0 : i32
    %c0_i32 = arith.constant 0 : i32
    %c0_i32_1 = arith.constant 0 : i32
    return %c0_i32, %add3A_0 : i32, i32
  }
  func.func @transform_4(%arg0: i32) -> (i32, i32) {
    %c0_i32 = arith.constant 0 : i32
    %c0_i32_0 = arith.constant 0 : i32
    return %arg0, %c0_i32 : i32, i32
  }
  func.func @transform_5(%arg0: i32) -> (i32, i32) {
    %c0_i32 = arith.constant 0 : i32
    %c0_i32_0 = arith.constant 0 : i32
    return %c0_i32, %arg0 : i32, i32
  }
}

</mosaic_0001>

<sc_bundles>
// kernel: kernel.12.cloned.1.call-start
scs
__scs_entry_jumppad:
0x0: {  	(pc) =	sbr.rel $0x88, $3  }
0x1: {  	(tag) =	ssettag $0x0;
	lr =	simm.s32 $0x1  }
0x2: {  	[smem:$0x3F96] =	sst lr;
	_ =	strace $0xD0000000  }
0x3: {  	_ = 	snop  }
0x4: {  	_ = 	snop  }
0x5: {  	_ = 	snop  }
0x6: {  	_ = 	snop  }
0x7: {  	_ = 	snop  }
__scs_overlays_trampoline_lowered:
0x8: {  	[smem:$0x3FA5] =	sst s0  }
0x9: {  	[smem:$0x3FA6] =	sst s1  }
0xa: {  	[smem:$0x3FA7] =	sst s2  }
0xb: {  	[smem:$0x3FA8] =	sst s3  }
0xc: {  	[smem:$0x3FA9] =	sst s4  }
0xd: {  	[smem:$0x3FAA] =	sst s5  }
0xe: {  	[smem:$0x3FAB] =	sst s6  }
0xf: {  	[smem:$0x3FAC] =	sst s7  }
0x10: {  	[smem:$0x3FAD] =	sst s8  }
0x11: {  	[smem:$0x3FAE] =	sst s9;
	s0 =	simm.s32 @!p0 $0x0  }
0x12: {  	s1 =	sld [smem:$0x3F94];
	s0 =	simm.s32 @p0 $0x1  }
0x13: {  	[smem:$0x3FAF] =	sst s0;
	s0 =	simm.s32 @!p1 $0x0  }
0x14: {  	s2 =	sld [smem:$0x3F93];
	s0 =	simm.s32 @p1 $0x1  }
0x15: {  	[smem:$0x3FB0] =	sst s0;
	s0 =	simm.s32 @!p2 $0x0  }
0x16: {  	s3 =	sld [smem:$0x3FDB];
	s0 =	simm.s32 @p2 $0x1  }
0x17: {  	s4 =	simm.s32 $0x1BF5;
	[smem:$0x3FB2] =	sst s0  }
0x18: {  	s0 =	sld [smem:$0x3F95];
	_ =	swait.ge [sflag:s4], $0x0  }
0x19: {  	s7 =	sld [smem:$0x3F96]  }
0x1a: {  	s8 =	sadd.s32 $0xFFFFE003, lr  }
0x1b: {  	s9 =	sadd.s32 $0xFFFFFEF7, lr;
	s5 =	simm.s32 $0xFFFFFFFF;
	p2 =	slt.u32 s8, $0xFFFFF086  }
0x1c: {  	p1 =	slt.u32 s9, $0xF7A;
	s5 =	simm.s32 @!p2 $0x0  }
0x1d: {  	s5 =	simm.s32 @p1 $0x1;
	p0 =	seq.s32 s7, s2  }
0x1e: {  	s7 =	smul.u32 @!p0 $0xF7A, s2;
	p2 =	seq.s32 @!p0 s5, $0x0  }
0x1f: {  	s9 =	smul.u32 $0xF7A, s1;
	s8 =	simm.s32 @!p0 $0x1BF5;
	p2 =	por !p2, p0  }
0x20: {  	[sflag:s8] =	ssyncset.s32 @!p0 $0xFFFFF086;
	s6 =	sadd.s32 @!p0 s3, s7;
	s7 =	simm.s32 @!p0 $0x108  }
0x21: {  	s3 =	sadd.s32 s3, s9;
	s6 =	sadd.s32 @!p0 $0x88, s6;
	s7 =	simm.s32 @p2 $0x1082  }
0x22: {  	[simem:s7], [sflag:s8] =	dma.local @!p0 [hbm:s6], $0xF7A  }
0x23: {  	s9 =	sor.u32 $0xD0000000, s2;
	s6 =	simm.s32 $0x108;
	_ =	swait.ge @!p0 [sflag:s8], $0x0  }
0x24: {  	s3 =	sadd.s32 $0x88, s3;
	s6 =	simm.s32 @!p1 $0x1082;
	[sflag:s4] =	ssyncset.s32 $0xFFFFF086  }
0x25: {  	[simem:s6], [sflag:s4] =	dma.local [hbm:s3], $0xF7A  }
0x26: {  	[smem:$0x3F96] =	sst s1;
	(tag) =	ssettag s2;
	_ =	strace s9  }
0x27: {  	s1 =	sld [smem:$0x3FA6]  }
0x28: {  	s2 =	sld [smem:$0x3FA7]  }
0x29: {  	s4 =	sld [smem:$0x3FA9]  }
0x2a: {  	p0 =	seq.s32 s5, $0x0;
	s5 =	sld [smem:$0x3FAA]  }
0x2b: {  	s6 =	sld [smem:$0x3FAB]  }
0x2c: {  	s7 =	sld [smem:$0x3FAC]  }
0x2d: {  	s3 =	simm.s32 $0x108;
	s8 =	sld [smem:$0x3FAD]  }
0x2e: {  	s3 =	simm.s32 @!p0 $0x1082;
	s9 =	sld [smem:$0x3FAE]  }
0x2f: {  	lr =	sadd.s32 s0, s3;
	s0 =	sld [smem:$0x3FA5]  }
0x30: {  	s3 =	sld [smem:$0x3FA8]  }
0x31: {  	[smem:$0x3FB1] =	sst s10  }
0x32: {  	s10 =	sld [smem:$0x3FAF];
	_ =	sdelay $0x3  }
0x33: {  	p0 =	seq.s32 s10, $0x1;
	s10 =	sld [smem:$0x3FB1];
	_ =	sdelay $0x3  }
0x34: {  	[smem:$0x3FB1] =	sst s10  }
0x35: {  	s10 =	sld [smem:$0x3FB0];
	_ =	sdelay $0x3  }
0x36: {  	p1 =	seq.s32 s10, $0x1;
	s10 =	sld [smem:$0x3FB1];
	_ =	sdelay $0x3  }
0x37: {  	[smem:$0x3FB1] =	sst s10  }
0x38: {  	s10 =	sld [smem:$0x3FB2]  }
0x39: {  	_ = 	snop;
	(pc) =	sbr.ind lr, $3  }
0x3a: {  	_ = 	snop  }
0x3b: {  	_ = 	snop  }
0x3c: {  	p2 =	seq.s32 s10, $0x1;
	s10 =	sld [smem:$0x3FB1]  }
0x3d: {  	_ =	shalt  }
0x3e: {  	_ =	shalt  }
0x3f: {  	_ =	shalt  }
0x40: {  	_ =	shalt  }
0x41: {  	_ =	shalt  }
0x42: {  	_ =	shalt  }
0x43: {  	_ =	shalt  }
0x44: {  	_ =	shalt  }
0x45: {  	_ =	shalt  }
0x46: {  	_ =	shalt  }
0x47: {  	_ =	shalt  }
0x48: {  	_ =	shalt  }
0x49: {  	_ =	shalt  }
0x4a: {  	_ =	shalt  }
0x4b: {  	_ =	shalt  }
0x4c: {  	_ =	shalt  }
0x4d: {  	_ =	shalt  }
0x4e: {  	_ =	shalt  }
0x4f: {  	_ =	shalt  }
0x50: {  	_ =	shalt  }
0x51: {  	_ =	shalt  }
0x52: {  	_ =	shalt  }
0x53: {  	_ =	shalt  }
0x54: {  	_ =	shalt  }
0x55: {  	_ =	shalt  }
0x56: {  	_ =	shalt  }
0x57: {  	_ =	shalt  }
0x58: {  	_ =	shalt  }
0x59: {  	_ =	shalt  }
0x5a: {  	_ =	shalt  }
0x5b: {  	_ =	shalt  }
0x5c: {  	_ =	shalt  }
0x5d: {  	_ =	shalt  }
0x5e: {  	_ =	shalt  }
0x5f: {  	_ =	shalt  }
0x60: {  	_ =	shalt  }
0x61: {  	_ =	shalt  }
0x62: {  	_ =	shalt  }
0x63: {  	_ =	shalt  }
0x64: {  	_ =	shalt  }
0x65: {  	_ =	shalt  }
0x66: {  	_ =	shalt  }
0x67: {  	_ =	shalt  }
0x68: {  	_ =	shalt  }
0x69: {  	_ =	shalt  }
0x6a: {  	_ =	shalt  }
0x6b: {  	_ =	shalt  }
0x6c: {  	_ =	shalt  }
0x6d: {  	_ =	shalt  }
0x6e: {  	_ =	shalt  }
0x6f: {  	_ =	shalt  }
0x70: {  	_ =	shalt  }
0x71: {  	_ =	shalt  }
0x72: {  	_ =	shalt  }
0x73: {  	_ =	shalt  }
0x74: {  	_ =	shalt  }
0x75: {  	_ =	shalt  }
0x76: {  	_ =	shalt  }
0x77: {  	_ =	shalt  }
0x78: {  	_ =	shalt  }
0x79: {  	_ =	shalt  }
0x7a: {  	_ =	shalt  }
0x7b: {  	_ =	shalt  }
0x7c: {  	_ =	shalt  }
0x7d: {  	_ =	shalt  }
0x7e: {  	_ =	shalt  }
0x7f: {  	_ =	shalt  }
0x80: {  	_ =	shalt  }
0x81: {  	_ =	shalt  }
0x82: {  	_ =	shalt  }
0x83: {  	_ =	shalt  }
0x84: {  	_ =	shalt  }
0x85: {  	_ =	shalt  }
0x86: {  	_ =	shalt  }
0x87: {  	_ =	shalt  }
.Lfunc_end0:
.L_simem_size_0:
called_computation_lowered:
.L_overlay_start_0:
0x88: {  	s2 =	sld [smem:$0x3FD9]  }
0x89: {  	s3 =	sld [smem:$0x3FFE];
	_ =	sdelay $0x1  }
0x8a: {  	s1 =	srdreg.scid  }
0x8b: {  	s0 =	sand.u32 $0x1, s1  }
0x8c: {  	s17 =	sshll.u32 s0, $0xA;
	s2 =	sadd.s32 s3, s2  }
0x8d: {  	s2 =	sadd.s32 s2, s17  }
0x8e: {  	[smem:$0x3FBD] =	sst s2  }
0x8f: {  	_ = 	snop  }
0x90: {  	s2 =	sld [smem:$0x3FD0];
	(tm) =	ssettm $0x1  }
0x91: {  	s18 =	sld [smem:$0x3FFB];
	_ =	sdelay $0x3  }
0x92: {  	_ =	strace s18  }
0x93: {  	s3 =	sld [smem:$0x3FFC];
	_ =	sdelay $0x3  }
0x94: {  	_ =	strace s3  }
0x95: {  	s3 =	sld [smem:$0x3FFD];
	_ =	sdelay $0x3  }
0x96: {  	_ =	strace s3  }
0x97: {  	_ =	strace $0x8FFFFFFF  }
0x98: {  	s19 =	sld [smem:$0x3FDB];
	_ =	sdelay $0x1  }
0x99: {  	s4 =	simm.s32 $_scs_section_size  }
0x9a: {  	s5 =	simm.s32 $_size__tile_overlayer_lowered;
	s6 =	simm.s32 $_tile_overlayer_lowered  }
0x9b: {  	s22 =	simm.s32 $0x1BFF;
	s21 =	sshll.u32 s6, $0x1;
	s3 =	sadd.s32 s4, s19  }
0x9c: {  	s7 =	simm.s32 $0x0;
	s20 =	sshll.u32 s5, $0x1;
	s5 =	sadd.s32 s21, s3  }
0x9d: {  	[timem:s7], [sflag:s22] =	dma.local [hbm:s5], s20  }
0x9e: {  	_ =	swait.ge [sflag:s22], s20  }
0x9f: {  	s4 =	ssub.s32 $0x0, s20;
	[sflag:s22] =	ssyncset.done $0x0  }
0xa0: {  	[sflag:s22] =	ssyncadd.s32 s4;
	_ =	sdelay $0x1  }
0xa1: {  	s23 =	simm.s32 $0x1B8B  }
0xa2: {  	_ =	swait.ge [sflag:s23], $0x1  }
0xa3: {  	[sflag:s23] =	ssyncset.done $0x0  }
0xa4: {  	s25 =	simm.s32 $0x1B8E;
	s24 =	sld [smem:$0x3FFE];
	[sflag:s23] =	ssyncadd.s32 $0xFFFFFFFF  }
0xa5: {  	s26 =	simm.s32 $execute0_lowered;
	[smem:$0x3FD2] =	sst s25  }
0xa6: {  	s5 =	sshll.u32 s26, $0x1;
	_ =	strace $0x80000046;
	[dreg:$0x1] =	wrdreg $0xFFFFFFFF  }
0xa7: {  	s28 =	simm.s32 $_size_execute0_lowered;
	s3 =	sadd.s32 s3, s5;
	[dreg:$0x0] =	wrdreg $0x0  }
0xa8: {  	s5 =	sshll.u32 s28, $0x1;
	[dreg:$0x2] =	wrdreg s3  }
0xa9: {  	[dreg:$0x3] =	wrdreg s5  }
0xaa: {  	[dreg:$0x4] =	wrdreg $0xC0  }
0xab: {  	_ =	task [dreg:s7], $0x5FFFF  }
0xac: {  	[dreg:$0x1] =	wrdreg $0xFFFFFFFF  }
0xad: {  	[dreg:$0x0] =	wrdreg $0x60  }
0xae: {  	[dreg:$0x2] =	wrdreg s24  }
0xaf: {  	[dreg:$0x3] =	wrdreg s2  }
0xb0: {  	[dreg:$0x4] =	wrdreg $0x10000  }
0xb1: {  	[dreg:$0x5] =	wrdreg $0x9  }
0xb2: {  	_ =	task.clear_ibuf [dreg:s7], $0x6FFFF;
	_ =	strace $0x90000046  }
0xb3: {  	s29 =	simm.s32 $0x9;
	_ =	strace $0x80000048  }
0xb4: {  	_ =	swait.ge [sflag:s29], $0x1  }
0xb5: {  	[sflag:s29] =	ssyncadd.s32 $0xFFFFFFFF  }
0xb6: {  	_ =	strace $0x90000048  }
0xb7: {  	_ =	sfence  }
0xb8: {  	s30 =	sld [smem:$0x0];
	_ =	sdelay $0x2  }
0xb9: {  	s31 =	sshll.u32 s1, $0xD;
	s1 =	sshrl.u32 s1, $0x2  }
0xba: {  	s3 =	sand.u32 $0x4000, s31;
	s1 =	sadd.s32 s1, s30  }
0xbb: {  	s0 =	sor.u32 s3, s0;
	s1 =	sshll.u32 s1, $0x11  }
0xbc: {  	s0 =	sor.u32 s1, s0  }
0xbd: {  	s0 =	sadd.s32 $0x8F2B, s0  }
0xbe: {  	[sflag:s0] =	ssyncadd.remote.s32 $0x1  }
0xbf: {  	_ =	sfence.sel $0xFFFF  }
0xc0: {  	[dreg:$0x0] =	wrdreg $0xFFFFFFFF;
	(pc) =	sbr.abs _section_cstart, $3  }
0xc1: {  	[dreg:$0x1] =	wrdreg $0xFFFFFFFF  }
0xc2: {  	_ =	task.clear_ibuf [dreg:s7], $0x2FFFF;
	_ =	strace $0x9FFFFFFF  }
0xc3: {  	(tm) =	ssettm $0x7FFFFFFF  }
tec
execute0_lowered:
.L_overlay_start_1:
0x0: {  	(tag) =	ssettag $0x1  }
0x1: {  	s0 =	srdreg.scid;
	s3 =	rddreg [dreg:$0x0]  }
0x2: {  	s11 =	rddreg [dreg:$0x1];
	s6 =	stileid.u32;
	s4 =	sand.u32 $0x1, s0  }
0x3: {  	s1 =	rddreg [dreg:$0x2];
	s2 =	simm.s32 $0x0;
	s7 =	ssub.s32 $0x2, s4  }
0x4: {  	p1 =	por $0x0, $0x0;
	[smem:$0x7FF] =	sst s2;
	s8 =	sshrl.u32 s7, $0x1  }
0x5: {  	s14 =	sadd.s32 $0x16E00, s3;
	s0 =	sshll.u32 s4, $0x4;
	s7 =	ssub.s32 s7, s8  }
0x6: {  	p0 =	seq.s32 s4, $0x1;
	s5 =	sor.u32 s6, s0;
	s31 =	smax.u32 s7, $0x1  }
0x7: {  	s0 =	rddreg [dreg:$0x3];
	s5 =	smul.u32 $0x2710, s5;
	s17 =	sadd.s32 $0xFFFFFFFF, s31  }
0x8: {  	_ =	strace $0x80000047;
	s8 =	simm.s32 $0x7D0;
	p2 =	sne.s32 s17, $0x0  }
.Ltmp0:
0x9: {  	s7 =	simm.s32 $0x17600;
	s5 =	sshrl.u32 s5, $0x3;
	(pc) =	sbr.rel @!p2 .LBB2_3-.Ltmp0, $4  }
0xa: {  	s7 =	simm.s32 @!p0 $0x17000;
	p0 =	sne.s32 s6, $0x0;
	s6 =	simm.s32 $0x1  }
0xb: {  	s5 =	sadd.s32 s5, s3;
	s3 =	sadd.s32 s7, s3;
	s4 =	sshrl.u32 @!p0 s1, $0x3  }
0xc: {  	s7 =	simm.s32 $0x800;
	s13 =	sadd.s32 $0xD000, s5;
	s12 =	sadd.s32 $0xD0FA, s5  }
0xd: {  	s10 =	sadd.s32 $0xD1F4, s5;
	s9 =	sadd.s32 $0xD2EE, s5;
	s5 =	sadd.s32 $0xD3E8, s5  }
0xe: {  	s16 =	simm.s32 @!p0 $0x1C01;
	s15 =	simm.s32 @!p0 $0x1  }
0xf: {  	[spmem:s4], [sflag:s16] =	dma.local @!p0 [hbm:s11], $0x4F0  }
0x10: {  	_ =	swait.ge @!p0 [sflag:s15], $0x4F0  }
0x11: {  	[sflag:s15] =	ssyncset.done @!p0 $0x0  }
0x12: {  	[sflag:s15] =	ssyncadd.s32 @!p0 $0xFFFFFB10  }
0x13: {  	[tilespmem:s7], [sflag:$0x1] =	stream.linear.gather [hbm4b:s14+s2], $0x800, $0x38;
	[tilespmem:$0x1278] =	vst v63  }
0x14: {  	_ =	swait.ge [sflag:s6], $0x800  }
0x15: {  	[sflag:s6] =	ssyncset.done $0x0  }
0x16: {  	[sflag:s6] =	ssyncadd.s32 $0xFFFFF800  }
0x17: {  	[bflag:$0x0] =	sbarrier.arrive $0xFFFF  }
0x18: {  	[tilespmem:s2], [sflag:$0x1] =	stream.linear.gather [hbm4b:s13+s2], $0x7D0, $0x38;
	[tilespmem:$0x1278] =	vst v63  }
0x19: {  	_ =	swait.ge [sflag:s6], $0x7D0  }
0x1a: {  	[sflag:s6] =	ssyncset.done $0x0  }
0x1b: {  	[sflag:s6] =	ssyncadd.s32 $0xFFFFF830  }
0x1c: {  	[spmem:s1] =	stream.indirect.scatter.add.f32 [tilespmem:s7], [sflag:$0x1], $0x1, s2, s8, $0xb8;
	[tilespmem:$0x1278] =	vst v63  }
0x1d: {  	_ =	swait.ge [sflag:s6], $0x7D0  }
0x1e: {  	[sflag:s6] =	ssyncset.done $0x0  }
0x1f: {  	[sflag:s6] =	ssyncadd.s32 $0xFFFFF830  }
0x20: {  	[tilespmem:s2], [sflag:$0x1] =	stream.linear.gather [hbm4b:s12+s2], $0x7D0, $0x38;
	[tilespmem:$0x1278] =	vst v63  }
0x21: {  	_ =	swait.ge [sflag:s6], $0x7D0  }
0x22: {  	[sflag:s6] =	ssyncset.done $0x0  }
0x23: {  	[sflag:s6] =	ssyncadd.s32 $0xFFFFF830  }
0x24: {  	[spmem:s1] =	stream.indirect.scatter.add.f32 [tilespmem:s7], [sflag:$0x1], $0x1, s2, s8, $0xb8;
	[tilespmem:$0x1278] =	vst v63  }
0x25: {  	_ =	swait.ge [sflag:s6], $0x7D0  }
0x26: {  	[sflag:s6] =	ssyncset.done $0x0  }
0x27: {  	[sflag:s6] =	ssyncadd.s32 $0xFFFFF830  }
0x28: {  	[tilespmem:s2], [sflag:$0x1] =	stream.linear.gather [hbm4b:s10+s2], $0x7D0, $0x38;
	[tilespmem:$0x1278] =	vst v63  }
0x29: {  	_ =	swait.ge [sflag:s6], $0x7D0  }
0x2a: {  	[sflag:s6] =	ssyncset.done $0x0  }
0x2b: {  	[sflag:s6] =	ssyncadd.s32 $0xFFFFF830  }
0x2c: {  	[spmem:s1] =	stream.indirect.scatter.add.f32 [tilespmem:s7], [sflag:$0x1], $0x1, s2, s8, $0xb8;
	[tilespmem:$0x1278] =	vst v63  }
0x2d: {  	_ =	swait.ge [sflag:s6], $0x7D0  }
0x2e: {  	[sflag:s6] =	ssyncset.done $0x0  }
0x2f: {  	[sflag:s6] =	ssyncadd.s32 $0xFFFFF830  }
0x30: {  	[tilespmem:s2], [sflag:$0x1] =	stream.linear.gather [hbm4b:s9+s2], $0x7D0, $0x38;
	[tilespmem:$0x1278] =	vst v63  }
0x31: {  	_ =	swait.ge [sflag:s6], $0x7D0  }
0x32: {  	[sflag:s6] =	ssyncset.done $0x0  }
0x33: {  	[sflag:s6] =	ssyncadd.s32 $0xFFFFF830  }
0x34: {  	[spmem:s1] =	stream.indirect.scatter.add.f32 [tilespmem:s7], [sflag:$0x1], $0x1, s2, s8, $0xb8;
	[tilespmem:$0x1278] =	vst v63  }
0x35: {  	_ =	swait.ge [sflag:s6], $0x7D0  }
0x36: {  	[sflag:s6] =	ssyncset.done $0x0  }
0x37: {  	[sflag:s6] =	ssyncadd.s32 $0xFFFFF830  }
0x38: {  	[tilespmem:s2], [sflag:$0x1] =	stream.linear.gather [hbm4b:s5+s2], $0x7D0, $0x38;
	[tilespmem:$0x1278] =	vst v63  }
0x39: {  	_ =	swait.ge [sflag:s6], $0x7D0  }
0x3a: {  	[sflag:s6] =	ssyncset.done $0x0  }
0x3b: {  	[sflag:s6] =	ssyncadd.s32 $0xFFFFF830  }
0x3c: {  	[spmem:s1] =	stream.indirect.scatter.add.f32 [tilespmem:s7], [sflag:$0x1], $0x1, s2, s8, $0xb8;
	[tilespmem:$0x1278] =	vst v63  }
0x3d: {  	s17 =	sadd.s32 $0xFFFFFFFF, s17;
	_ =	swait.ge [sflag:s6], $0x7D0  }
0x3e: {  	p2 =	sne.s32 s17, $0x0;
	[sflag:s6] =	ssyncset.done $0x0  }
.Ltmp1:
0x3f: {  	[sflag:s6] =	ssyncadd.s32 $0xFFFFF830;
	(pc) =	sbr.rel @!p2 .LBB2_3-.Ltmp1, $4  }
0x40: {  	[bflag:$0x0] =	sbarrier.arrive $0xFFFF  }
0x41: {  	[hbm:s3], [sflag:s16] =	dma.local @!p0 [spmem:s4], $0x4F0  }
0x42: {  	_ =	swait.ge @!p0 [sflag:s15], $0x4F0  }
0x43: {  	p1 =	por $0x1, $0x1;
	[sflag:s15] =	ssyncset.done @!p0 $0x0  }
.LBB2_2:
0x44: {  	[sflag:s15] =	ssyncadd.s32 @!p0 $0xFFFFFB10  }
0x45: {  	[spmem:s4], [sflag:s16] =	dma.local @!p0 [hbm:s11], $0x4F0  }
0x46: {  	s17 =	sadd.s32 $0xFFFFFFFF, s17;
	_ =	swait.ge @!p0 [sflag:s15], $0x4F0  }
0x47: {  	p2 =	sne.s32 s17, $0x0;
	[sflag:s15] =	ssyncset.done @!p0 $0x0  }
0x48: {  	[sflag:s15] =	ssyncadd.s32 @!p0 $0xFFFFFB10  }
0x49: {  	[tilespmem:s7], [sflag:$0x1] =	stream.linear.gather [hbm4b:s14+s2], $0x800, $0x38;
	[tilespmem:$0x1278] =	vst v63  }
0x4a: {  	_ =	swait.ge [sflag:s6], $0x800  }
0x4b: {  	[sflag:s6] =	ssyncset.done $0x0  }
0x4c: {  	[sflag:s6] =	ssyncadd.s32 $0xFFFFF800  }
0x4d: {  	[bflag:$0x0] =	sbarrier.arrive $0xFFFF  }
0x4e: {  	[tilespmem:s2], [sflag:$0x1] =	stream.linear.gather [hbm4b:s13+s2], $0x7D0, $0x38;
	[tilespmem:$0x1278] =	vst v63  }
0x4f: {  	_ =	swait.ge [sflag:s6], $0x7D0  }
0x50: {  	[sflag:s6] =	ssyncset.done $0x0  }
0x51: {  	[sflag:s6] =	ssyncadd.s32 $0xFFFFF830  }
0x52: {  	[spmem:s1] =	stream.indirect.scatter.add.f32 [tilespmem:s7], [sflag:$0x1], $0x1, s2, s8, $0xb8;
	[tilespmem:$0x1278] =	vst v63  }
0x53: {  	_ =	swait.ge [sflag:s6], $0x7D0  }
0x54: {  	[sflag:s6] =	ssyncset.done $0x0  }
0x55: {  	[sflag:s6] =	ssyncadd.s32 $0xFFFFF830  }
0x56: {  	[tilespmem:s2], [sflag:$0x1] =	stream.linear.gather [hbm4b:s12+s2], $0x7D0, $0x38;
	[tilespmem:$0x1278] =	vst v63  }
0x57: {  	_ =	swait.ge [sflag:s6], $0x7D0  }
0x58: {  	[sflag:s6] =	ssyncset.done $0x0  }
0x59: {  	[sflag:s6] =	ssyncadd.s32 $0xFFFFF830  }
0x5a: {  	[spmem:s1] =	stream.indirect.scatter.add.f32 [tilespmem:s7], [sflag:$0x1], $0x1, s2, s8, $0xb8;
	[tilespmem:$0x1278] =	vst v63  }
0x5b: {  	_ =	swait.ge [sflag:s6], $0x7D0  }
0x5c: {  	[sflag:s6] =	ssyncset.done $0x0  }
0x5d: {  	[sflag:s6] =	ssyncadd.s32 $0xFFFFF830  }
0x5e: {  	[tilespmem:s2], [sflag:$0x1] =	stream.linear.gather [hbm4b:s10+s2], $0x7D0, $0x38;
	[tilespmem:$0x1278] =	vst v63  }
0x5f: {  	_ =	swait.ge [sflag:s6], $0x7D0  }
0x60: {  	[sflag:s6] =	ssyncset.done $0x0  }
0x61: {  	[sflag:s6] =	ssyncadd.s32 $0xFFFFF830  }
0x62: {  	[spmem:s1] =	stream.indirect.scatter.add.f32 [tilespmem:s7], [sflag:$0x1], $0x1, s2, s8, $0xb8;
	[tilespmem:$0x1278] =	vst v63  }
0x63: {  	_ =	swait.ge [sflag:s6], $0x7D0  }
0x64: {  	[sflag:s6] =	ssyncset.done $0x0  }
0x65: {  	[sflag:s6] =	ssyncadd.s32 $0xFFFFF830  }
0x66: {  	[tilespmem:s2], [sflag:$0x1] =	stream.linear.gather [hbm4b:s9+s2], $0x7D0, $0x38;
	[tilespmem:$0x1278] =	vst v63  }
0x67: {  	_ =	swait.ge [sflag:s6], $0x7D0  }
0x68: {  	[sflag:s6] =	ssyncset.done $0x0  }
0x69: {  	[sflag:s6] =	ssyncadd.s32 $0xFFFFF830  }
0x6a: {  	[spmem:s1] =	stream.indirect.scatter.add.f32 [tilespmem:s7], [sflag:$0x1], $0x1, s2, s8, $0xb8;
	[tilespmem:$0x1278] =	vst v63  }
0x6b: {  	_ =	swait.ge [sflag:s6], $0x7D0  }
0x6c: {  	[sflag:s6] =	ssyncset.done $0x0  }
0x6d: {  	[sflag:s6] =	ssyncadd.s32 $0xFFFFF830  }
0x6e: {  	[tilespmem:s2], [sflag:$0x1] =	stream.linear.gather [hbm4b:s5+s2], $0x7D0, $0x38;
	[tilespmem:$0x1278] =	vst v63  }
0x6f: {  	_ =	swait.ge [sflag:s6], $0x7D0  }
0x70: {  	[sflag:s6] =	ssyncset.done $0x0  }
0x71: {  	[sflag:s6] =	ssyncadd.s32 $0xFFFFF830  }
0x72: {  	[spmem:s1] =	stream.indirect.scatter.add.f32 [tilespmem:s7], [sflag:$0x1], $0x1, s2, s8, $0xb8;
	[tilespmem:$0x1278] =	vst v63  }
0x73: {  	_ =	swait.ge [sflag:s6], $0x7D0  }
0x74: {  	[sflag:s6] =	ssyncset.done $0x0  }
.Ltmp2:
0x75: {  	[sflag:s6] =	ssyncadd.s32 $0xFFFFF830;
	(pc) =	sbr.rel @p2 .LBB2_2-.Ltmp2, $4  }
0x76: {  	[bflag:$0x0] =	sbarrier.arrive $0xFFFF  }
0x77: {  	[hbm:s3], [sflag:s16] =	dma.local @!p0 [spmem:s4], $0x4F0  }
0x78: {  	_ =	swait.ge @!p0 [sflag:s15], $0x4F0  }
0x79: {  	[sflag:s15] =	ssyncset.done @!p0 $0x0  }
.LBB2_3:
0x7a: {  	p1 =	por p0, !p1  }
0x7b: {  	s16 =	simm.s32 @!p0 $0x1C01;
	s17 =	simm.s32 @!p0 $0x1;
	[sflag:s15] =	ssyncadd.s32 @!p1 $0xFFFFFB10  }
0x7c: {  	[spmem:s4], [sflag:s16] =	dma.local @!p0 [hbm:s11], $0x4F0  }
0x7d: {  	_ =	swait.ge @!p0 [sflag:s17], $0x4F0  }
0x7e: {  	[sflag:s17] =	ssyncset.done @!p0 $0x0  }
0x7f: {  	[sflag:s17] =	ssyncadd.s32 @!p0 $0xFFFFFB10  }
0x80: {  	[tilespmem:s7], [sflag:$0x1] =	stream.linear.gather [hbm4b:s14+s2], $0x800, $0x38;
	[tilespmem:$0x1278] =	vst v63  }
0x81: {  	_ =	swait.ge [sflag:s6], $0x800  }
0x82: {  	[sflag:s6] =	ssyncset.done $0x0  }
0x83: {  	[sflag:s6] =	ssyncadd.s32 $0xFFFFF800  }
0x84: {  	[bflag:$0x0] =	sbarrier.arrive $0xFFFF  }
0x85: {  	[tilespmem:s2], [sflag:$0x1] =	stream.linear.gather [hbm4b:s13+s2], $0x7D0, $0x38;
	[tilespmem:$0x1278] =	vst v63  }
0x86: {  	_ =	swait.ge [sflag:s6], $0x7D0  }
0x87: {  	[sflag:s6] =	ssyncset.done $0x0  }
0x88: {  	[sflag:s6] =	ssyncadd.s32 $0xFFFFF830  }
0x89: {  	[spmem:s1] =	stream.indirect.scatter.add.f32 [tilespmem:s7], [sflag:$0x1], $0x1, s2, s8, $0xb8;
	[tilespmem:$0x1278] =	vst v63  }
0x8a: {  	_ =	swait.ge [sflag:s6], $0x7D0  }
0x8b: {  	[sflag:s6] =	ssyncset.done $0x0  }
0x8c: {  	[sflag:s6] =	ssyncadd.s32 $0xFFFFF830  }
0x8d: {  	[tilespmem:s2], [sflag:$0x1] =	stream.linear.gather [hbm4b:s12+s2], $0x7D0, $0x38;
	[tilespmem:$0x1278] =	vst v63  }
0x8e: {  	_ =	swait.ge [sflag:s6], $0x7D0  }
0x8f: {  	[sflag:s6] =	ssyncset.done $0x0  }
0x90: {  	[sflag:s6] =	ssyncadd.s32 $0xFFFFF830  }
0x91: {  	[spmem:s1] =	stream.indirect.scatter.add.f32 [tilespmem:s7], [sflag:$0x1], $0x1, s2, s8, $0xb8;
	[tilespmem:$0x1278] =	vst v63  }
0x92: {  	_ =	swait.ge [sflag:s6], $0x7D0  }
0x93: {  	[sflag:s6] =	ssyncset.done $0x0  }
0x94: {  	[sflag:s6] =	ssyncadd.s32 $0xFFFFF830  }
0x95: {  	[tilespmem:s2], [sflag:$0x1] =	stream.linear.gather [hbm4b:s10+s2], $0x7D0, $0x38;
	[tilespmem:$0x1278] =	vst v63  }
0x96: {  	_ =	swait.ge [sflag:s6], $0x7D0  }
0x97: {  	[sflag:s6] =	ssyncset.done $0x0  }
0x98: {  	[sflag:s6] =	ssyncadd.s32 $0xFFFFF830  }
0x99: {  	[spmem:s1] =	stream.indirect.scatter.add.f32 [tilespmem:s7], [sflag:$0x1], $0x1, s2, s8, $0xb8;
	[tilespmem:$0x1278] =	vst v63  }
0x9a: {  	_ =	swait.ge [sflag:s6], $0x7D0  }
0x9b: {  	[sflag:s6] =	ssyncset.done $0x0  }
0x9c: {  	[sflag:s6] =	ssyncadd.s32 $0xFFFFF830  }
0x9d: {  	[tilespmem:s2], [sflag:$0x1] =	stream.linear.gather [hbm4b:s9+s2], $0x7D0, $0x38;
	[tilespmem:$0x1278] =	vst v63  }
0x9e: {  	_ =	swait.ge [sflag:s6], $0x7D0  }
0x9f: {  	[sflag:s6] =	ssyncset.done $0x0  }
0xa0: {  	[sflag:s6] =	ssyncadd.s32 $0xFFFFF830  }
0xa1: {  	[spmem:s1] =	stream.indirect.scatter.add.f32 [tilespmem:s7], [sflag:$0x1], $0x1, s2, s8, $0xb8;
	[tilespmem:$0x1278] =	vst v63  }
0xa2: {  	_ =	swait.ge [sflag:s6], $0x7D0  }
0xa3: {  	[sflag:s6] =	ssyncset.done $0x0  }
0xa4: {  	[sflag:s6] =	ssyncadd.s32 $0xFFFFF830  }
0xa5: {  	[tilespmem:s2], [sflag:$0x1] =	stream.linear.gather [hbm4b:s5+s2], $0x7D0, $0x38;
	[tilespmem:$0x1278] =	vst v63  }
0xa6: {  	_ =	swait.ge [sflag:s6], $0x7D0  }
0xa7: {  	[sflag:s6] =	ssyncset.done $0x0  }
0xa8: {  	[sflag:s6] =	ssyncadd.s32 $0xFFFFF830  }
0xa9: {  	[spmem:s1] =	stream.indirect.scatter.add.f32 [tilespmem:s7], [sflag:$0x1], $0x1, s2, s8, $0xb8;
	[tilespmem:$0x1278] =	vst v63  }
0xaa: {  	_ =	swait.ge [sflag:s6], $0x7D0  }
0xab: {  	[sflag:s6] =	ssyncset.done $0x0  }
0xac: {  	[sflag:s6] =	ssyncadd.s32 $0xFFFFF830  }
0xad: {  	[bflag:$0x0] =	sbarrier.arrive $0xFFFF  }
0xae: {  	[hbm:s3], [sflag:s16] =	dma.local @!p0 [spmem:s4], $0x4F0  }
0xaf: {  	_ =	swait.ge @!p0 [sflag:s17], $0x4F0  }
0xb0: {  	[sflag:s17] =	ssyncset.done @!p0 $0x0  }
0xb1: {  	[sflag:s17] =	ssyncadd.s32 @!p0 $0xFFFFFB10  }
0xb2: {  	_ =	sfence.sel $0x180000  }
0xb3: {  	[bflag:$0x0] =	sbarrier.arrive $0xFFFF  }
0xb4: {  	_ =	strace $0x90000047  }
0xb5: {  	s0 =	sadd.s32 @!p0 $0x100000, s0;
	[bflag:$0x2] =	sbarrier.arrive $0xFFFF  }
0xb6: {  	[sflag:s0] =	ssyncadd.tile.s32 @!p0 $0x1;
	_ =	shalt  }
.Lfunc_end2:
_tile_overlayer_lowered:
.L_overlay_start_2:
0xb7: {  	(tag) =	ssettag $0x2  }
0xb8: {  	s0 =	rddreg [dreg:$0x0];
	s2 =	stileid.u32  }
0xb9: {  	s1 =	rddreg [dreg:$0x1];
	p0 =	sne.s32 s2, $0x0  }
0xba: {  	s3 =	rddreg [dreg:$0x2];
	[bflag:$0x3] =	sbarrier.arrive $0xFFFF;
	s2 =	simm.s32 @!p0 $0x1C01  }
0xbb: {  	[timem:s3], [sflag:s2] =	dma.local @!p0 [hbm:s0], s1  }
0xbc: {  	s0 =	simm.s32 @!p0 $0x1  }
0xbd: {  	_ =	swait.ge @!p0 [sflag:s0], s1  }
0xbe: {  	s1 =	ssub.s32 @!p0 $0x0, s1;
	[sflag:s0] =	ssyncset.done @!p0 $0x0  }
0xbf: {  	[sflag:s0] =	ssyncadd.s32 @!p0 s1  }
0xc0: {  	[bflag:$0x3] =	sbarrier.arrive $0xFFFF  }
0xc1: {  	_ =	shalt  }

// kernel: kernel.15.cloned.1.call-start
scs
__scs_entry_jumppad:
0x0: {  	(pc) =	sbr.rel $0x88, $3  }
0x1: {  	(tag) =	ssettag $0x0;
	lr =	simm.s32 $0x1  }
0x2: {  	[smem:$0x3F96] =	sst lr;
	_ =	strace $0xD0000000  }
0x3: {  	_ = 	snop  }
0x4: {  	_ = 	snop  }
0x5: {  	_ = 	snop  }
0x6: {  	_ = 	snop  }
0x7: {  	_ = 	snop  }
__scs_overlays_trampoline_lowered:
0x8: {  	[smem:$0x3FA5] =	sst s0  }
0x9: {  	[smem:$0x3FA6] =	sst s1  }
0xa: {  	[smem:$0x3FA7] =	sst s2  }
0xb: {  	[smem:$0x3FA8] =	sst s3  }
0xc: {  	[smem:$0x3FA9] =	sst s4  }
0xd: {  	[smem:$0x3FAA] =	sst s5  }
0xe: {  	[smem:$0x3FAB] =	sst s6  }
0xf: {  	[smem:$0x3FAC] =	sst s7  }
0x10: {  	[smem:$0x3FAD] =	sst s8  }
0x11: {  	[smem:$0x3FAE] =	sst s9;
	s0 =	simm.s32 @!p0 $0x0  }
0x12: {  	s1 =	sld [smem:$0x3F94];
	s0 =	simm.s32 @p0 $0x1  }
0x13: {  	[smem:$0x3FAF] =	sst s0;
	s0 =	simm.s32 @!p1 $0x0  }
0x14: {  	s2 =	sld [smem:$0x3F93];
	s0 =	simm.s32 @p1 $0x1  }
0x15: {  	[smem:$0x3FB0] =	sst s0;
	s0 =	simm.s32 @!p2 $0x0  }
0x16: {  	s3 =	sld [smem:$0x3FDB];
	s0 =	simm.s32 @p2 $0x1  }
0x17: {  	s4 =	simm.s32 $0x1BF5;
	[smem:$0x3FB2] =	sst s0  }
0x18: {  	s0 =	sld [smem:$0x3F95];
	_ =	swait.ge [sflag:s4], $0x0  }
0x19: {  	s7 =	sld [smem:$0x3F96]  }
0x1a: {  	s8 =	sadd.s32 $0xFFFFE003, lr  }
0x1b: {  	s9 =	sadd.s32 $0xFFFFFEF7, lr;
	s5 =	simm.s32 $0xFFFFFFFF;
	p2 =	slt.u32 s8, $0xFFFFF086  }
0x1c: {  	p1 =	slt.u32 s9, $0xF7A;
	s5 =	simm.s32 @!p2 $0x0  }
0x1d: {  	s5 =	simm.s32 @p1 $0x1;
	p0 =	seq.s32 s7, s2  }
0x1e: {  	s7 =	smul.u32 @!p0 $0xF7A, s2;
	p2 =	seq.s32 @!p0 s5, $0x0  }
0x1f: {  	s9 =	smul.u32 $0xF7A, s1;
	s8 =	simm.s32 @!p0 $0x1BF5;
	p2 =	por !p2, p0  }
0x20: {  	[sflag:s8] =	ssyncset.s32 @!p0 $0xFFFFF086;
	s6 =	sadd.s32 @!p0 s3, s7;
	s7 =	simm.s32 @!p0 $0x108  }
0x21: {  	s3 =	sadd.s32 s3, s9;
	s6 =	sadd.s32 @!p0 $0x88, s6;
	s7 =	simm.s32 @p2 $0x1082  }
0x22: {  	[simem:s7], [sflag:s8] =	dma.local @!p0 [hbm:s6], $0xF7A  }
0x23: {  	s9 =	sor.u32 $0xD0000000, s2;
	s6 =	simm.s32 $0x108;
	_ =	swait.ge @!p0 [sflag:s8], $0x0  }
0x24: {  	s3 =	sadd.s32 $0x88, s3;
	s6 =	simm.s32 @!p1 $0x1082;
	[sflag:s4] =	ssyncset.s32 $0xFFFFF086  }
0x25: {  	[simem:s6], [sflag:s4] =	dma.local [hbm:s3], $0xF7A  }
0x26: {  	[smem:$0x3F96] =	sst s1;
	(tag) =	ssettag s2;
	_ =	strace s9  }
0x27: {  	s1 =	sld [smem:$0x3FA6]  }
0x28: {  	s2 =	sld [smem:$0x3FA7]  }
0x29: {  	s4 =	sld [smem:$0x3FA9]  }
0x2a: {  	p0 =	seq.s32 s5, $0x0;
	s5 =	sld [smem:$0x3FAA]  }
0x2b: {  	s6 =	sld [smem:$0x3FAB]  }
0x2c: {  	s7 =	sld [smem:$0x3FAC]  }
0x2d: {  	s3 =	simm.s32 $0x108;
	s8 =	sld [smem:$0x3FAD]  }
0x2e: {  	s3 =	simm.s32 @!p0 $0x1082;
	s9 =	sld [smem:$0x3FAE]  }
0x2f: {  	lr =	sadd.s32 s0, s3;
	s0 =	sld [smem:$0x3FA5]  }
0x30: {  	s3 =	sld [smem:$0x3FA8]  }
0x31: {  	[smem:$0x3FB1] =	sst s10  }
0x32: {  	s10 =	sld [smem:$0x3FAF];
	_ =	sdelay $0x3  }
0x33: {  	p0 =	seq.s32 s10, $0x1;
	s10 =	sld [smem:$0x3FB1];
	_ =	sdelay $0x3  }
0x34: {  	[smem:$0x3FB1] =	sst s10  }
0x35: {  	s10 =	sld [smem:$0x3FB0];
	_ =	sdelay $0x3  }
0x36: {  	p1 =	seq.s32 s10, $0x1;
	s10 =	sld [smem:$0x3FB1];
	_ =	sdelay $0x3  }
0x37: {  	[smem:$0x3FB1] =	sst s10  }
0x38: {  	s10 =	sld [smem:$0x3FB2]  }
0x39: {  	_ = 	snop;
	(pc) =	sbr.ind lr, $3  }
0x3a: {  	_ = 	snop  }
0x3b: {  	_ = 	snop  }
0x3c: {  	p2 =	seq.s32 s10, $0x1;
	s10 =	sld [smem:$0x3FB1]  }
0x3d: {  	_ =	shalt  }
0x3e: {  	_ =	shalt  }
0x3f: {  	_ =	shalt  }
0x40: {  	_ =	shalt  }
0x41: {  	_ =	shalt  }
0x42: {  	_ =	shalt  }
0x43: {  	_ =	shalt  }
0x44: {  	_ =	shalt  }
0x45: {  	_ =	shalt  }
0x46: {  	_ =	shalt  }
0x47: {  	_ =	shalt  }
0x48: {  	_ =	shalt  }
0x49: {  	_ =	shalt  }
0x4a: {  	_ =	shalt  }
0x4b: {  	_ =	shalt  }
0x4c: {  	_ =	shalt  }
0x4d: {  	_ =	shalt  }
0x4e: {  	_ =	shalt  }
0x4f: {  	_ =	shalt  }
0x50: {  	_ =	shalt  }
0x51: {  	_ =	shalt  }
0x52: {  	_ =	shalt  }
0x53: {  	_ =	shalt  }
0x54: {  	_ =	shalt  }
0x55: {  	_ =	shalt  }
0x56: {  	_ =	shalt  }
0x57: {  	_ =	shalt  }
0x58: {  	_ =	shalt  }
0x59: {  	_ =	shalt  }
0x5a: {  	_ =	shalt  }
0x5b: {  	_ =	shalt  }
0x5c: {  	_ =	shalt  }
0x5d: {  	_ =	shalt  }
0x5e: {  	_ =	shalt  }
0x5f: {  	_ =	shalt  }
0x60: {  	_ =	shalt  }
0x61: {  	_ =	shalt  }
0x62: {  	_ =	shalt  }
0x63: {  	_ =	shalt  }
0x64: {  	_ =	shalt  }
0x65: {  	_ =	shalt  }
0x66: {  	_ =	shalt  }
0x67: {  	_ =	shalt  }
0x68: {  	_ =	shalt  }
0x69: {  	_ =	shalt  }
0x6a: {  	_ =	shalt  }
0x6b: {  	_ =	shalt  }
0x6c: {  	_ =	shalt  }
0x6d: {  	_ =	shalt  }
0x6e: {  	_ =	shalt  }
0x6f: {  	_ =	shalt  }
0x70: {  	_ =	shalt  }
0x71: {  	_ =	shalt  }
0x72: {  	_ =	shalt  }
0x73: {  	_ =	shalt  }
0x74: {  	_ =	shalt  }
0x75: {  	_ =	shalt  }
0x76: {  	_ =	shalt  }
0x77: {  	_ =	shalt  }
0x78: {  	_ =	shalt  }
0x79: {  	_ =	shalt  }
0x7a: {  	_ =	shalt  }
0x7b: {  	_ =	shalt  }
0x7c: {  	_ =	shalt  }
0x7d: {  	_ =	shalt  }
0x7e: {  	_ =	shalt  }
0x7f: {  	_ =	shalt  }
0x80: {  	_ =	shalt  }
0x81: {  	_ =	shalt  }
0x82: {  	_ =	shalt  }
0x83: {  	_ =	shalt  }
0x84: {  	_ =	shalt  }
0x85: {  	_ =	shalt  }
0x86: {  	_ =	shalt  }
0x87: {  	_ =	shalt  }
.Lfunc_end0:
.L_simem_size_0:
called_computation.1_lowered:
.L_overlay_start_0:
0x88: {  	s2 =	sld [smem:$0x3FD9]  }
0x89: {  	s3 =	sld [smem:$0x3FFE];
	_ =	sdelay $0x1  }
0x8a: {  	s1 =	srdreg.scid  }
0x8b: {  	s0 =	sand.u32 $0x1, s1  }
0x8c: {  	s16 =	sshll.u32 s0, $0xA;
	s2 =	sadd.s32 s3, s2  }
0x8d: {  	s2 =	sadd.s32 s2, s16  }
0x8e: {  	[smem:$0x3FBD] =	sst s2  }
0x8f: {  	_ = 	snop  }
0x90: {  	(tm) =	ssettm $0x1  }
0x91: {  	s17 =	sld [smem:$0x3FFB];
	_ =	sdelay $0x3  }
0x92: {  	_ =	strace s17  }
0x93: {  	s2 =	sld [smem:$0x3FFC];
	_ =	sdelay $0x3  }
0x94: {  	_ =	strace s2  }
0x95: {  	s2 =	sld [smem:$0x3FFD];
	_ =	sdelay $0x3  }
0x96: {  	_ =	strace s2  }
0x97: {  	_ =	strace $0x8FFFFFFF  }
0x98: {  	s18 =	sld [smem:$0x3FDB];
	_ =	sdelay $0x1  }
0x99: {  	s19 =	simm.s32 $_scs_section_size  }
0x9a: {  	s4 =	simm.s32 $_size__tile_overlayer_lowered;
	s5 =	simm.s32 $_tile_overlayer_lowered  }
0x9b: {  	s22 =	simm.s32 $0x1BFF;
	s21 =	sshll.u32 s5, $0x1;
	s2 =	sadd.s32 s19, s18  }
0x9c: {  	s6 =	simm.s32 $0x0;
	s20 =	sshll.u32 s4, $0x1;
	s4 =	sadd.s32 s21, s2  }
0x9d: {  	[timem:s6], [sflag:s22] =	dma.local [hbm:s4], s20  }
0x9e: {  	_ =	swait.ge [sflag:s22], s20  }
0x9f: {  	s3 =	ssub.s32 $0x0, s20;
	[sflag:s22] =	ssyncset.done $0x0  }
0xa0: {  	[sflag:s22] =	ssyncadd.s32 s3;
	_ =	sdelay $0x1  }
0xa1: {  	s23 =	simm.s32 $0x1B8B  }
0xa2: {  	_ =	swait.ge [sflag:s23], $0x1  }
0xa3: {  	[sflag:s23] =	ssyncset.done $0x0  }
0xa4: {  	s25 =	simm.s32 $0x1B8E;
	s24 =	sld [smem:$0x3FFE];
	[sflag:s23] =	ssyncadd.s32 $0xFFFFFFFF  }
0xa5: {  	s26 =	simm.s32 $execute0_lowered;
	[smem:$0x3FD2] =	sst s25  }
0xa6: {  	s4 =	sshll.u32 s26, $0x1;
	_ =	strace $0x80000049;
	[dreg:$0x1] =	wrdreg $0xFFFFFFFF  }
0xa7: {  	s28 =	simm.s32 $_size_execute0_lowered;
	s2 =	sadd.s32 s2, s4;
	[dreg:$0x0] =	wrdreg $0x0  }
0xa8: {  	s4 =	sshll.u32 s28, $0x1;
	[dreg:$0x2] =	wrdreg s2  }
0xa9: {  	[dreg:$0x3] =	wrdreg s4  }
0xaa: {  	[dreg:$0x4] =	wrdreg $0xC0  }
0xab: {  	_ =	task [dreg:s6], $0x5FFFF  }
0xac: {  	[dreg:$0x1] =	wrdreg $0xFFFFFFFF  }
0xad: {  	[dreg:$0x0] =	wrdreg $0x60  }
0xae: {  	[dreg:$0x2] =	wrdreg s24  }
0xaf: {  	[dreg:$0x3] =	wrdreg $0xA4000  }
0xb0: {  	[dreg:$0x4] =	wrdreg $0x9  }
0xb1: {  	_ =	task.clear_ibuf [dreg:s6], $0x5FFFF;
	_ =	strace $0x90000049  }
0xb2: {  	s29 =	simm.s32 $0x9;
	_ =	strace $0x8000004B  }
0xb3: {  	_ =	swait.ge [sflag:s29], $0x1  }
0xb4: {  	[sflag:s29] =	ssyncadd.s32 $0xFFFFFFFF  }
0xb5: {  	_ =	strace $0x9000004B  }
0xb6: {  	_ =	sfence  }
0xb7: {  	s30 =	sld [smem:$0x0];
	_ =	sdelay $0x2  }
0xb8: {  	s31 =	sshll.u32 s1, $0xD;
	s1 =	sshrl.u32 s1, $0x2  }
0xb9: {  	s3 =	sand.u32 $0x4000, s31;
	s1 =	sadd.s32 s1, s30  }
0xba: {  	s0 =	sor.u32 s3, s0;
	s1 =	sshll.u32 s1, $0x11  }
0xbb: {  	s0 =	sor.u32 s1, s0  }
0xbc: {  	s0 =	sadd.s32 $0x8F2B, s0  }
0xbd: {  	[sflag:s0] =	ssyncadd.remote.s32 $0x1  }
0xbe: {  	_ =	sfence.sel $0xFFFF  }
0xbf: {  	[dreg:$0x0] =	wrdreg $0xFFFFFFFF;
	(pc) =	sbr.abs _section_cstart, $3  }
0xc0: {  	[dreg:$0x1] =	wrdreg $0xFFFFFFFF  }
0xc1: {  	_ =	task.clear_ibuf [dreg:s6], $0x2FFFF;
	_ =	strace $0x9FFFFFFF  }
0xc2: {  	(tm) =	ssettm $0x7FFFFFFF  }
0xc3: {  	_ =	shalt  }
tec
execute0_lowered:
.L_overlay_start_1:
0x0: {  	(tag) =	ssettag $0x1  }
0x1: {  	s0 =	rddreg [dreg:$0x0]  }
0x2: {  	s1 =	rddreg [dreg:$0x1];
	s3 =	simm.s32 $0x0;
	s2 =	stileid.u32  }
0x3: {  	s6 =	srdreg.scid;
	s28 =	simm.s32 $0x5400;
	s29 =	simm.s32 $0x1  }
0x4: {  	s30 =	simm.s32 $0x2;
	s31 =	simm.s32 $0x0;
	[smem:$0x7FF] =	sst s3  }
0x5: {  	s4 =	sadd.s32 $0x16E00, s0;
	s5 =	sadd.s32 $0x3E000, s0;
	s7 =	smul.u32 $0x2700, s2  }
0x6: {  	s9 =	sadd.s32 $0x3200, s0;
	s12 =	sand.u32 $0x1, s6;
	s21 =	smul.u32 $0x4E000, s2  }
0x7: {  	s13 =	sadd.s32 $0xD000, s0;
	s11 =	smul.u32 $0x4E20, s2;
	s23 =	sadd.s32 $0x62900, s0  }
0x8: {  	s24 =	sadd.s32 $0xB0D00, s0;
	_ =	strace $0x8000004A;
	[dreg:$0x4] =	wrdreg s23  }
0x9: {  	s25 =	smul.u32 $0x9C4, s2;
	s26 =	sadd.s32 $0x3B700, s0;
	[dreg:$0x6] =	wrdreg s24  }
0xa: {  	p1 =	seq.s32 s2, $0xF;
	s8 =	ssub.s32 $0x2, s12;
	[dreg:$0x8] =	wrdreg s26  }
0xb: {  	p0 =	sne.s32 s12, $0x0;
	s23 =	simm.s32 $0xA0;
	s24 =	simm.s32 $0x400  }
0xc: {  	s26 =	simm.s32 $0x300;
	s14 =	sadd.s32 s7, s0;
	s10 =	sshrl.u32 s8, $0x1  }
0xd: {  	s6 =	sshrl.u32 s21, $0x2;
	s22 =	sadd.s32 s5, s7;
	s11 =	sshrl.u32 s11, $0x3  }
0xe: {  	s7 =	sadd.s32 s4, s7;
	s0 =	sadd.s32 $0x89B00, s0;
	s19 =	sadd.s32 s25, s13  }
0xf: {  	s20 =	sadd.s32 s25, s9;
	s21 =	simm.s32 $0x3;
	s25 =	simm.s32 $0x200  }
.Ltmp0:
0x10: {  	s15 =	ssub.s32 s8, s10;
	[dreg:$0x3] =	wrdreg s22;
	(pc) =	sbr.rel .LBB2_1-.Ltmp0, $4  }
0x11: {  	s6 =	sadd.s32 s6, s1;
	s8 =	sadd.s32 $0x124800, s1;
	[dreg:$0x7] =	wrdreg s7  }
0x12: {  	s10 =	sadd.s32 s9, s11;
	s16 =	sadd.s32 $0x8C400, s14;
	[dreg:$0xa] =	wrdreg s0  }
0x13: {  	s11 =	sadd.s32 s13, s11;
	s14 =	sadd.s32 $0x65200, s14;
	[dreg:$0x5] =	wrdreg s16  }
0x14: {  	s22 =	simm.s32 $0x100;
	[dreg:$0x9] =	wrdreg s14;
	s18 =	smax.u32 s15, $0x1  }
.LBB2_7:
0x15: {  	s13 =	sadd.s32 $0x9C4, s14;
	[sflag:s21] =	ssyncadd.s32 $0xFFFFB000  }
0x16: {  	[tilespmem:s25], [sflag:$0x3] =	stream.linear.gather [hbm4b:s13+s3], $0xA0, $0x38;
	[tilespmem:$0x1DC80] =	vst v63  }
0x17: {  	_ =	swait.ge [sflag:s21], $0xA0  }
0x18: {  	s12 =	sadd.s32 s12, s19;
	[sflag:s21] =	ssyncset.done $0x0  }
0x19: {  	s16 =	sadd.s32 $0x9C4, s12;
	[sflag:s21] =	ssyncadd.s32 $0xFFFFFF60  }
0x1a: {  	[tilespmem:s26], [sflag:$0x3] =	stream.linear.gather [hbm4b:s16+s3], $0xA0, $0x38;
	[tilespmem:$0x1DC80] =	vst v63  }
0x1b: {  	_ =	swait.ge [sflag:s21], $0xA0  }
0x1c: {  	[sflag:s21] =	ssyncset.done $0x0  }
0x1d: {  	[sflag:s21] =	ssyncadd.s32 $0xFFFFFF60  }
0x1e: {  	[tilespmem:s28], [sflag:$0x2] =	stream.indirect.gather [hbm4b:s5+s23], $0x80, s25, s23, $0xb8;
	[tilespmem:$0x1DC80] =	vst v63  }
0x1f: {  	_ =	swait.ge [sflag:s29], $0x5000  }
0x20: {  	[sflag:s29] =	ssyncset.done $0x0  }
0x21: {  	[sflag:s29] =	ssyncadd.s32 $0xFFFFB000  }
0x22: {  	[spmem:s1] =	stream.indirect.scatter.add.f32 [tilespmem:s24], [sflag:$0x3], $0x80, s22, s23, $0xb8;
	[tilespmem:$0x1DC80] =	vst v63  }
0x23: {  	_ =	swait.ge [sflag:s21], $0x5000  }
0x24: {  	[sflag:s21] =	ssyncset.done $0x0  }
0x25: {  	s17 =	sadd.s32 $0x9D8, s14;
	[sflag:s21] =	ssyncadd.s32 $0xFFFFB000  }
0x26: {  	[tilespmem:s3], [sflag:$0x3] =	stream.linear.gather [hbm4b:s17+s3], $0xA0, $0x38;
	[tilespmem:$0x1DC80] =	vst v63  }
0x27: {  	_ =	swait.ge [sflag:s21], $0xA0  }
0x28: {  	[sflag:s21] =	ssyncset.done $0x0  }
0x29: {  	s12 =	sadd.s32 $0x9D8, s12;
	[sflag:s21] =	ssyncadd.s32 $0xFFFFFF60  }
0x2a: {  	[tilespmem:s22], [sflag:$0x3] =	stream.linear.gather [hbm4b:s12+s3], $0xA0, $0x38;
	[tilespmem:$0x1DC80] =	vst v63  }
0x2b: {  	_ =	swait.ge [sflag:s21], $0xA0  }
0x2c: {  	[sflag:s21] =	ssyncset.done $0x0  }
0x2d: {  	[sflag:s21] =	ssyncadd.s32 $0xFFFFFF60  }
0x2e: {  	[tilespmem:s24], [sflag:$0x1] =	stream.indirect.gather [hbm4b:s5+s23], $0x80, s3, s23, $0xb8;
	[tilespmem:$0x1DC80] =	vst v63  }
0x2f: {  	_ =	swait.ge [sflag:s30], $0x5000  }
0x30: {  	[sflag:s30] =	ssyncset.done $0x0  }
0x31: {  	[sflag:s30] =	ssyncadd.s32 $0xFFFFB000  }
0x32: {  	[spmem:s1] =	stream.indirect.scatter.add.f32 [tilespmem:s28], [sflag:$0x3], $0x80, s26, s23, $0xb8;
	[tilespmem:$0x1DC80] =	vst v63  }
0x33: {  	_ =	swait.ge [sflag:s21], $0x5000  }
0x34: {  	[sflag:s21] =	ssyncset.done $0x0  }
0x35: {  	[sflag:s21] =	ssyncadd.s32 $0xFFFFB000  }
0x36: {  	_ =	swait.ge [sflag:s29], $0x5000  }
0x37: {  	[sflag:s29] =	ssyncset.done $0x0  }
0x38: {  	[sflag:s29] =	ssyncadd.s32 $0xFFFFB000  }
0x39: {  	[spmem:s1] =	stream.indirect.scatter.add.f32 [tilespmem:s24], [sflag:$0x3], $0x80, s22, s23, $0xb8;
	[tilespmem:$0x1DC80] =	vst v63  }
0x3a: {  	_ =	swait.ge [sflag:s21], $0x5000  }
0x3b: {  	[sflag:s21] =	ssyncset.done $0x0  }
0x3c: {  	[sflag:s21] =	ssyncadd.s32 $0xFFFFB000  }
0x3d: {  	[bflag:$0x0] =	sbarrier.arrive $0xFFFF  }
0x3e: {  	s12 =	simm.s32 @p1 $0x1FC3;
	s13 =	rddreg [dreg:$0x6]  }
0x3f: {  	[hbm:s13], [sflag:s12] =	dma.local @p1 [spmem:s9], $0x2800  }
0x40: {  	s9 =	simm.s32 @p1 $0x3  }
0x41: {  	_ =	swait.ge @p1 [sflag:s9], $0x2800  }
0x42: {  	[sflag:s9] =	ssyncset.done @p1 $0x0  }
0x43: {  	[sflag:s9] =	ssyncadd.s32 @p1 $0xFFFFD800;
	s9 =	rddreg [dreg:$0x5]  }
0x44: {  	[hbm:s9], [sflag:s7] =	dma.local @!p1 [spmem:s0], $0x2700  }
0x45: {  	s0 =	simm.s32 @!p1 $0x3  }
0x46: {  	_ =	swait.ge @!p1 [sflag:s0], $0x2700  }
0x47: {  	[sflag:s0] =	ssyncset.done @!p1 $0x0  }
0x48: {  	[sflag:s0] =	ssyncadd.s32 @!p1 $0xFFFFD900  }
.LBB2_8:
0x49: {  	s31 =	sadd.s32 $0x1, s31  }
0x4a: {  	p2 =	sne.s32 s31, s18  }
.Ltmp1:
0x4b: {  	_ = 	snop;
	(pc) =	sbr.rel @!p2 .LBB2_9-.Ltmp1, $1  }
0x4c: {  	_ =	sdelay $0x3  }
.LBB2_1:
.Ltmp2:
0x4d: {  	(pc) =	sbr.rel @p0 .LBB2_5-.Ltmp2, $3  }
0x4e: {  	_ =	sdelay $0x1  }
0x4f: {  	s7 =	sshll.u32 @!p1 s2, $0x6  }
0x50: {  	s9 =	sshrl.u32 @p1 s8, $0x3;
	s0 =	sshrl.u32 @!p1 s6, $0x3;
	s7 =	sor.u32 @!p1 $0x1C03, s7  }
0x51: {  	s12 =	simm.s32 @p1 $0x1FC3;
	s13 =	rddreg [dreg:$0x8]  }
0x52: {  	[spmem:s9], [sflag:s12] =	dma.local @p1 [hbm:s13], $0x2800  }
0x53: {  	s12 =	simm.s32 @p1 $0x3  }
0x54: {  	_ =	swait.ge @p1 [sflag:s12], $0x2800  }
0x55: {  	[sflag:s12] =	ssyncset.done @p1 $0x0  }
0x56: {  	[sflag:s12] =	ssyncadd.s32 @p1 $0xFFFFD800;
	s12 =	rddreg [dreg:$0x7]  }
0x57: {  	[spmem:s0], [sflag:s7] =	dma.local @!p1 [hbm:s12], $0x2700  }
0x58: {  	s12 =	simm.s32 @!p1 $0x3  }
0x59: {  	_ =	swait.ge @!p1 [sflag:s12], $0x2700  }
0x5a: {  	[sflag:s12] =	ssyncset.done @!p1 $0x0  }
0x5b: {  	[sflag:s12] =	ssyncadd.s32 @!p1 $0xFFFFD900  }
0x5c: {  	[bflag:$0x0] =	sbarrier.arrive $0xFFFF  }
0x5d: {  	[tilespmem:s3], [sflag:$0x3] =	stream.linear.gather [hbm4b:s10+s3], $0xA0, $0x38;
	[tilespmem:$0x1DC80] =	vst v63  }
0x5e: {  	_ =	swait.ge [sflag:s21], $0xA0  }
0x5f: {  	[sflag:s21] =	ssyncset.done $0x0  }
0x60: {  	[sflag:s21] =	ssyncadd.s32 $0xFFFFFF60  }
0x61: {  	[tilespmem:s22], [sflag:$0x3] =	stream.linear.gather [hbm4b:s11+s3], $0xA0, $0x38;
	[tilespmem:$0x1DC80] =	vst v63  }
0x62: {  	_ =	swait.ge [sflag:s21], $0xA0  }
0x63: {  	[sflag:s21] =	ssyncset.done $0x0  }
0x64: {  	s17 =	sadd.s32 $0xFFFFF650, s20;
	[sflag:s21] =	ssyncadd.s32 $0xFFFFFF60  }
0x65: {  	[tilespmem:s24], [sflag:$0x1] =	stream.indirect.gather [hbm4b:s4+s23], $0x80, s3, s23, $0xb8;
	[tilespmem:$0x1DC80] =	vst v63  }
0x66: {  	s15 =	sadd.s32 $0x9C4, s17  }
0x67: {  	[tilespmem:s25], [sflag:$0x3] =	stream.linear.gather [hbm4b:s15+s3], $0xA0, $0x38;
	[tilespmem:$0x1DC80] =	vst v63  }
0x68: {  	_ =	swait.ge [sflag:s21], $0xA0  }
0x69: {  	s16 =	sadd.s32 $0xFFFFF650, s19;
	[sflag:s21] =	ssyncset.done $0x0  }
0x6a: {  	s14 =	sadd.s32 $0x9C4, s16;
	[sflag:s21] =	ssyncadd.s32 $0xFFFFFF60  }
0x6b: {  	[tilespmem:s26], [sflag:$0x3] =	stream.linear.gather [hbm4b:s14+s3], $0xA0, $0x38;
	[tilespmem:$0x1DC80] =	vst v63  }
0x6c: {  	_ =	swait.ge [sflag:s21], $0xA0  }
0x6d: {  	[sflag:s21] =	ssyncset.done $0x0  }
0x6e: {  	[sflag:s21] =	ssyncadd.s32 $0xFFFFFF60  }
0x6f: {  	[tilespmem:s28], [sflag:$0x2] =	stream.indirect.gather [hbm4b:s4+s23], $0x80, s25, s23, $0xb8;
	[tilespmem:$0x1DC80] =	vst v63  }
0x70: {  	_ =	swait.ge [sflag:s29], $0x5000  }
0x71: {  	[sflag:s29] =	ssyncset.done $0x0  }
0x72: {  	[sflag:s29] =	ssyncadd.s32 $0xFFFFB000  }
0x73: {  	[spmem:s1] =	stream.indirect.scatter.add.f32 [tilespmem:s24], [sflag:$0x3], $0x80, s22, s23, $0xb8;
	[tilespmem:$0x1DC80] =	vst v63  }
0x74: {  	_ =	swait.ge [sflag:s21], $0x5000  }
0x75: {  	[sflag:s21] =	ssyncset.done $0x0  }
0x76: {  	s12 =	sadd.s32 $0x9D8, s17;
	[sflag:s21] =	ssyncadd.s32 $0xFFFFB000  }
0x77: {  	[tilespmem:s3], [sflag:$0x3] =	stream.linear.gather [hbm4b:s12+s3], $0xA0, $0x38;
	[tilespmem:$0x1DC80] =	vst v63  }
0x78: {  	_ =	swait.ge [sflag:s21], $0xA0  }
0x79: {  	[sflag:s21] =	ssyncset.done $0x0  }
0x7a: {  	s17 =	sadd.s32 $0x9D8, s16;
	[sflag:s21] =	ssyncadd.s32 $0xFFFFFF60  }
0x7b: {  	[tilespmem:s22], [sflag:$0x3] =	stream.linear.gather [hbm4b:s17+s3], $0xA0, $0x38;
	[tilespmem:$0x1DC80] =	vst v63  }
0x7c: {  	_ =	swait.ge [sflag:s21], $0xA0  }
0x7d: {  	[sflag:s21] =	ssyncset.done $0x0  }
0x7e: {  	[sflag:s21] =	ssyncadd.s32 $0xFFFFFF60  }
0x7f: {  	[tilespmem:s24], [sflag:$0x1] =	stream.indirect.gather [hbm4b:s4+s23], $0x80, s3, s23, $0xb8;
	[tilespmem:$0x1DC80] =	vst v63  }
0x80: {  	_ =	swait.ge [sflag:s30], $0x5000  }
0x81: {  	[sflag:s30] =	ssyncset.done $0x0  }
0x82: {  	[sflag:s30] =	ssyncadd.s32 $0xFFFFB000  }
0x83: {  	[spmem:s1] =	stream.indirect.scatter.add.f32 [tilespmem:s28], [sflag:$0x3], $0x80, s26, s23, $0xb8;
	[tilespmem:$0x1DC80] =	vst v63  }
0x84: {  	s13 =	simm.s32 $0xFFFFF6A0;
	_ =	swait.ge [sflag:s21], $0x5000  }
0x85: {  	s14 =	sadd.s32 $0xFFFFF678, s20;
	s12 =	simm.s32 $0xFFFFF678;
	[sflag:s21] =	ssyncset.done $0x0  }
.LBB2_3:
0x86: {  	s16 =	sadd.s32 $0x9C4, s14  }
0x87: {  	[sflag:s21] =	ssyncadd.s32 $0xFFFFB000;
	s17 =	smov.u32 s13;
	s15 =	sadd.s32 $0x28, s13  }
0x88: {  	[tilespmem:s25], [sflag:$0x3] =	stream.linear.gather [hbm4b:s16+s3], $0xA0, $0x38;
	[tilespmem:$0x1DC80] =	vst v63  }
0x89: {  	p2 =	sne.s32 s13, $0xFFFFFFD8;
	_ =	swait.ge [sflag:s21], $0xA0  }
0x8a: {  	s13 =	sadd.s32 s12, s19;
	s12 =	smov.u32 s17;
	[sflag:s21] =	ssyncset.done $0x0  }
0x8b: {  	s16 =	sadd.s32 $0x9C4, s13;
	[sflag:s21] =	ssyncadd.s32 $0xFFFFFF60  }
0x8c: {  	[tilespmem:s26], [sflag:$0x3] =	stream.linear.gather [hbm4b:s16+s3], $0xA0, $0x38;
	[tilespmem:$0x1DC80] =	vst v63  }
0x8d: {  	_ =	swait.ge [sflag:s21], $0xA0  }
0x8e: {  	[sflag:s21] =	ssyncset.done $0x0  }
0x8f: {  	[sflag:s21] =	ssyncadd.s32 $0xFFFFFF60  }
0x90: {  	[tilespmem:s28], [sflag:$0x2] =	stream.indirect.gather [hbm4b:s4+s23], $0x80, s25, s23, $0xb8;
	[tilespmem:$0x1DC80] =	vst v63  }
0x91: {  	_ =	swait.ge [sflag:s29], $0x5000  }
0x92: {  	[sflag:s29] =	ssyncset.done $0x0  }
0x93: {  	[sflag:s29] =	ssyncadd.s32 $0xFFFFB000  }
0x94: {  	[spmem:s1] =	stream.indirect.scatter.add.f32 [tilespmem:s24], [sflag:$0x3], $0x80, s22, s23, $0xb8;
	[tilespmem:$0x1DC80] =	vst v63  }
0x95: {  	_ =	swait.ge [sflag:s21], $0x5000  }
0x96: {  	[sflag:s21] =	ssyncset.done $0x0  }
0x97: {  	s14 =	sadd.s32 $0x9D8, s14;
	[sflag:s21] =	ssyncadd.s32 $0xFFFFB000  }
0x98: {  	[tilespmem:s3], [sflag:$0x3] =	stream.linear.gather [hbm4b:s14+s3], $0xA0, $0x38;
	[tilespmem:$0x1DC80] =	vst v63  }
0x99: {  	_ =	swait.ge [sflag:s21], $0xA0  }
0x9a: {  	[sflag:s21] =	ssyncset.done $0x0  }
0x9b: {  	s13 =	sadd.s32 $0x9D8, s13;
	[sflag:s21] =	ssyncadd.s32 $0xFFFFFF60  }
0x9c: {  	[tilespmem:s22], [sflag:$0x3] =	stream.linear.gather [hbm4b:s13+s3], $0xA0, $0x38;
	[tilespmem:$0x1DC80] =	vst v63  }
0x9d: {  	_ =	swait.ge [sflag:s21], $0xA0  }
0x9e: {  	[sflag:s21] =	ssyncset.done $0x0  }
0x9f: {  	[sflag:s21] =	ssyncadd.s32 $0xFFFFFF60  }
0xa0: {  	[tilespmem:s24], [sflag:$0x1] =	stream.indirect.gather [hbm4b:s4+s23], $0x80, s3, s23, $0xb8;
	[tilespmem:$0x1DC80] =	vst v63  }
0xa1: {  	_ =	swait.ge [sflag:s30], $0x5000  }
.Ltmp3:
0xa2: {  	[sflag:s30] =	ssyncset.done $0x0;
	(pc) =	sbr.rel @p2 .LBB2_3-.Ltmp3, $4  }
0xa3: {  	[sflag:s30] =	ssyncadd.s32 $0xFFFFB000  }
0xa4: {  	[spmem:s1] =	stream.indirect.scatter.add.f32 [tilespmem:s28], [sflag:$0x3], $0x80, s26, s23, $0xb8;
	[tilespmem:$0x1DC80] =	vst v63  }
0xa5: {  	_ =	swait.ge [sflag:s21], $0x5000  }
0xa6: {  	s14 =	sadd.s32 s12, s20;
	s13 =	smov.u32 s15;
	[sflag:s21] =	ssyncset.done $0x0  }
0xa7: {  	s13 =	sadd.s32 $0x9C4, s14;
	[sflag:s21] =	ssyncadd.s32 $0xFFFFB000  }
0xa8: {  	[tilespmem:s25], [sflag:$0x3] =	stream.linear.gather [hbm4b:s13+s3], $0xA0, $0x38;
	[tilespmem:$0x1DC80] =	vst v63  }
0xa9: {  	_ =	swait.ge [sflag:s21], $0xA0  }
0xaa: {  	s12 =	sadd.s32 s12, s19;
	[sflag:s21] =	ssyncset.done $0x0  }
0xab: {  	s16 =	sadd.s32 $0x9C4, s12;
	[sflag:s21] =	ssyncadd.s32 $0xFFFFFF60  }
0xac: {  	[tilespmem:s26], [sflag:$0x3] =	stream.linear.gather [hbm4b:s16+s3], $0xA0, $0x38;
	[tilespmem:$0x1DC80] =	vst v63  }
0xad: {  	_ =	swait.ge [sflag:s21], $0xA0  }
0xae: {  	[sflag:s21] =	ssyncset.done $0x0  }
0xaf: {  	[sflag:s21] =	ssyncadd.s32 $0xFFFFFF60  }
0xb0: {  	[tilespmem:s28], [sflag:$0x2] =	stream.indirect.gather [hbm4b:s4+s23], $0x80, s25, s23, $0xb8;
	[tilespmem:$0x1DC80] =	vst v63  }
0xb1: {  	_ =	swait.ge [sflag:s29], $0x5000  }
0xb2: {  	[sflag:s29] =	ssyncset.done $0x0  }
0xb3: {  	[sflag:s29] =	ssyncadd.s32 $0xFFFFB000  }
0xb4: {  	[spmem:s1] =	stream.indirect.scatter.add.f32 [tilespmem:s24], [sflag:$0x3], $0x80, s22, s23, $0xb8;
	[tilespmem:$0x1DC80] =	vst v63  }
0xb5: {  	_ =	swait.ge [sflag:s21], $0x5000  }
0xb6: {  	[sflag:s21] =	ssyncset.done $0x0  }
0xb7: {  	s17 =	sadd.s32 $0x9D8, s14;
	[sflag:s21] =	ssyncadd.s32 $0xFFFFB000  }
0xb8: {  	[tilespmem:s3], [sflag:$0x3] =	stream.linear.gather [hbm4b:s17+s3], $0xA0, $0x38;
	[tilespmem:$0x1DC80] =	vst v63  }
0xb9: {  	_ =	swait.ge [sflag:s21], $0xA0  }
0xba: {  	[sflag:s21] =	ssyncset.done $0x0  }
0xbb: {  	s12 =	sadd.s32 $0x9D8, s12;
	[sflag:s21] =	ssyncadd.s32 $0xFFFFFF60  }
0xbc: {  	[tilespmem:s22], [sflag:$0x3] =	stream.linear.gather [hbm4b:s12+s3], $0xA0, $0x38;
	[tilespmem:$0x1DC80] =	vst v63  }
0xbd: {  	_ =	swait.ge [sflag:s21], $0xA0  }
0xbe: {  	[sflag:s21] =	ssyncset.done $0x0  }
0xbf: {  	[sflag:s21] =	ssyncadd.s32 $0xFFFFFF60  }
0xc0: {  	[tilespmem:s24], [sflag:$0x1] =	stream.indirect.gather [hbm4b:s4+s23], $0x80, s3, s23, $0xb8;
	[tilespmem:$0x1DC80] =	vst v63  }
0xc1: {  	_ =	swait.ge [sflag:s30], $0x5000  }
0xc2: {  	[sflag:s30] =	ssyncset.done $0x0  }
0xc3: {  	[sflag:s30] =	ssyncadd.s32 $0xFFFFB000  }
0xc4: {  	[spmem:s1] =	stream.indirect.scatter.add.f32 [tilespmem:s28], [sflag:$0x3], $0x80, s26, s23, $0xb8;
	[tilespmem:$0x1DC80] =	vst v63  }
0xc5: {  	_ =	swait.ge [sflag:s21], $0x5000  }
0xc6: {  	[sflag:s21] =	ssyncset.done $0x0  }
0xc7: {  	[sflag:s21] =	ssyncadd.s32 $0xFFFFB000  }
0xc8: {  	_ =	swait.ge [sflag:s29], $0x5000  }
0xc9: {  	[sflag:s29] =	ssyncset.done $0x0  }
0xca: {  	[sflag:s29] =	ssyncadd.s32 $0xFFFFB000  }
0xcb: {  	[spmem:s1] =	stream.indirect.scatter.add.f32 [tilespmem:s24], [sflag:$0x3], $0x80, s22, s23, $0xb8;
	[tilespmem:$0x1DC80] =	vst v63  }
0xcc: {  	_ =	swait.ge [sflag:s21], $0x5000  }
0xcd: {  	[sflag:s21] =	ssyncset.done $0x0  }
0xce: {  	[sflag:s21] =	ssyncadd.s32 $0xFFFFB000  }
0xcf: {  	[bflag:$0x0] =	sbarrier.arrive $0xFFFF  }
0xd0: {  	s12 =	simm.s32 @p1 $0x1FC3;
	s13 =	rddreg [dreg:$0xa]  }
0xd1: {  	[hbm:s13], [sflag:s12] =	dma.local @p1 [spmem:s9], $0x2800  }
0xd2: {  	s9 =	simm.s32 @p1 $0x3  }
0xd3: {  	_ =	swait.ge @p1 [sflag:s9], $0x2800  }
0xd4: {  	[sflag:s9] =	ssyncset.done @p1 $0x0  }
0xd5: {  	[sflag:s9] =	ssyncadd.s32 @p1 $0xFFFFD800;
	s9 =	rddreg [dreg:$0x9]  }
0xd6: {  	[hbm:s9], [sflag:s7] =	dma.local @!p1 [spmem:s0], $0x2700  }
.Ltmp4:
0xd7: {  	_ = 	snop;
	(pc) =	sbr.rel .LBB2_8-.Ltmp4, $4  }
0xd8: {  	s0 =	simm.s32 @!p1 $0x3  }
0xd9: {  	_ =	swait.ge @!p1 [sflag:s0], $0x2700  }
0xda: {  	[sflag:s0] =	ssyncset.done @!p1 $0x0  }
0xdb: {  	[sflag:s0] =	ssyncadd.s32 @!p1 $0xFFFFD900  }
.LBB2_5:
0xdc: {  	s12 =	simm.s32 @p1 $0x1FC3;
	s13 =	rddreg [dreg:$0x4]  }
0xdd: {  	[spmem:s9], [sflag:s12] =	dma.local @p1 [hbm:s13], $0x2800  }
0xde: {  	s12 =	simm.s32 @p1 $0x3  }
0xdf: {  	_ =	swait.ge @p1 [sflag:s12], $0x2800  }
0xe0: {  	[sflag:s12] =	ssyncset.done @p1 $0x0  }
0xe1: {  	[sflag:s12] =	ssyncadd.s32 @p1 $0xFFFFD800;
	s12 =	rddreg [dreg:$0x3]  }
0xe2: {  	[spmem:s0], [sflag:s7] =	dma.local @!p1 [hbm:s12], $0x2700  }
0xe3: {  	s12 =	simm.s32 @!p1 $0x3  }
0xe4: {  	_ =	swait.ge @!p1 [sflag:s12], $0x2700  }
0xe5: {  	[sflag:s12] =	ssyncset.done @!p1 $0x0  }
0xe6: {  	[sflag:s12] =	ssyncadd.s32 @!p1 $0xFFFFD900  }
0xe7: {  	[bflag:$0x0] =	sbarrier.arrive $0xFFFF  }
0xe8: {  	[tilespmem:s3], [sflag:$0x3] =	stream.linear.gather [hbm4b:s10+s3], $0xA0, $0x38;
	[tilespmem:$0x1DC80] =	vst v63  }
0xe9: {  	_ =	swait.ge [sflag:s21], $0xA0  }
0xea: {  	[sflag:s21] =	ssyncset.done $0x0  }
0xeb: {  	[sflag:s21] =	ssyncadd.s32 $0xFFFFFF60  }
0xec: {  	[tilespmem:s22], [sflag:$0x3] =	stream.linear.gather [hbm4b:s11+s3], $0xA0, $0x38;
	[tilespmem:$0x1DC80] =	vst v63  }
0xed: {  	_ =	swait.ge [sflag:s21], $0xA0  }
0xee: {  	[sflag:s21] =	ssyncset.done $0x0  }
0xef: {  	s17 =	sadd.s32 $0xFFFFF650, s20;
	[sflag:s21] =	ssyncadd.s32 $0xFFFFFF60  }
0xf0: {  	[tilespmem:s24], [sflag:$0x1] =	stream.indirect.gather [hbm4b:s5+s23], $0x80, s3, s23, $0xb8;
	[tilespmem:$0x1DC80] =	vst v63  }
0xf1: {  	s15 =	sadd.s32 $0x9C4, s17  }
0xf2: {  	[tilespmem:s25], [sflag:$0x3] =	stream.linear.gather [hbm4b:s15+s3], $0xA0, $0x38;
	[tilespmem:$0x1DC80] =	vst v63  }
0xf3: {  	_ =	swait.ge [sflag:s21], $0xA0  }
0xf4: {  	s16 =	sadd.s32 $0xFFFFF650, s19;
	[sflag:s21] =	ssyncset.done $0x0  }
0xf5: {  	s14 =	sadd.s32 $0x9C4, s16;
	[sflag:s21] =	ssyncadd.s32 $0xFFFFFF60  }
0xf6: {  	[tilespmem:s26], [sflag:$0x3] =	stream.linear.gather [hbm4b:s14+s3], $0xA0, $0x38;
	[tilespmem:$0x1DC80] =	vst v63  }
0xf7: {  	_ =	swait.ge [sflag:s21], $0xA0  }
0xf8: {  	[sflag:s21] =	ssyncset.done $0x0  }
0xf9: {  	[sflag:s21] =	ssyncadd.s32 $0xFFFFFF60  }
0xfa: {  	[tilespmem:s28], [sflag:$0x2] =	stream.indirect.gather [hbm4b:s5+s23], $0x80, s25, s23, $0xb8;
	[tilespmem:$0x1DC80] =	vst v63  }
0xfb: {  	_ =	swait.ge [sflag:s29], $0x5000  }
0xfc: {  	[sflag:s29] =	ssyncset.done $0x0  }
0xfd: {  	[sflag:s29] =	ssyncadd.s32 $0xFFFFB000  }
0xfe: {  	[spmem:s1] =	stream.indirect.scatter.add.f32 [tilespmem:s24], [sflag:$0x3], $0x80, s22, s23, $0xb8;
	[tilespmem:$0x1DC80] =	vst v63  }
0xff: {  	_ =	swait.ge [sflag:s21], $0x5000  }
0x100: {  	[sflag:s21] =	ssyncset.done $0x0  }
0x101: {  	s12 =	sadd.s32 $0x9D8, s17;
	[sflag:s21] =	ssyncadd.s32 $0xFFFFB000  }
0x102: {  	[tilespmem:s3], [sflag:$0x3] =	stream.linear.gather [hbm4b:s12+s3], $0xA0, $0x38;
	[tilespmem:$0x1DC80] =	vst v63  }
0x103: {  	_ =	swait.ge [sflag:s21], $0xA0  }
0x104: {  	[sflag:s21] =	ssyncset.done $0x0  }
0x105: {  	s17 =	sadd.s32 $0x9D8, s16;
	[sflag:s21] =	ssyncadd.s32 $0xFFFFFF60  }
0x106: {  	[tilespmem:s22], [sflag:$0x3] =	stream.linear.gather [hbm4b:s17+s3], $0xA0, $0x38;
	[tilespmem:$0x1DC80] =	vst v63  }
0x107: {  	_ =	swait.ge [sflag:s21], $0xA0  }
0x108: {  	[sflag:s21] =	ssyncset.done $0x0  }
0x109: {  	[sflag:s21] =	ssyncadd.s32 $0xFFFFFF60  }
0x10a: {  	[tilespmem:s24], [sflag:$0x1] =	stream.indirect.gather [hbm4b:s5+s23], $0x80, s3, s23, $0xb8;
	[tilespmem:$0x1DC80] =	vst v63  }
0x10b: {  	_ =	swait.ge [sflag:s30], $0x5000  }
0x10c: {  	[sflag:s30] =	ssyncset.done $0x0  }
0x10d: {  	[sflag:s30] =	ssyncadd.s32 $0xFFFFB000  }
0x10e: {  	[spmem:s1] =	stream.indirect.scatter.add.f32 [tilespmem:s28], [sflag:$0x3], $0x80, s26, s23, $0xb8;
	[tilespmem:$0x1DC80] =	vst v63  }
0x10f: {  	s15 =	simm.s32 $0xFFFFF6A0;
	_ =	swait.ge [sflag:s21], $0x5000  }
0x110: {  	s14 =	sadd.s32 $0xFFFFF678, s20;
	s12 =	simm.s32 $0xFFFFF678;
	[sflag:s21] =	ssyncset.done $0x0  }
.LBB2_6:
0x111: {  	s16 =	sadd.s32 $0x9C4, s14  }
0x112: {  	[sflag:s21] =	ssyncadd.s32 $0xFFFFB000;
	s17 =	smov.u32 s15;
	s13 =	sadd.s32 $0x28, s15  }
0x113: {  	[tilespmem:s25], [sflag:$0x3] =	stream.linear.gather [hbm4b:s16+s3], $0xA0, $0x38;
	[tilespmem:$0x1DC80] =	vst v63  }
0x114: {  	p2 =	sne.s32 s15, $0xFFFFFFD8;
	_ =	swait.ge [sflag:s21], $0xA0  }
0x115: {  	s15 =	sadd.s32 s12, s19;
	s12 =	smov.u32 s17;
	[sflag:s21] =	ssyncset.done $0x0  }
0x116: {  	s16 =	sadd.s32 $0x9C4, s15;
	[sflag:s21] =	ssyncadd.s32 $0xFFFFFF60  }
0x117: {  	[tilespmem:s26], [sflag:$0x3] =	stream.linear.gather [hbm4b:s16+s3], $0xA0, $0x38;
	[tilespmem:$0x1DC80] =	vst v63  }
0x118: {  	_ =	swait.ge [sflag:s21], $0xA0  }
0x119: {  	[sflag:s21] =	ssyncset.done $0x0  }
0x11a: {  	[sflag:s21] =	ssyncadd.s32 $0xFFFFFF60  }
0x11b: {  	[tilespmem:s28], [sflag:$0x2] =	stream.indirect.gather [hbm4b:s5+s23], $0x80, s25, s23, $0xb8;
	[tilespmem:$0x1DC80] =	vst v63  }
0x11c: {  	_ =	swait.ge [sflag:s29], $0x5000  }
0x11d: {  	[sflag:s29] =	ssyncset.done $0x0  }
0x11e: {  	[sflag:s29] =	ssyncadd.s32 $0xFFFFB000  }
0x11f: {  	[spmem:s1] =	stream.indirect.scatter.add.f32 [tilespmem:s24], [sflag:$0x3], $0x80, s22, s23, $0xb8;
	[tilespmem:$0x1DC80] =	vst v63  }
0x120: {  	_ =	swait.ge [sflag:s21], $0x5000  }
0x121: {  	[sflag:s21] =	ssyncset.done $0x0  }
0x122: {  	s14 =	sadd.s32 $0x9D8, s14;
	[sflag:s21] =	ssyncadd.s32 $0xFFFFB000  }
0x123: {  	[tilespmem:s3], [sflag:$0x3] =	stream.linear.gather [hbm4b:s14+s3], $0xA0, $0x38;
	[tilespmem:$0x1DC80] =	vst v63  }
0x124: {  	_ =	swait.ge [sflag:s21], $0xA0  }
0x125: {  	[sflag:s21] =	ssyncset.done $0x0  }
0x126: {  	s14 =	sadd.s32 $0x9D8, s15;
	[sflag:s21] =	ssyncadd.s32 $0xFFFFFF60  }
0x127: {  	[tilespmem:s22], [sflag:$0x3] =	stream.linear.gather [hbm4b:s14+s3], $0xA0, $0x38;
	[tilespmem:$0x1DC80] =	vst v63  }
0x128: {  	_ =	swait.ge [sflag:s21], $0xA0  }
0x129: {  	[sflag:s21] =	ssyncset.done $0x0  }
0x12a: {  	[sflag:s21] =	ssyncadd.s32 $0xFFFFFF60  }
0x12b: {  	[tilespmem:s24], [sflag:$0x1] =	stream.indirect.gather [hbm4b:s5+s23], $0x80, s3, s23, $0xb8;
	[tilespmem:$0x1DC80] =	vst v63  }
0x12c: {  	_ =	swait.ge [sflag:s30], $0x5000  }
.Ltmp5:
0x12d: {  	[sflag:s30] =	ssyncset.done $0x0;
	(pc) =	sbr.rel @p2 .LBB2_6-.Ltmp5, $4  }
0x12e: {  	[sflag:s30] =	ssyncadd.s32 $0xFFFFB000  }
0x12f: {  	[spmem:s1] =	stream.indirect.scatter.add.f32 [tilespmem:s28], [sflag:$0x3], $0x80, s26, s23, $0xb8;
	[tilespmem:$0x1DC80] =	vst v63  }
0x130: {  	_ =	swait.ge [sflag:s21], $0x5000  }
0x131: {  	s15 =	smov.u32 s13;
	s14 =	sadd.s32 s12, s20;
	[sflag:s21] =	ssyncset.done $0x0  }
.Ltmp6:
0x132: {  	_ = 	snop;
	(pc) =	sbr.rel .LBB2_7-.Ltmp6, $1  }
0x133: {  	_ =	sdelay $0x3  }
.LBB2_9:
0x134: {  	_ =	sfence.sel $0x180000  }
0x135: {  	[bflag:$0x0] =	sbarrier.arrive $0xFFFF  }
0x136: {  	_ =	strace $0x9000004A  }
0x137: {  	[bflag:$0x2] =	sbarrier.arrive $0xFFFF  }
0x138: {  	p0 =	sne.s32 s2, $0x0;
	s0 =	rddreg [dreg:$0x2]  }
0x139: {  	s0 =	sadd.s32 @!p0 $0x100000, s0  }
0x13a: {  	[sflag:s0] =	ssyncadd.tile.s32 @!p0 $0x1;
	_ =	shalt  }
.Lfunc_end2:
_tile_overlayer_lowered:
.L_overlay_start_2:
0x13b: {  	(tag) =	ssettag $0x2  }
0x13c: {  	s0 =	rddreg [dreg:$0x0];
	s2 =	stileid.u32  }
0x13d: {  	s1 =	rddreg [dreg:$0x1];
	p0 =	sne.s32 s2, $0x0  }
0x13e: {  	s3 =	rddreg [dreg:$0x2];
	[bflag:$0x3] =	sbarrier.arrive $0xFFFF;
	s2 =	simm.s32 @!p0 $0x1C03  }
0x13f: {  	[timem:s3], [sflag:s2] =	dma.local @!p0 [hbm:s0], s1  }
0x140: {  	s0 =	simm.s32 @!p0 $0x3  }
0x141: {  	_ =	swait.ge @!p0 [sflag:s0], s1  }
0x142: {  	s1 =	ssub.s32 @!p0 $0x0, s1;
	[sflag:s0] =	ssyncset.done @!p0 $0x0  }
0x143: {  	[sflag:s0] =	ssyncadd.s32 @!p0 s1  }
0x144: {  	[bflag:$0x3] =	sbarrier.arrive $0xFFFF  }
0x145: {  	_ =	shalt  }

// kernel: kernel.18.cloned.1.call-start
scs
__scs_entry_jumppad:
0x0: {  	(pc) =	sbr.rel $0x88, $3  }
0x1: {  	(tag) =	ssettag $0x0;
	lr =	simm.s32 $0x1  }
0x2: {  	[smem:$0x3F96] =	sst lr;
	_ =	strace $0xD0000000  }
0x3: {  	_ = 	snop  }
0x4: {  	_ = 	snop  }
0x5: {  	_ = 	snop  }
0x6: {  	_ = 	snop  }
0x7: {  	_ = 	snop  }
__scs_overlays_trampoline_lowered:
0x8: {  	[smem:$0x3FA5] =	sst s0  }
0x9: {  	[smem:$0x3FA6] =	sst s1  }
0xa: {  	[smem:$0x3FA7] =	sst s2  }
0xb: {  	[smem:$0x3FA8] =	sst s3  }
0xc: {  	[smem:$0x3FA9] =	sst s4  }
0xd: {  	[smem:$0x3FAA] =	sst s5  }
0xe: {  	[smem:$0x3FAB] =	sst s6  }
0xf: {  	[smem:$0x3FAC] =	sst s7  }
0x10: {  	[smem:$0x3FAD] =	sst s8  }
0x11: {  	[smem:$0x3FAE] =	sst s9;
	s0 =	simm.s32 @!p0 $0x0  }
0x12: {  	s1 =	sld [smem:$0x3F94];
	s0 =	simm.s32 @p0 $0x1  }
0x13: {  	[smem:$0x3FAF] =	sst s0;
	s0 =	simm.s32 @!p1 $0x0  }
0x14: {  	s2 =	sld [smem:$0x3F93];
	s0 =	simm.s32 @p1 $0x1  }
0x15: {  	[smem:$0x3FB0] =	sst s0;
	s0 =	simm.s32 @!p2 $0x0  }
0x16: {  	s3 =	sld [smem:$0x3FDB];
	s0 =	simm.s32 @p2 $0x1  }
0x17: {  	s4 =	simm.s32 $0x1BF5;
	[smem:$0x3FB2] =	sst s0  }
0x18: {  	s0 =	sld [smem:$0x3F95];
	_ =	swait.ge [sflag:s4], $0x0  }
0x19: {  	s7 =	sld [smem:$0x3F96]  }
0x1a: {  	s8 =	sadd.s32 $0xFFFFE003, lr  }
0x1b: {  	s9 =	sadd.s32 $0xFFFFFEF7, lr;
	s5 =	simm.s32 $0xFFFFFFFF;
	p2 =	slt.u32 s8, $0xFFFFF086  }
0x1c: {  	p1 =	slt.u32 s9, $0xF7A;
	s5 =	simm.s32 @!p2 $0x0  }
0x1d: {  	s5 =	simm.s32 @p1 $0x1;
	p0 =	seq.s32 s7, s2  }
0x1e: {  	s7 =	smul.u32 @!p0 $0xF7A, s2;
	p2 =	seq.s32 @!p0 s5, $0x0  }
0x1f: {  	s9 =	smul.u32 $0xF7A, s1;
	s8 =	simm.s32 @!p0 $0x1BF5;
	p2 =	por !p2, p0  }
0x20: {  	[sflag:s8] =	ssyncset.s32 @!p0 $0xFFFFF086;
	s6 =	sadd.s32 @!p0 s3, s7;
	s7 =	simm.s32 @!p0 $0x108  }
0x21: {  	s3 =	sadd.s32 s3, s9;
	s6 =	sadd.s32 @!p0 $0x88, s6;
	s7 =	simm.s32 @p2 $0x1082  }
0x22: {  	[simem:s7], [sflag:s8] =	dma.local @!p0 [hbm:s6], $0xF7A  }
0x23: {  	s9 =	sor.u32 $0xD0000000, s2;
	s6 =	simm.s32 $0x108;
	_ =	swait.ge @!p0 [sflag:s8], $0x0  }
0x24: {  	s3 =	sadd.s32 $0x88, s3;
	s6 =	simm.s32 @!p1 $0x1082;
	[sflag:s4] =	ssyncset.s32 $0xFFFFF086  }
0x25: {  	[simem:s6], [sflag:s4] =	dma.local [hbm:s3], $0xF7A  }
0x26: {  	[smem:$0x3F96] =	sst s1;
	(tag) =	ssettag s2;
	_ =	strace s9  }
0x27: {  	s1 =	sld [smem:$0x3FA6]  }
0x28: {  	s2 =	sld [smem:$0x3FA7]  }
0x29: {  	s4 =	sld [smem:$0x3FA9]  }
0x2a: {  	p0 =	seq.s32 s5, $0x0;
	s5 =	sld [smem:$0x3FAA]  }
0x2b: {  	s6 =	sld [smem:$0x3FAB]  }
0x2c: {  	s7 =	sld [smem:$0x3FAC]  }
0x2d: {  	s3 =	simm.s32 $0x108;
	s8 =	sld [smem:$0x3FAD]  }
0x2e: {  	s3 =	simm.s32 @!p0 $0x1082;
	s9 =	sld [smem:$0x3FAE]  }
0x2f: {  	lr =	sadd.s32 s0, s3;
	s0 =	sld [smem:$0x3FA5]  }
0x30: {  	s3 =	sld [smem:$0x3FA8]  }
0x31: {  	[smem:$0x3FB1] =	sst s10  }
0x32: {  	s10 =	sld [smem:$0x3FAF];
	_ =	sdelay $0x3  }
0x33: {  	p0 =	seq.s32 s10, $0x1;
	s10 =	sld [smem:$0x3FB1];
	_ =	sdelay $0x3  }
0x34: {  	[smem:$0x3FB1] =	sst s10  }
0x35: {  	s10 =	sld [smem:$0x3FB0];
	_ =	sdelay $0x3  }
0x36: {  	p1 =	seq.s32 s10, $0x1;
	s10 =	sld [smem:$0x3FB1];
	_ =	sdelay $0x3  }
0x37: {  	[smem:$0x3FB1] =	sst s10  }
0x38: {  	s10 =	sld [smem:$0x3FB2]  }
0x39: {  	_ = 	snop;
	(pc) =	sbr.ind lr, $3  }
0x3a: {  	_ = 	snop  }
0x3b: {  	_ = 	snop  }
0x3c: {  	p2 =	seq.s32 s10, $0x1;
	s10 =	sld [smem:$0x3FB1]  }
0x3d: {  	_ =	shalt  }
0x3e: {  	_ =	shalt  }
0x3f: {  	_ =	shalt  }
0x40: {  	_ =	shalt  }
0x41: {  	_ =	shalt  }
0x42: {  	_ =	shalt  }
0x43: {  	_ =	shalt  }
0x44: {  	_ =	shalt  }
0x45: {  	_ =	shalt  }
0x46: {  	_ =	shalt  }
0x47: {  	_ =	shalt  }
0x48: {  	_ =	shalt  }
0x49: {  	_ =	shalt  }
0x4a: {  	_ =	shalt  }
0x4b: {  	_ =	shalt  }
0x4c: {  	_ =	shalt  }
0x4d: {  	_ =	shalt  }
0x4e: {  	_ =	shalt  }
0x4f: {  	_ =	shalt  }
0x50: {  	_ =	shalt  }
0x51: {  	_ =	shalt  }
0x52: {  	_ =	shalt  }
0x53: {  	_ =	shalt  }
0x54: {  	_ =	shalt  }
0x55: {  	_ =	shalt  }
0x56: {  	_ =	shalt  }
0x57: {  	_ =	shalt  }
0x58: {  	_ =	shalt  }
0x59: {  	_ =	shalt  }
0x5a: {  	_ =	shalt  }
0x5b: {  	_ =	shalt  }
0x5c: {  	_ =	shalt  }
0x5d: {  	_ =	shalt  }
0x5e: {  	_ =	shalt  }
0x5f: {  	_ =	shalt  }
0x60: {  	_ =	shalt  }
0x61: {  	_ =	shalt  }
0x62: {  	_ =	shalt  }
0x63: {  	_ =	shalt  }
0x64: {  	_ =	shalt  }
0x65: {  	_ =	shalt  }
0x66: {  	_ =	shalt  }
0x67: {  	_ =	shalt  }
0x68: {  	_ =	shalt  }
0x69: {  	_ =	shalt  }
0x6a: {  	_ =	shalt  }
0x6b: {  	_ =	shalt  }
0x6c: {  	_ =	shalt  }
0x6d: {  	_ =	shalt  }
0x6e: {  	_ =	shalt  }
0x6f: {  	_ =	shalt  }
0x70: {  	_ =	shalt  }
0x71: {  	_ =	shalt  }
0x72: {  	_ =	shalt  }
0x73: {  	_ =	shalt  }
0x74: {  	_ =	shalt  }
0x75: {  	_ =	shalt  }
0x76: {  	_ =	shalt  }
0x77: {  	_ =	shalt  }
0x78: {  	_ =	shalt  }
0x79: {  	_ =	shalt  }
0x7a: {  	_ =	shalt  }
0x7b: {  	_ =	shalt  }
0x7c: {  	_ =	shalt  }
0x7d: {  	_ =	shalt  }
0x7e: {  	_ =	shalt  }
0x7f: {  	_ =	shalt  }
0x80: {  	_ =	shalt  }
0x81: {  	_ =	shalt  }
0x82: {  	_ =	shalt  }
0x83: {  	_ =	shalt  }
0x84: {  	_ =	shalt  }
0x85: {  	_ =	shalt  }
0x86: {  	_ =	shalt  }
0x87: {  	_ =	shalt  }
.Lfunc_end0:
.L_simem_size_0:
called_computation.2_lowered:
.L_overlay_start_0:
0x88: {  	s2 =	sld [smem:$0x3FD9]  }
0x89: {  	s3 =	sld [smem:$0x3FFE];
	_ =	sdelay $0x1  }
0x8a: {  	s1 =	srdreg.scid  }
0x8b: {  	s0 =	sand.u32 $0x1, s1  }
0x8c: {  	s16 =	sshll.u32 s0, $0xA;
	s2 =	sadd.s32 s3, s2  }
0x8d: {  	s2 =	sadd.s32 s2, s16  }
0x8e: {  	[smem:$0x3FBD] =	sst s2  }
0x8f: {  	_ = 	snop  }
0x90: {  	(tm) =	ssettm $0x1  }
0x91: {  	s17 =	sld [smem:$0x3FFB];
	_ =	sdelay $0x3  }
0x92: {  	_ =	strace s17  }
0x93: {  	s2 =	sld [smem:$0x3FFC];
	_ =	sdelay $0x3  }
0x94: {  	_ =	strace s2  }
0x95: {  	s2 =	sld [smem:$0x3FFD];
	_ =	sdelay $0x3  }
0x96: {  	_ =	strace s2  }
0x97: {  	_ =	strace $0x8FFFFFFF  }
0x98: {  	s18 =	sld [smem:$0x3FDB];
	_ =	sdelay $0x1  }
0x99: {  	s19 =	simm.s32 $_scs_section_size  }
0x9a: {  	s4 =	simm.s32 $_size__tile_overlayer_lowered;
	s5 =	simm.s32 $_tile_overlayer_lowered  }
0x9b: {  	s22 =	simm.s32 $0x1BFF;
	s21 =	sshll.u32 s5, $0x1;
	s2 =	sadd.s32 s19, s18  }
0x9c: {  	s6 =	simm.s32 $0x0;
	s20 =	sshll.u32 s4, $0x1;
	s4 =	sadd.s32 s21, s2  }
0x9d: {  	[timem:s6], [sflag:s22] =	dma.local [hbm:s4], s20  }
0x9e: {  	_ =	swait.ge [sflag:s22], s20  }
0x9f: {  	s3 =	ssub.s32 $0x0, s20;
	[sflag:s22] =	ssyncset.done $0x0  }
0xa0: {  	[sflag:s22] =	ssyncadd.s32 s3;
	_ =	sdelay $0x1  }
0xa1: {  	s23 =	simm.s32 $0x1B8B  }
0xa2: {  	_ =	swait.ge [sflag:s23], $0x1  }
0xa3: {  	[sflag:s23] =	ssyncset.done $0x0  }
0xa4: {  	s25 =	simm.s32 $0x1B8E;
	s24 =	sld [smem:$0x3FFE];
	[sflag:s23] =	ssyncadd.s32 $0xFFFFFFFF  }
0xa5: {  	s26 =	simm.s32 $execute0_lowered;
	[smem:$0x3FD2] =	sst s25  }
0xa6: {  	s4 =	sshll.u32 s26, $0x1;
	_ =	strace $0x8000004C;
	[dreg:$0x1] =	wrdreg $0xFFFFFFFF  }
0xa7: {  	s28 =	simm.s32 $_size_execute0_lowered;
	s2 =	sadd.s32 s2, s4;
	[dreg:$0x0] =	wrdreg $0x0  }
0xa8: {  	s4 =	sshll.u32 s28, $0x1;
	[dreg:$0x2] =	wrdreg s2  }
0xa9: {  	[dreg:$0x3] =	wrdreg s4  }
0xaa: {  	[dreg:$0x4] =	wrdreg $0xC0  }
0xab: {  	_ =	task [dreg:s6], $0x5FFFF  }
0xac: {  	[dreg:$0x1] =	wrdreg $0xFFFFFFFF  }
0xad: {  	[dreg:$0x0] =	wrdreg $0x60  }
0xae: {  	[dreg:$0x2] =	wrdreg s24  }
0xaf: {  	[dreg:$0x3] =	wrdreg $0x9  }
0xb0: {  	_ =	task.clear_ibuf [dreg:s6], $0x4FFFF;
	_ =	strace $0x9000004C  }
0xb1: {  	s29 =	simm.s32 $0x9;
	_ =	strace $0x8000004E  }
0xb2: {  	_ =	swait.ge [sflag:s29], $0x1  }
0xb3: {  	[sflag:s29] =	ssyncadd.s32 $0xFFFFFFFF  }
0xb4: {  	_ =	strace $0x9000004E  }
0xb5: {  	_ =	sfence  }
0xb6: {  	s30 =	sld [smem:$0x0];
	_ =	sdelay $0x2  }
0xb7: {  	s31 =	sshll.u32 s1, $0xD;
	s1 =	sshrl.u32 s1, $0x2  }
0xb8: {  	s3 =	sand.u32 $0x4000, s31;
	s1 =	sadd.s32 s1, s30  }
0xb9: {  	s0 =	sor.u32 s3, s0;
	s1 =	sshll.u32 s1, $0x11  }
0xba: {  	s0 =	sor.u32 s1, s0  }
0xbb: {  	s0 =	sadd.s32 $0x8F2B, s0  }
0xbc: {  	[sflag:s0] =	ssyncadd.remote.s32 $0x1  }
0xbd: {  	_ =	sfence.sel $0xFFFF  }
0xbe: {  	[dreg:$0x0] =	wrdreg $0xFFFFFFFF;
	(pc) =	sbr.abs _section_cstart, $3  }
0xbf: {  	[dreg:$0x1] =	wrdreg $0xFFFFFFFF  }
0xc0: {  	_ =	task.clear_ibuf [dreg:s6], $0x2FFFF;
	_ =	strace $0x9FFFFFFF  }
0xc1: {  	(tm) =	ssettm $0x7FFFFFFF  }
tec
execute0_lowered:
.L_overlay_start_1:
0x0: {  	(tag) =	ssettag $0x1  }
0x1: {  	s0 =	rddreg [dreg:$0x0]  }
0x2: {  	s2 =	simm.s32 $0x0;
	s1 =	srdreg.scid;
	s3 =	stileid.u32  }
0x3: {  	s13 =	simm.s32 $0x5;
	s15 =	simm.s32 $0xC8;
	s18 =	simm.s32 $0x200  }
0x4: {  	s19 =	simm.s32 $0x300;
	s20 =	simm.s32 $0xCC00;
	s21 =	simm.s32 $0x13000  }
0x5: {  	s22 =	simm.s32 $0x1;
	s23 =	simm.s32 $0x2;
	s24 =	simm.s32 $0x19400  }
0x6: {  	s25 =	simm.s32 $0x1A100;
	s28 =	simm.s32 $0x4;
	s29 =	simm.s32 $0x0  }
0x7: {  	[smem:$0x7FF] =	sst s2;
	s1 =	sand.u32 $0x1, s1;
	s3 =	sshll.u32 s3, $0x1  }
0x8: {  	s5 =	sadd.s32 $0x3200, s0;
	s6 =	sadd.s32 $0xD000, s0;
	s4 =	sor.u32 s1, s3  }
0x9: {  	s7 =	sadd.s32 $0x3E000, s0;
	s1 =	ssub.s32 $0x2, s1;
	s4 =	smul.u32 $0x2710, s4  }
0xa: {  	_ =	strace $0x8000004D;
	s3 =	sadd.s32 $0x16E00, s0;
	s8 =	sshrl.u32 s1, $0x1  }
0xb: {  	s26 =	ssub.s32 s1, s8;
	s30 =	sshrl.u32 s4, $0x3;
	s10 =	sadd.s32 $0xC8, s4  }
0xc: {  	v0 =	vlaneseq.u32;
	s11 =	sadd.s32 $0x190, s4;
	s12 =	smax.u32 s26, $0x1;
	s31 =	sadd.s32 s5, s30  }
0xd: {  	v0 =	vmul.u32 $0xC8, v0;
	s26 =	simm.s32 $0x3;
	s9 =	sadd.s32 s6, s30;
	[dreg:$0x2] =	wrdreg s31  }
.LBB2_1:
0xe: {  	s0 =	rddreg [dreg:$0x2]  }
0xf: {  	[tilespmem:s2], [sflag:$0x5] =	stream.linear.gather [hbm4b:s0+s2], $0xC8, $0x38;
	[tilespmem:$0x1A200] =	vst v63  }
0x10: {  	_ =	swait.ge [sflag:s13], $0xC8  }
0x11: {  	[sflag:s13] =	ssyncset.done $0x0  }
0x12: {  	s17 =	simm.s32 $0x100;
	[sflag:s13] =	ssyncadd.s32 $0xFFFFFF38  }
0x13: {  	[tilespmem:s17], [sflag:$0x5] =	stream.linear.gather [hbm4b:s9+s2], $0xC8, $0x38;
	[tilespmem:$0x1A200] =	vst v63  }
0x14: {  	_ =	swait.ge [sflag:s13], $0xC8  }
0x15: {  	[sflag:s13] =	ssyncset.done $0x0  }
0x16: {  	s1 =	simm.s32 $0x400;
	[sflag:s13] =	ssyncadd.s32 $0xFFFFFF38  }
0x17: {  	[tilespmem:s1], [sflag:$0x1] =	stream.indirect.gather [hbm4b:s3+s15], $0x80, s2, s15, $0xb8;
	[tilespmem:$0x1A200] =	vst v63  }
0x18: {  	s31 =	simm.s32 $0x6800;
	s30 =	simm.s32 $0x0  }
0x19: {  	[tilespmem:s31], [sflag:$0x2] =	stream.indirect.gather [hbm4b:s3+s15], $0x80, s17, s15, $0xb8;
	[tilespmem:$0x1A200] =	vst v63  }
.LBB2_2:
0x1a: {  	s0 =	smul.u32 $0x190, s30;
	_ =	sdelay $0x1  }
0x1b: {  	s1 =	sadd.s32 s0, s10  }
0x1c: {  	s31 =	sshrl.u32 s1, $0x3  }
0x1d: {  	s1 =	simm.s32 $0x0;
	s14 =	sadd.s32 s5, s31  }
0x1e: {  	[tilespmem:s18], [sflag:$0x5] =	stream.linear.gather [hbm4b:s14+s1], $0xC8, $0x38;
	[tilespmem:$0x1A200] =	vst v63  }
0x1f: {  	_ =	swait.ge [sflag:s13], $0xC8  }
0x20: {  	[sflag:s13] =	ssyncset.done $0x0  }
0x21: {  	s17 =	sadd.s32 s6, s31;
	[sflag:s13] =	ssyncadd.s32 $0xFFFFFF38  }
0x22: {  	[tilespmem:s19], [sflag:$0x5] =	stream.linear.gather [hbm4b:s17+s1], $0xC8, $0x38;
	[tilespmem:$0x1A200] =	vst v63  }
0x23: {  	_ =	swait.ge [sflag:s13], $0xC8  }
0x24: {  	[sflag:s13] =	ssyncset.done $0x0  }
0x25: {  	[sflag:s13] =	ssyncadd.s32 $0xFFFFFF38  }
0x26: {  	[tilespmem:s20], [sflag:$0x3] =	stream.indirect.gather [hbm4b:s3+s15], $0x80, s18, s15, $0xb8;
	[tilespmem:$0x1A200] =	vst v63  }
0x27: {  	_ = 	snop  }
0x28: {  	[tilespmem:s21], [sflag:$0x4] =	stream.indirect.gather [hbm4b:s3+s15], $0x80, s19, s15, $0xb8;
	[tilespmem:$0x1A200] =	vst v63  }
0x29: {  	_ =	swait.ge [sflag:s22], $0x6400  }
0x2a: {  	[sflag:s22] =	ssyncset.done $0x0  }
0x2b: {  	[sflag:s22] =	ssyncadd.s32 $0xFFFF9C00  }
0x2c: {  	_ =	swait.ge [sflag:s23], $0x6400  }
0x2d: {  	[sflag:s23] =	ssyncset.done $0x0  }
0x2e: {  	s16 =	simm.s32 $0x480;
	[sflag:s23] =	ssyncadd.s32 $0xFFFF9C00  }
0x2f: {  	s17 =	simm.s32 $0x6880;
	v1 =	vld [tilespmem:s16+$0x0]  }
0x30: {  	v2 =	vld [tilespmem:s17+$0x0]  }
0x31: {  	v3 =	vld [tilespmem:s16+$0x10]  }
0x32: {  	v4 =	vld [tilespmem:s17+$0x10]  }
0x33: {  	v5 =	vld [tilespmem:s16+$0x20]  }
0x34: {  	v6 =	vld [tilespmem:s17+$0x20]  }
0x35: {  	v7 =	vld [tilespmem:s16+$0x30]  }
0x36: {  	v8 =	vld [tilespmem:s17+$0x30]  }
0x37: {  	v9 =	vld [tilespmem:s16+$0x40]  }
0x38: {  	v10 =	vld [tilespmem:s17+$0x40]  }
0x39: {  	v11 =	vld [tilespmem:s16+$0x50]  }
0x3a: {  	v13 =	vld [tilespmem:s17+$0x50]  }
0x3b: {  	v12 =	vld [tilespmem:s16+$0x60]  }
0x3c: {  	v14 =	vld [tilespmem:s17+$0x60]  }
0x3d: {  	v15 =	vld [tilespmem:s16+$0x70]  }
0x3e: {  	s14 =	simm.s32 $0x2;
	v16 =	vld [tilespmem:s17+$0x70]  }
.LBB2_3:
0x3f: {  	p0 =	slt.u32 s14, $0xC6;
	v17 =	vld [tilespmem:s17+$0xFFFFFF80]  }
0x40: {  	v1 =	vmul.f32 v2, v1;
	v2 =	vmul.f32 v4, v3;
	v18 =	vld [tilespmem:s16+$0xFFFFFF90]  }
0x41: {  	v4 =	vmul.f32 v6, v5;
	v5 =	vmul.f32 v8, v7;
	v3 =	vld [tilespmem:s17+$0xFFFFFF90]  }
0x42: {  	v7 =	vmul.f32 v10, v9;
	v8 =	vmul.f32 v13, v11;
	v6 =	vld [tilespmem:s16+$0xFFFFFFA0]  }
0x43: {  	v10 =	vmul.f32 v14, v12;
	v9 =	vld [tilespmem:s17+$0xFFFFFFA0];
	v11 =	vmul.f32 v16, v15  }
0x44: {  	v1 =	vadd.f32 v7, v1;
	v2 =	vadd.f32 v8, v2;
	v12 =	vld [tilespmem:s16+$0xFFFFFFB0]  }
0x45: {  	s8 =	sadd.s32 $0x1, s1;
	v4 =	vadd.f32 v10, v4;
	v7 =	vld [tilespmem:s17+$0xFFFFFFB0];
	v5 =	vadd.f32 v11, v5  }
0x46: {  	v10 =	vadd.s32 s8, v0;
	v3 =	vmul.f32 v3, v18;
	v8 =	vld [tilespmem:s16+$0xFFFFFFC0]  }
0x47: {  	v1 =	vadd.f32 v2, v1;
	v11 =	vld [tilespmem:s17+$0xFFFFFFC0];
	v2 =	vadd.f32 v5, v4  }
0x48: {  	v5 =	vmul.f32 v9, v6;
	v4 =	vld [tilespmem:s16+$0xFFFFFFD0]  }
0x49: {  	v6 =	vld [tilespmem:s17+$0xFFFFFFD0];
	v1 =	vadd.f32 v2, v1  }
0x4a: {  	v7 =	vmul.f32 v7, v12;
	v9 =	vld [tilespmem:s16+$0xFFFFFFE0]  }
0x4b: {  	v12 =	vld [tilespmem:s17+$0xFFFFFFE0];
	[tilespmem:v10+s24+$0x0] =	vst.idx.msk $0xffff, v1  }
0x4c: {  	v8 =	vmul.f32 v11, v8;
	v10 =	vld [tilespmem:s16+$0xFFFFFFF0]  }
0x4d: {  	v11 =	vld [tilespmem:s17+$0xFFFFFFF0]  }
0x4e: {  	v13 =	vld [tilespmem:s16+$0xFFFFFF80];
	v4 =	vmul.f32 v6, v4;
	s16 =	sadd.s32 $0x100, s16  }
0x4f: {  	s17 =	sadd.s32 $0x100, s17;
	v1 =	vld [tilespmem:s16+$0x0]  }
0x50: {  	v2 =	vld [tilespmem:s17+$0x0];
	v14 =	vadd.f32 v4, v3;
	v6 =	vmul.f32 v12, v9  }
0x51: {  	v3 =	vld [tilespmem:s16+$0x10]  }
0x52: {  	v4 =	vld [tilespmem:s17+$0x10];
	v9 =	vadd.f32 v6, v5;
	v10 =	vmul.f32 v11, v10  }
0x53: {  	v5 =	vld [tilespmem:s16+$0x20];
	v11 =	vmul.f32 v17, v13  }
0x54: {  	v6 =	vld [tilespmem:s17+$0x20];
	v10 =	vadd.f32 v10, v7  }
0x55: {  	v7 =	vld [tilespmem:s16+$0x30];
	v11 =	vadd.f32 v8, v11  }
0x56: {  	v15 =	vadd.s32 s1, v0;
	s1 =	smov.u32 s14;
	v8 =	vld [tilespmem:s17+$0x30];
	v12 =	vadd.f32 v10, v9  }
0x57: {  	v9 =	vld [tilespmem:s16+$0x40];
	v13 =	vadd.f32 v14, v11  }
0x58: {  	v10 =	vld [tilespmem:s17+$0x40]  }
0x59: {  	v11 =	vld [tilespmem:s16+$0x50];
	v14 =	vadd.f32 v12, v13  }
.Ltmp0:
0x5a: {  	v13 =	vld [tilespmem:s17+$0x50];
	(pc) =	sbr.rel @p0 .LBB2_3-.Ltmp0, $4  }
0x5b: {  	v12 =	vld [tilespmem:s16+$0x60];
	[tilespmem:v15+s24+$0x0] =	vst.idx.msk $0xffff, v14  }
0x5c: {  	v14 =	vld [tilespmem:s17+$0x60]  }
0x5d: {  	v15 =	vld [tilespmem:s16+$0x70]  }
0x5e: {  	s14 =	sadd.s32 $0x2, s14;
	v16 =	vld [tilespmem:s17+$0x70]  }
0x5f: {  	v17 =	vld [tilespmem:s17+$0xFFFFFF80]  }
0x60: {  	v18 =	vld [tilespmem:s16+$0xFFFFFF90]  }
0x61: {  	v19 =	vld [tilespmem:s17+$0xFFFFFF90]  }
0x62: {  	v20 =	vld [tilespmem:s16+$0xFFFFFFA0]  }
0x63: {  	v21 =	vld [tilespmem:s17+$0xFFFFFFA0]  }
0x64: {  	v22 =	vld [tilespmem:s16+$0xFFFFFFB0]  }
0x65: {  	v23 =	vld [tilespmem:s17+$0xFFFFFFB0]  }
0x66: {  	v24 =	vld [tilespmem:s16+$0xFFFFFFC0]  }
0x67: {  	v25 =	vld [tilespmem:s17+$0xFFFFFFC0]  }
0x68: {  	v26 =	vld [tilespmem:s16+$0xFFFFFFD0]  }
0x69: {  	v27 =	vld [tilespmem:s17+$0xFFFFFFD0]  }
0x6a: {  	v28 =	vld [tilespmem:s16+$0xFFFFFFE0]  }
0x6b: {  	v29 =	vld [tilespmem:s17+$0xFFFFFFE0]  }
0x6c: {  	v1 =	vmul.f32 v2, v1;
	v2 =	vmul.f32 v4, v3;
	v3 =	vld [tilespmem:s16+$0xFFFFFFF0]  }
0x6d: {  	v4 =	vmul.f32 v6, v5;
	v5 =	vmul.f32 v8, v7;
	v6 =	vld [tilespmem:s17+$0xFFFFFFF0]  }
0x6e: {  	v7 =	vmul.f32 v10, v9;
	v8 =	vmul.f32 v13, v11;
	v9 =	vld [tilespmem:s16+$0xFFFFFF80]  }
0x6f: {  	v10 =	vmul.f32 v14, v12;
	v11 =	vmul.f32 v16, v15  }
0x70: {  	v1 =	vadd.f32 v7, v1;
	v7 =	vmul.f32 v19, v18;
	v12 =	vmul.f32 v21, v20  }
0x71: {  	v2 =	vadd.f32 v8, v2;
	v8 =	vmul.f32 v23, v22;
	v13 =	vmul.f32 v25, v24  }
0x72: {  	v4 =	vadd.f32 v10, v4;
	v10 =	vmul.f32 v27, v26;
	v14 =	vmul.f32 v29, v28  }
0x73: {  	v3 =	vmul.f32 v6, v3;
	v6 =	vmul.f32 v17, v9;
	v5 =	vadd.f32 v11, v5  }
0x74: {  	s8 =	sadd.s32 $0x1, s1;
	v7 =	vadd.f32 v10, v7;
	v9 =	vadd.f32 v14, v12  }
0x75: {  	v10 =	vadd.s32 s8, v0;
	v3 =	vadd.f32 v3, v8;
	v6 =	vadd.f32 v13, v6  }
0x76: {  	v1 =	vadd.f32 v2, v1;
	v2 =	vadd.f32 v5, v4;
	v4 =	vadd.s32 s1, v0  }
0x77: {  	v3 =	vadd.f32 v3, v9;
	v5 =	vadd.f32 v7, v6  }
0x78: {  	v1 =	vadd.f32 v2, v1  }
0x79: {  	v2 =	vadd.f32 v3, v5  }
0x7a: {  	[tilespmem:v10+s24+$0x0] =	vst.idx.msk $0xffff, v1  }
0x7b: {  	s1 =	simm.s32 $0x0;
	[tilespmem:v4+s24+$0x0] =	vst.idx.msk $0xffff, v2  }
0x7c: {  	v7 =	vld [tilespmem:s1+$0x19400]  }
0x7d: {  	v1 =	vld [tilespmem:s1+$0x194C8]  }
0x7e: {  	v2 =	vld [tilespmem:s1+$0x19590]  }
0x7f: {  	v3 =	vld [tilespmem:s1+$0x19658]  }
0x80: {  	v4 =	vld [tilespmem:s1+$0x19720]  }
0x81: {  	v5 =	vld [tilespmem:s1+$0x197E8]  }
0x82: {  	v6 =	vld [tilespmem:s1+$0x198B0]  }
0x83: {  	v9 =	vld [tilespmem:s1+$0x19978]  }
0x84: {  	v8 =	vld [tilespmem:s1+$0x19A40]  }
0x85: {  	v10 =	vld [tilespmem:s1+$0x19B08]  }
0x86: {  	v11 =	vld [tilespmem:s1+$0x19BD0]  }
0x87: {  	v13 =	vld [tilespmem:s1+$0x19C98]  }
0x88: {  	v12 =	vld [tilespmem:s1+$0x19D60]  }
0x89: {  	v14 =	vld [tilespmem:s1+$0x19E28]  }
0x8a: {  	s14 =	simm.s32 $0x40;
	v15 =	vld [tilespmem:s1+$0x19EF0]  }
.LBB2_5:
0x8b: {  	s8 =	sshra.s32 s14, $0x2;
	p0 =	sne.s32 s14, $0x300;
	v16 =	vld [tilespmem:s1+$0x19FB8]  }
0x8c: {  	v17 =	vld [tilespmem:s8+$0x19400]  }
0x8d: {  	v7 =	vadd.f32 v1, v7;
	v18 =	vadd.f32 v3, v2;
	v1 =	vld [tilespmem:s8+$0x194C8]  }
0x8e: {  	v19 =	vadd.f32 v5, v4;
	v6 =	vadd.f32 v9, v6;
	v2 =	vld [tilespmem:s8+$0x19590]  }
0x8f: {  	v8 =	vadd.f32 v10, v8;
	v9 =	vadd.f32 v13, v11;
	v3 =	vld [tilespmem:s8+$0x19658]  }
0x90: {  	v10 =	vadd.f32 v14, v12;
	v4 =	vld [tilespmem:s8+$0x19720];
	v11 =	vadd.f32 v16, v15  }
0x91: {  	v13 =	vadd.f32 v6, v19;
	v12 =	vadd.f32 v18, v7;
	v5 =	vld [tilespmem:s8+$0x197E8];
	v7 =	vmov v17  }
0x92: {  	v14 =	vadd.f32 v9, v8;
	v6 =	vld [tilespmem:s8+$0x198B0];
	v10 =	vadd.f32 v11, v10  }
0x93: {  	v9 =	vld [tilespmem:s8+$0x19978]  }
0x94: {  	v12 =	vadd.f32 v13, v12;
	v8 =	vld [tilespmem:s8+$0x19A40];
	v13 =	vadd.f32 v10, v14  }
0x95: {  	v10 =	vld [tilespmem:s8+$0x19B08]  }
.Ltmp1:
0x96: {  	v11 =	vld [tilespmem:s8+$0x19BD0];
	v14 =	vadd.f32 v13, v12;
	(pc) =	sbr.rel @p0 .LBB2_5-.Ltmp1, $4  }
0x97: {  	v13 =	vld [tilespmem:s8+$0x19C98]  }
0x98: {  	v12 =	vld [tilespmem:s8+$0x19D60];
	[tilespmem:s1+$0x1A100] =	vst v14;
	s1 =	smov.u32 s8  }
0x99: {  	v14 =	vld [tilespmem:s1+$0x19E28]  }
0x9a: {  	s14 =	sadd.s32 $0x40, s14;
	v15 =	vld [tilespmem:s1+$0x19EF0]  }
0x9b: {  	v16 =	vld [tilespmem:s1+$0x19FB8];
	_ =	sdelay $0x1  }
0x9c: {  	v1 =	vadd.f32 v1, v7;
	v2 =	vadd.f32 v3, v2  }
0x9d: {  	v3 =	vadd.f32 v5, v4;
	v4 =	vadd.f32 v9, v6  }
0x9e: {  	v5 =	vadd.f32 v10, v8;
	v6 =	vadd.f32 v13, v11  }
0x9f: {  	v7 =	vadd.f32 v14, v12;
	v8 =	vadd.f32 v16, v15  }
0xa0: {  	v1 =	vadd.f32 v2, v1;
	v2 =	vadd.f32 v4, v3  }
0xa1: {  	v3 =	vadd.f32 v6, v5;
	v4 =	vadd.f32 v8, v7;
	_ =	sdelay $0x1  }
0xa2: {  	v1 =	vadd.f32 v2, v1;
	v2 =	vadd.f32 v4, v3;
	_ =	sdelay $0x1  }
0xa3: {  	s8 =	sadd.s32 s4, s0;
	v1 =	vadd.f32 v2, v1  }
0xa4: {  	s8 =	sshrl.u32 s8, $0x3  }
0xa5: {  	p0 =	seq.s32 s30, $0x18;
	s17 =	sadd.s32 s7, s8;
	[tilespmem:s1+$0x1A100] =	vst v1  }
0xa6: {  	[hbm4b:s17+s2] =	stream.linear.scatter [tilespmem:s25], [sflag:$0x5], $0xC8, $0x38;
	[tilespmem:$0x1A200] =	vst v63  }
0xa7: {  	s0 =	sadd.s32 @!p0 s0, s11;
	_ =	swait.ge [sflag:s13], $0xC8  }
0xa8: {  	s0 =	sshrl.u32 @!p0 s0, $0x3;
	[sflag:s13] =	ssyncset.done $0x0  }
0xa9: {  	s8 =	simm.s32 @!p0 $0x0;
	s1 =	sadd.s32 @!p0 s5, s0;
	[sflag:s13] =	ssyncadd.s32 $0xFFFFFF38  }
0xaa: {  	[tilespmem:s8], [sflag:$0x5] =	stream.linear.gather @!p0 [hbm4b:s1+s8], $0xC8, $0x38;
	[tilespmem:$0x1A200] =	vst v63  }
0xab: {  	s1 =	simm.s32 @!p0 $0x5  }
0xac: {  	_ =	swait.ge @!p0 [sflag:s1], $0xC8  }
0xad: {  	[sflag:s1] =	ssyncset.done @!p0 $0x0  }
0xae: {  	s14 =	simm.s32 @!p0 $0x100;
	s0 =	sadd.s32 @!p0 s6, s0;
	[sflag:s1] =	ssyncadd.s32 @!p0 $0xFFFFFF38  }
0xaf: {  	[tilespmem:s14], [sflag:$0x5] =	stream.linear.gather @!p0 [hbm4b:s0+s8], $0xC8, $0x38;
	[tilespmem:$0x1A200] =	vst v63  }
0xb0: {  	_ =	swait.ge @!p0 [sflag:s1], $0xC8  }
0xb1: {  	[sflag:s1] =	ssyncset.done @!p0 $0x0  }
0xb2: {  	s0 =	simm.s32 @!p0 $0xC8;
	[sflag:s1] =	ssyncadd.s32 @!p0 $0xFFFFFF38;
	s1 =	simm.s32 @!p0 $0x400  }
0xb3: {  	[tilespmem:s1], [sflag:$0x1] =	stream.indirect.gather @!p0 [hbm4b:s3+s0], $0x80, s8, s0, $0xb8;
	[tilespmem:$0x1A200] =	vst v63  }
0xb4: {  	s1 =	simm.s32 @!p0 $0x6800  }
0xb5: {  	[tilespmem:s1], [sflag:$0x2] =	stream.indirect.gather @!p0 [hbm4b:s3+s0], $0x80, s14, s0, $0xb8;
	[tilespmem:$0x1A200] =	vst v63  }
0xb6: {  	_ =	swait.ge [sflag:s26], $0x6400  }
0xb7: {  	[sflag:s26] =	ssyncset.done $0x0  }
0xb8: {  	[sflag:s26] =	ssyncadd.s32 $0xFFFF9C00  }
0xb9: {  	_ =	swait.ge [sflag:s28], $0x6400  }
0xba: {  	[sflag:s28] =	ssyncset.done $0x0  }
0xbb: {  	s1 =	simm.s32 $0xCC80;
	[sflag:s28] =	ssyncadd.s32 $0xFFFF9C00  }
0xbc: {  	s16 =	simm.s32 $0x13080;
	v1 =	vld [tilespmem:s1+$0x0]  }
0xbd: {  	v2 =	vld [tilespmem:s16+$0x0]  }
0xbe: {  	v3 =	vld [tilespmem:s1+$0x10]  }
0xbf: {  	v4 =	vld [tilespmem:s16+$0x10]  }
0xc0: {  	v5 =	vld [tilespmem:s1+$0x20]  }
0xc1: {  	v6 =	vld [tilespmem:s16+$0x20]  }
0xc2: {  	v7 =	vld [tilespmem:s1+$0x30]  }
0xc3: {  	v8 =	vld [tilespmem:s16+$0x30]  }
0xc4: {  	v9 =	vld [tilespmem:s1+$0x40]  }
0xc5: {  	v10 =	vld [tilespmem:s16+$0x40]  }
0xc6: {  	v11 =	vld [tilespmem:s1+$0x50]  }
0xc7: {  	v13 =	vld [tilespmem:s16+$0x50]  }
0xc8: {  	v12 =	vld [tilespmem:s1+$0x60]  }
0xc9: {  	v14 =	vld [tilespmem:s16+$0x60]  }
0xca: {  	v15 =	vld [tilespmem:s1+$0x70]  }
0xcb: {  	s0 =	simm.s32 $0x0;
	s14 =	simm.s32 $0x2;
	v16 =	vld [tilespmem:s16+$0x70]  }
.LBB2_7:
0xcc: {  	p0 =	slt.u32 s14, $0xC6;
	v17 =	vld [tilespmem:s16+$0xFFFFFF80]  }
0xcd: {  	v1 =	vmul.f32 v2, v1;
	v2 =	vmul.f32 v4, v3;
	v18 =	vld [tilespmem:s1+$0xFFFFFF90]  }
0xce: {  	v4 =	vmul.f32 v6, v5;
	v5 =	vmul.f32 v8, v7;
	v3 =	vld [tilespmem:s16+$0xFFFFFF90]  }
0xcf: {  	v7 =	vmul.f32 v10, v9;
	v8 =	vmul.f32 v13, v11;
	v6 =	vld [tilespmem:s1+$0xFFFFFFA0]  }
0xd0: {  	v10 =	vmul.f32 v14, v12;
	v9 =	vld [tilespmem:s16+$0xFFFFFFA0];
	v11 =	vmul.f32 v16, v15  }
0xd1: {  	v1 =	vadd.f32 v7, v1;
	v2 =	vadd.f32 v8, v2;
	v12 =	vld [tilespmem:s1+$0xFFFFFFB0]  }
0xd2: {  	s8 =	sadd.s32 $0x1, s0;
	v4 =	vadd.f32 v10, v4;
	v7 =	vld [tilespmem:s16+$0xFFFFFFB0];
	v5 =	vadd.f32 v11, v5  }
0xd3: {  	v10 =	vadd.s32 s8, v0;
	v3 =	vmul.f32 v3, v18;
	v8 =	vld [tilespmem:s1+$0xFFFFFFC0]  }
0xd4: {  	v1 =	vadd.f32 v2, v1;
	v11 =	vld [tilespmem:s16+$0xFFFFFFC0];
	v2 =	vadd.f32 v5, v4  }
0xd5: {  	v5 =	vmul.f32 v9, v6;
	v4 =	vld [tilespmem:s1+$0xFFFFFFD0]  }
0xd6: {  	v6 =	vld [tilespmem:s16+$0xFFFFFFD0];
	v1 =	vadd.f32 v2, v1  }
0xd7: {  	v7 =	vmul.f32 v7, v12;
	v9 =	vld [tilespmem:s1+$0xFFFFFFE0]  }
0xd8: {  	v12 =	vld [tilespmem:s16+$0xFFFFFFE0];
	[tilespmem:v10+s24+$0x0] =	vst.idx.msk $0xffff, v1  }
0xd9: {  	v8 =	vmul.f32 v11, v8;
	v10 =	vld [tilespmem:s1+$0xFFFFFFF0]  }
0xda: {  	v11 =	vld [tilespmem:s16+$0xFFFFFFF0]  }
0xdb: {  	v13 =	vld [tilespmem:s1+$0xFFFFFF80];
	v4 =	vmul.f32 v6, v4;
	s1 =	sadd.s32 $0x100, s1  }
0xdc: {  	s16 =	sadd.s32 $0x100, s16;
	v1 =	vld [tilespmem:s1+$0x0]  }
0xdd: {  	v2 =	vld [tilespmem:s16+$0x0];
	v14 =	vadd.f32 v4, v3;
	v6 =	vmul.f32 v12, v9  }
0xde: {  	v3 =	vld [tilespmem:s1+$0x10]  }
0xdf: {  	v4 =	vld [tilespmem:s16+$0x10];
	v9 =	vadd.f32 v6, v5;
	v10 =	vmul.f32 v11, v10  }
0xe0: {  	v5 =	vld [tilespmem:s1+$0x20];
	v11 =	vmul.f32 v17, v13  }
0xe1: {  	v6 =	vld [tilespmem:s16+$0x20];
	v10 =	vadd.f32 v10, v7  }
0xe2: {  	v7 =	vld [tilespmem:s1+$0x30];
	v11 =	vadd.f32 v8, v11  }
0xe3: {  	v15 =	vadd.s32 s0, v0;
	s0 =	smov.u32 s14;
	v8 =	vld [tilespmem:s16+$0x30];
	v12 =	vadd.f32 v10, v9  }
0xe4: {  	v9 =	vld [tilespmem:s1+$0x40];
	v13 =	vadd.f32 v14, v11  }
0xe5: {  	v10 =	vld [tilespmem:s16+$0x40]  }
0xe6: {  	v11 =	vld [tilespmem:s1+$0x50];
	v14 =	vadd.f32 v12, v13  }
.Ltmp2:
0xe7: {  	v13 =	vld [tilespmem:s16+$0x50];
	(pc) =	sbr.rel @p0 .LBB2_7-.Ltmp2, $4  }
0xe8: {  	v12 =	vld [tilespmem:s1+$0x60];
	[tilespmem:v15+s24+$0x0] =	vst.idx.msk $0xffff, v14  }
0xe9: {  	v14 =	vld [tilespmem:s16+$0x60]  }
0xea: {  	v15 =	vld [tilespmem:s1+$0x70]  }
0xeb: {  	s14 =	sadd.s32 $0x2, s14;
	v16 =	vld [tilespmem:s16+$0x70]  }
0xec: {  	v17 =	vld [tilespmem:s16+$0xFFFFFF80]  }
0xed: {  	v18 =	vld [tilespmem:s1+$0xFFFFFF90]  }
0xee: {  	v19 =	vld [tilespmem:s16+$0xFFFFFF90]  }
0xef: {  	v20 =	vld [tilespmem:s1+$0xFFFFFFA0]  }
0xf0: {  	v21 =	vld [tilespmem:s16+$0xFFFFFFA0]  }
0xf1: {  	v22 =	vld [tilespmem:s1+$0xFFFFFFB0]  }
0xf2: {  	v23 =	vld [tilespmem:s16+$0xFFFFFFB0]  }
0xf3: {  	v24 =	vld [tilespmem:s1+$0xFFFFFFC0]  }
0xf4: {  	v25 =	vld [tilespmem:s16+$0xFFFFFFC0]  }
0xf5: {  	v26 =	vld [tilespmem:s1+$0xFFFFFFD0]  }
0xf6: {  	v27 =	vld [tilespmem:s16+$0xFFFFFFD0]  }
0xf7: {  	v28 =	vld [tilespmem:s1+$0xFFFFFFE0]  }
0xf8: {  	v29 =	vld [tilespmem:s16+$0xFFFFFFE0]  }
0xf9: {  	v1 =	vmul.f32 v2, v1;
	v2 =	vmul.f32 v4, v3;
	v3 =	vld [tilespmem:s1+$0xFFFFFFF0]  }
0xfa: {  	v4 =	vmul.f32 v6, v5;
	v5 =	vmul.f32 v8, v7;
	v6 =	vld [tilespmem:s16+$0xFFFFFFF0]  }
0xfb: {  	v7 =	vmul.f32 v10, v9;
	v8 =	vmul.f32 v13, v11;
	v9 =	vld [tilespmem:s1+$0xFFFFFF80]  }
0xfc: {  	v10 =	vmul.f32 v14, v12;
	v11 =	vmul.f32 v16, v15  }
0xfd: {  	v1 =	vadd.f32 v7, v1;
	v7 =	vmul.f32 v19, v18;
	v12 =	vmul.f32 v21, v20  }
0xfe: {  	v2 =	vadd.f32 v8, v2;
	v8 =	vmul.f32 v23, v22;
	v13 =	vmul.f32 v25, v24  }
0xff: {  	v4 =	vadd.f32 v10, v4;
	v10 =	vmul.f32 v27, v26;
	v14 =	vmul.f32 v29, v28  }
0x100: {  	v3 =	vmul.f32 v6, v3;
	v6 =	vmul.f32 v17, v9;
	v5 =	vadd.f32 v11, v5  }
0x101: {  	s17 =	sadd.s32 $0x1, s0;
	v7 =	vadd.f32 v10, v7;
	v9 =	vadd.f32 v14, v12  }
0x102: {  	v10 =	vadd.s32 s17, v0;
	v3 =	vadd.f32 v3, v8;
	v6 =	vadd.f32 v13, v6  }
0x103: {  	v1 =	vadd.f32 v2, v1;
	v2 =	vadd.f32 v5, v4;
	v4 =	vadd.s32 s0, v0  }
0x104: {  	v3 =	vadd.f32 v3, v9;
	v5 =	vadd.f32 v7, v6  }
0x105: {  	v1 =	vadd.f32 v2, v1  }
0x106: {  	v2 =	vadd.f32 v3, v5  }
0x107: {  	[tilespmem:v10+s24+$0x0] =	vst.idx.msk $0xffff, v1  }
0x108: {  	s0 =	simm.s32 $0x0;
	[tilespmem:v4+s24+$0x0] =	vst.idx.msk $0xffff, v2  }
0x109: {  	v7 =	vld [tilespmem:s0+$0x19400]  }
0x10a: {  	v1 =	vld [tilespmem:s0+$0x194C8]  }
0x10b: {  	v2 =	vld [tilespmem:s0+$0x19590]  }
0x10c: {  	v3 =	vld [tilespmem:s0+$0x19658]  }
0x10d: {  	v4 =	vld [tilespmem:s0+$0x19720]  }
0x10e: {  	v5 =	vld [tilespmem:s0+$0x197E8]  }
0x10f: {  	v6 =	vld [tilespmem:s0+$0x198B0]  }
0x110: {  	v9 =	vld [tilespmem:s0+$0x19978]  }
0x111: {  	v8 =	vld [tilespmem:s0+$0x19A40]  }
0x112: {  	v10 =	vld [tilespmem:s0+$0x19B08]  }
0x113: {  	v11 =	vld [tilespmem:s0+$0x19BD0]  }
0x114: {  	v13 =	vld [tilespmem:s0+$0x19C98]  }
0x115: {  	v12 =	vld [tilespmem:s0+$0x19D60]  }
0x116: {  	v14 =	vld [tilespmem:s0+$0x19E28]  }
0x117: {  	s1 =	simm.s32 $0x40;
	v15 =	vld [tilespmem:s0+$0x19EF0]  }
.LBB2_9:
0x118: {  	s8 =	sshra.s32 s1, $0x2;
	p0 =	sne.s32 s1, $0x300;
	v16 =	vld [tilespmem:s0+$0x19FB8]  }
0x119: {  	v17 =	vld [tilespmem:s8+$0x19400]  }
0x11a: {  	v7 =	vadd.f32 v1, v7;
	v18 =	vadd.f32 v3, v2;
	v1 =	vld [tilespmem:s8+$0x194C8]  }
0x11b: {  	v19 =	vadd.f32 v5, v4;
	v6 =	vadd.f32 v9, v6;
	v2 =	vld [tilespmem:s8+$0x19590]  }
0x11c: {  	v8 =	vadd.f32 v10, v8;
	v9 =	vadd.f32 v13, v11;
	v3 =	vld [tilespmem:s8+$0x19658]  }
0x11d: {  	v10 =	vadd.f32 v14, v12;
	v4 =	vld [tilespmem:s8+$0x19720];
	v11 =	vadd.f32 v16, v15  }
0x11e: {  	v13 =	vadd.f32 v6, v19;
	v12 =	vadd.f32 v18, v7;
	v5 =	vld [tilespmem:s8+$0x197E8];
	v7 =	vmov v17  }
0x11f: {  	v14 =	vadd.f32 v9, v8;
	v6 =	vld [tilespmem:s8+$0x198B0];
	v10 =	vadd.f32 v11, v10  }
0x120: {  	v9 =	vld [tilespmem:s8+$0x19978]  }
0x121: {  	v12 =	vadd.f32 v13, v12;
	v8 =	vld [tilespmem:s8+$0x19A40];
	v13 =	vadd.f32 v10, v14  }
0x122: {  	v10 =	vld [tilespmem:s8+$0x19B08]  }
.Ltmp3:
0x123: {  	v11 =	vld [tilespmem:s8+$0x19BD0];
	v14 =	vadd.f32 v13, v12;
	(pc) =	sbr.rel @p0 .LBB2_9-.Ltmp3, $4  }
0x124: {  	v13 =	vld [tilespmem:s8+$0x19C98]  }
0x125: {  	v12 =	vld [tilespmem:s8+$0x19D60];
	[tilespmem:s0+$0x1A100] =	vst v14;
	s0 =	smov.u32 s8  }
0x126: {  	v14 =	vld [tilespmem:s0+$0x19E28]  }
0x127: {  	s1 =	sadd.s32 $0x40, s1;
	v15 =	vld [tilespmem:s0+$0x19EF0]  }
0x128: {  	v16 =	vld [tilespmem:s0+$0x19FB8];
	_ =	sdelay $0x1  }
0x129: {  	v1 =	vadd.f32 v1, v7;
	v2 =	vadd.f32 v3, v2  }
0x12a: {  	v3 =	vadd.f32 v5, v4;
	v58 =	vadd.f32 v9, v6  }
0x12b: {  	v59 =	vadd.f32 v10, v8;
	v60 =	vadd.f32 v13, v11  }
0x12c: {  	v61 =	vadd.f32 v14, v12;
	v62 =	vadd.f32 v16, v15  }
0x12d: {  	v1 =	vadd.f32 v2, v1;
	v2 =	vadd.f32 v58, v3  }
0x12e: {  	v3 =	vadd.f32 v60, v59;
	v63 =	vadd.f32 v62, v61;
	_ =	sdelay $0x1  }
0x12f: {  	v1 =	vadd.f32 v2, v1;
	v2 =	vadd.f32 v63, v3;
	_ =	sdelay $0x1  }
0x130: {  	s30 =	sadd.s32 $0x1, s30;
	v1 =	vadd.f32 v2, v1  }
0x131: {  	p0 =	sne.s32 s30, $0x19  }
.Ltmp4:
0x132: {  	s31 =	sadd.s32 s7, s31;
	[tilespmem:s0+$0x1A100] =	vst v1;
	(pc) =	sbr.rel @p0 .LBB2_2-.Ltmp4, $4  }
0x133: {  	[hbm4b:s31+s2] =	stream.linear.scatter [tilespmem:s25], [sflag:$0x5], $0xC8, $0x38;
	[tilespmem:$0x1A200] =	vst v63  }
0x134: {  	_ =	swait.ge [sflag:s13], $0xC8  }
0x135: {  	[sflag:s13] =	ssyncset.done $0x0  }
0x136: {  	[sflag:s13] =	ssyncadd.s32 $0xFFFFFF38  }
0x137: {  	s29 =	sadd.s32 $0x1, s29  }
0x138: {  	p0 =	sne.s32 s29, s12  }
.Ltmp5:
0x139: {  	_ = 	snop;
	(pc) =	sbr.rel @p0 .LBB2_1-.Ltmp5, $1  }
0x13a: {  	_ =	sdelay $0x3  }
0x13b: {  	_ =	sfence.sel $0x180000  }
0x13c: {  	[bflag:$0x0] =	sbarrier.arrive $0xFFFF  }
0x13d: {  	_ =	strace $0x9000004D  }
0x13e: {  	s0 =	stileid.u32;
	[bflag:$0x2] =	sbarrier.arrive $0xFFFF  }
0x13f: {  	p0 =	sne.s32 s0, $0x0;
	s0 =	rddreg [dreg:$0x1]  }
0x140: {  	s0 =	sadd.s32 @!p0 $0x100000, s0  }
0x141: {  	[sflag:s0] =	ssyncadd.tile.s32 @!p0 $0x1;
	_ =	shalt  }
.Lfunc_end2:
_tile_overlayer_lowered:
.L_overlay_start_2:
0x142: {  	(tag) =	ssettag $0x2  }
0x143: {  	s0 =	rddreg [dreg:$0x0];
	s2 =	stileid.u32  }
0x144: {  	s1 =	rddreg [dreg:$0x1];
	p0 =	sne.s32 s2, $0x0  }
0x145: {  	s3 =	rddreg [dreg:$0x2];
	[bflag:$0x3] =	sbarrier.arrive $0xFFFF;
	s2 =	simm.s32 @!p0 $0x1C05  }
0x146: {  	[timem:s3], [sflag:s2] =	dma.local @!p0 [hbm:s0], s1  }
0x147: {  	s0 =	simm.s32 @!p0 $0x5  }
0x148: {  	_ =	swait.ge @!p0 [sflag:s0], s1  }
0x149: {  	s1 =	ssub.s32 @!p0 $0x0, s1;
	[sflag:s0] =	ssyncset.done @!p0 $0x0  }
0x14a: {  	[sflag:s0] =	ssyncadd.s32 @!p0 s1  }
0x14b: {  	[bflag:$0x3] =	sbarrier.arrive $0xFFFF  }
0x14c: {  	_ =	shalt  }

// kernel: kernel.21.cloned.1.call-start
scs
__scs_entry_jumppad:
0x0: {  	(pc) =	sbr.rel $0x88, $3  }
0x1: {  	(tag) =	ssettag $0x0;
	lr =	simm.s32 $0x1  }
0x2: {  	[smem:$0x3F96] =	sst lr;
	_ =	strace $0xD0000000  }
0x3: {  	_ = 	snop  }
0x4: {  	_ = 	snop  }
0x5: {  	_ = 	snop  }
0x6: {  	_ = 	snop  }
0x7: {  	_ = 	snop  }
__scs_overlays_trampoline_lowered:
0x8: {  	[smem:$0x3FA5] =	sst s0  }
0x9: {  	[smem:$0x3FA6] =	sst s1  }
0xa: {  	[smem:$0x3FA7] =	sst s2  }
0xb: {  	[smem:$0x3FA8] =	sst s3  }
0xc: {  	[smem:$0x3FA9] =	sst s4  }
0xd: {  	[smem:$0x3FAA] =	sst s5  }
0xe: {  	[smem:$0x3FAB] =	sst s6  }
0xf: {  	[smem:$0x3FAC] =	sst s7  }
0x10: {  	[smem:$0x3FAD] =	sst s8  }
0x11: {  	[smem:$0x3FAE] =	sst s9;
	s0 =	simm.s32 @!p0 $0x0  }
0x12: {  	s1 =	sld [smem:$0x3F94];
	s0 =	simm.s32 @p0 $0x1  }
0x13: {  	[smem:$0x3FAF] =	sst s0;
	s0 =	simm.s32 @!p1 $0x0  }
0x14: {  	s2 =	sld [smem:$0x3F93];
	s0 =	simm.s32 @p1 $0x1  }
0x15: {  	[smem:$0x3FB0] =	sst s0;
	s0 =	simm.s32 @!p2 $0x0  }
0x16: {  	s3 =	sld [smem:$0x3FDB];
	s0 =	simm.s32 @p2 $0x1  }
0x17: {  	s4 =	simm.s32 $0x1BF5;
	[smem:$0x3FB2] =	sst s0  }
0x18: {  	s0 =	sld [smem:$0x3F95];
	_ =	swait.ge [sflag:s4], $0x0  }
0x19: {  	s7 =	sld [smem:$0x3F96]  }
0x1a: {  	s8 =	sadd.s32 $0xFFFFE003, lr  }
0x1b: {  	s9 =	sadd.s32 $0xFFFFFEF7, lr;
	s5 =	simm.s32 $0xFFFFFFFF;
	p2 =	slt.u32 s8, $0xFFFFF086  }
0x1c: {  	p1 =	slt.u32 s9, $0xF7A;
	s5 =	simm.s32 @!p2 $0x0  }
0x1d: {  	s5 =	simm.s32 @p1 $0x1;
	p0 =	seq.s32 s7, s2  }
0x1e: {  	s7 =	smul.u32 @!p0 $0xF7A, s2;
	p2 =	seq.s32 @!p0 s5, $0x0  }
0x1f: {  	s9 =	smul.u32 $0xF7A, s1;
	s8 =	simm.s32 @!p0 $0x1BF5;
	p2 =	por !p2, p0  }
0x20: {  	[sflag:s8] =	ssyncset.s32 @!p0 $0xFFFFF086;
	s6 =	sadd.s32 @!p0 s3, s7;
	s7 =	simm.s32 @!p0 $0x108  }
0x21: {  	s3 =	sadd.s32 s3, s9;
	s6 =	sadd.s32 @!p0 $0x88, s6;
	s7 =	simm.s32 @p2 $0x1082  }
0x22: {  	[simem:s7], [sflag:s8] =	dma.local @!p0 [hbm:s6], $0xF7A  }
0x23: {  	s9 =	sor.u32 $0xD0000000, s2;
	s6 =	simm.s32 $0x108;
	_ =	swait.ge @!p0 [sflag:s8], $0x0  }
0x24: {  	s3 =	sadd.s32 $0x88, s3;
	s6 =	simm.s32 @!p1 $0x1082;
	[sflag:s4] =	ssyncset.s32 $0xFFFFF086  }
0x25: {  	[simem:s6], [sflag:s4] =	dma.local [hbm:s3], $0xF7A  }
0x26: {  	[smem:$0x3F96] =	sst s1;
	(tag) =	ssettag s2;
	_ =	strace s9  }
0x27: {  	s1 =	sld [smem:$0x3FA6]  }
0x28: {  	s2 =	sld [smem:$0x3FA7]  }
0x29: {  	s4 =	sld [smem:$0x3FA9]  }
0x2a: {  	p0 =	seq.s32 s5, $0x0;
	s5 =	sld [smem:$0x3FAA]  }
0x2b: {  	s6 =	sld [smem:$0x3FAB]  }
0x2c: {  	s7 =	sld [smem:$0x3FAC]  }
0x2d: {  	s3 =	simm.s32 $0x108;
	s8 =	sld [smem:$0x3FAD]  }
0x2e: {  	s3 =	simm.s32 @!p0 $0x1082;
	s9 =	sld [smem:$0x3FAE]  }
0x2f: {  	lr =	sadd.s32 s0, s3;
	s0 =	sld [smem:$0x3FA5]  }
0x30: {  	s3 =	sld [smem:$0x3FA8]  }
0x31: {  	[smem:$0x3FB1] =	sst s10  }
0x32: {  	s10 =	sld [smem:$0x3FAF];
	_ =	sdelay $0x3  }
0x33: {  	p0 =	seq.s32 s10, $0x1;
	s10 =	sld [smem:$0x3FB1];
	_ =	sdelay $0x3  }
0x34: {  	[smem:$0x3FB1] =	sst s10  }
0x35: {  	s10 =	sld [smem:$0x3FB0];
	_ =	sdelay $0x3  }
0x36: {  	p1 =	seq.s32 s10, $0x1;
	s10 =	sld [smem:$0x3FB1];
	_ =	sdelay $0x3  }
0x37: {  	[smem:$0x3FB1] =	sst s10  }
0x38: {  	s10 =	sld [smem:$0x3FB2]  }
0x39: {  	_ = 	snop;
	(pc) =	sbr.ind lr, $3  }
0x3a: {  	_ = 	snop  }
0x3b: {  	_ = 	snop  }
0x3c: {  	p2 =	seq.s32 s10, $0x1;
	s10 =	sld [smem:$0x3FB1]  }
0x3d: {  	_ =	shalt  }
0x3e: {  	_ =	shalt  }
0x3f: {  	_ =	shalt  }
0x40: {  	_ =	shalt  }
0x41: {  	_ =	shalt  }
0x42: {  	_ =	shalt  }
0x43: {  	_ =	shalt  }
0x44: {  	_ =	shalt  }
0x45: {  	_ =	shalt  }
0x46: {  	_ =	shalt  }
0x47: {  	_ =	shalt  }
0x48: {  	_ =	shalt  }
0x49: {  	_ =	shalt  }
0x4a: {  	_ =	shalt  }
0x4b: {  	_ =	shalt  }
0x4c: {  	_ =	shalt  }
0x4d: {  	_ =	shalt  }
0x4e: {  	_ =	shalt  }
0x4f: {  	_ =	shalt  }
0x50: {  	_ =	shalt  }
0x51: {  	_ =	shalt  }
0x52: {  	_ =	shalt  }
0x53: {  	_ =	shalt  }
0x54: {  	_ =	shalt  }
0x55: {  	_ =	shalt  }
0x56: {  	_ =	shalt  }
0x57: {  	_ =	shalt  }
0x58: {  	_ =	shalt  }
0x59: {  	_ =	shalt  }
0x5a: {  	_ =	shalt  }
0x5b: {  	_ =	shalt  }
0x5c: {  	_ =	shalt  }
0x5d: {  	_ =	shalt  }
0x5e: {  	_ =	shalt  }
0x5f: {  	_ =	shalt  }
0x60: {  	_ =	shalt  }
0x61: {  	_ =	shalt  }
0x62: {  	_ =	shalt  }
0x63: {  	_ =	shalt  }
0x64: {  	_ =	shalt  }
0x65: {  	_ =	shalt  }
0x66: {  	_ =	shalt  }
0x67: {  	_ =	shalt  }
0x68: {  	_ =	shalt  }
0x69: {  	_ =	shalt  }
0x6a: {  	_ =	shalt  }
0x6b: {  	_ =	shalt  }
0x6c: {  	_ =	shalt  }
0x6d: {  	_ =	shalt  }
0x6e: {  	_ =	shalt  }
0x6f: {  	_ =	shalt  }
0x70: {  	_ =	shalt  }
0x71: {  	_ =	shalt  }
0x72: {  	_ =	shalt  }
0x73: {  	_ =	shalt  }
0x74: {  	_ =	shalt  }
0x75: {  	_ =	shalt  }
0x76: {  	_ =	shalt  }
0x77: {  	_ =	shalt  }
0x78: {  	_ =	shalt  }
0x79: {  	_ =	shalt  }
0x7a: {  	_ =	shalt  }
0x7b: {  	_ =	shalt  }
0x7c: {  	_ =	shalt  }
0x7d: {  	_ =	shalt  }
0x7e: {  	_ =	shalt  }
0x7f: {  	_ =	shalt  }
0x80: {  	_ =	shalt  }
0x81: {  	_ =	shalt  }
0x82: {  	_ =	shalt  }
0x83: {  	_ =	shalt  }
0x84: {  	_ =	shalt  }
0x85: {  	_ =	shalt  }
0x86: {  	_ =	shalt  }
0x87: {  	_ =	shalt  }
.Lfunc_end0:
.L_simem_size_0:
called_computation.3_lowered:
.L_overlay_start_0:
0x88: {  	s2 =	sld [smem:$0x3FD9]  }
0x89: {  	s3 =	sld [smem:$0x3FFE];
	_ =	sdelay $0x1  }
0x8a: {  	s1 =	srdreg.scid  }
0x8b: {  	s0 =	sand.u32 $0x1, s1  }
0x8c: {  	s17 =	sshll.u32 s0, $0xA;
	s2 =	sadd.s32 s3, s2  }
0x8d: {  	s2 =	sadd.s32 s2, s17  }
0x8e: {  	[smem:$0x3FBD] =	sst s2  }
0x8f: {  	_ = 	snop  }
0x90: {  	s2 =	sld [smem:$0x3FD0];
	(tm) =	ssettm $0x1  }
0x91: {  	s18 =	sld [smem:$0x3FFB];
	_ =	sdelay $0x3  }
0x92: {  	_ =	strace s18  }
0x93: {  	s3 =	sld [smem:$0x3FFC];
	_ =	sdelay $0x3  }
0x94: {  	_ =	strace s3  }
0x95: {  	s3 =	sld [smem:$0x3FFD];
	_ =	sdelay $0x3  }
0x96: {  	_ =	strace s3  }
0x97: {  	_ =	strace $0x8FFFFFFF  }
0x98: {  	s19 =	sld [smem:$0x3FDB];
	_ =	sdelay $0x1  }
0x99: {  	s4 =	simm.s32 $_scs_section_size  }
0x9a: {  	s5 =	simm.s32 $_size__tile_overlayer_lowered;
	s6 =	simm.s32 $_tile_overlayer_lowered  }
0x9b: {  	s22 =	simm.s32 $0x1BFF;
	s21 =	sshll.u32 s6, $0x1;
	s3 =	sadd.s32 s4, s19  }
0x9c: {  	s7 =	simm.s32 $0x0;
	s20 =	sshll.u32 s5, $0x1;
	s5 =	sadd.s32 s21, s3  }
0x9d: {  	[timem:s7], [sflag:s22] =	dma.local [hbm:s5], s20  }
0x9e: {  	_ =	swait.ge [sflag:s22], s20  }
0x9f: {  	s4 =	ssub.s32 $0x0, s20;
	[sflag:s22] =	ssyncset.done $0x0  }
0xa0: {  	[sflag:s22] =	ssyncadd.s32 s4;
	_ =	sdelay $0x1  }
0xa1: {  	s23 =	simm.s32 $0x1B8B  }
0xa2: {  	_ =	swait.ge [sflag:s23], $0x1  }
0xa3: {  	[sflag:s23] =	ssyncset.done $0x0  }
0xa4: {  	s25 =	simm.s32 $0x1B8E;
	s24 =	sld [smem:$0x3FFE];
	[sflag:s23] =	ssyncadd.s32 $0xFFFFFFFF  }
0xa5: {  	s26 =	simm.s32 $execute0_lowered;
	[smem:$0x3FD2] =	sst s25  }
0xa6: {  	s5 =	sshll.u32 s26, $0x1;
	_ =	strace $0x8000004F;
	[dreg:$0x1] =	wrdreg $0xFFFFFFFF  }
0xa7: {  	s28 =	simm.s32 $_size_execute0_lowered;
	s3 =	sadd.s32 s3, s5;
	[dreg:$0x0] =	wrdreg $0x0  }
0xa8: {  	s5 =	sshll.u32 s28, $0x1;
	[dreg:$0x2] =	wrdreg s3  }
0xa9: {  	[dreg:$0x3] =	wrdreg s5  }
0xaa: {  	[dreg:$0x4] =	wrdreg $0xC0  }
0xab: {  	_ =	task [dreg:s7], $0x5FFFF  }
0xac: {  	[dreg:$0x1] =	wrdreg $0xFFFFFFFF  }
0xad: {  	[dreg:$0x0] =	wrdreg $0x60  }
0xae: {  	[dreg:$0x2] =	wrdreg s24  }
0xaf: {  	[dreg:$0x3] =	wrdreg s2  }
0xb0: {  	[dreg:$0x4] =	wrdreg $0x9  }
0xb1: {  	_ =	task.clear_ibuf [dreg:s7], $0x5FFFF;
	_ =	strace $0x9000004F  }
0xb2: {  	s29 =	simm.s32 $0x9;
	_ =	strace $0x80000051  }
0xb3: {  	_ =	swait.ge [sflag:s29], $0x1  }
0xb4: {  	[sflag:s29] =	ssyncadd.s32 $0xFFFFFFFF  }
0xb5: {  	_ =	strace $0x90000051  }
0xb6: {  	_ =	sfence  }
0xb7: {  	s30 =	sld [smem:$0x0];
	_ =	sdelay $0x2  }
0xb8: {  	s31 =	sshll.u32 s1, $0xD;
	s1 =	sshrl.u32 s1, $0x2  }
0xb9: {  	s3 =	sand.u32 $0x4000, s31;
	s1 =	sadd.s32 s1, s30  }
0xba: {  	s0 =	sor.u32 s3, s0;
	s1 =	sshll.u32 s1, $0x11  }
0xbb: {  	s0 =	sor.u32 s1, s0  }
0xbc: {  	s0 =	sadd.s32 $0x8F2B, s0  }
0xbd: {  	[sflag:s0] =	ssyncadd.remote.s32 $0x1  }
0xbe: {  	_ =	sfence.sel $0xFFFF  }
0xbf: {  	[dreg:$0x0] =	wrdreg $0xFFFFFFFF;
	(pc) =	sbr.abs _section_cstart, $3  }
0xc0: {  	[dreg:$0x1] =	wrdreg $0xFFFFFFFF  }
0xc1: {  	_ =	task.clear_ibuf [dreg:s7], $0x2FFFF;
	_ =	strace $0x9FFFFFFF  }
0xc2: {  	(tm) =	ssettm $0x7FFFFFFF  }
0xc3: {  	_ =	shalt  }
tec
execute0_lowered:
.L_overlay_start_1:
0x0: {  	(tag) =	ssettag $0x1  }
0x1: {  	s4 =	rddreg [dreg:$0x0];
	s1 =	srdreg.scid  }
0x2: {  	s0 =	stileid.u32;
	s9 =	rddreg [dreg:$0x1];
	s2 =	simm.s32 $0x0  }
0x3: {  	s12 =	simm.s32 $0x1;
	s13 =	simm.s32 $0x2780;
	s14 =	simm.s32 $0x4F00  }
0x4: {  	s15 =	simm.s32 $0x7680;
	s16 =	simm.s32 $0x9E00;
	s17 =	simm.s32 $0xC580  }
0x5: {  	s18 =	simm.s32 $0x0;
	s3 =	sand.u32 $0x1, s1;
	s5 =	sshll.u32 s0, $0x1  }
0x6: {  	s1 =	rddreg [dreg:$0x2];
	s5 =	sor.u32 s3, s5;
	s31 =	ssub.s32 $0x2, s3  }
0x7: {  	[smem:$0x7FF] =	sst s2;
	s10 =	smul.u32 $0x4E2, s5;
	s6 =	sshrl.u32 s31, $0x1  }
0x8: {  	_ =	strace $0x80000050;
	s3 =	sadd.s32 $0x47E00, s4;
	s11 =	ssub.s32 s31, s6  }
0x9: {  	s8 =	sadd.s32 s10, s4;
	s9 =	sadd.s32 s9, s10;
	s10 =	smax.u32 s11, $0x1  }
0xa: {  	s11 =	simm.s32 $0xED00;
	s4 =	sadd.s32 $0x3200, s8;
	s5 =	sadd.s32 $0xD000, s8  }
0xb: {  	s6 =	sadd.s32 $0x48400, s8;
	s7 =	sadd.s32 $0x52200, s8;
	s8 =	sadd.s32 $0x3E000, s8  }
.LBB2_1:
0xc: {  	[tilespmem:s11], [sflag:$0x1] =	stream.linear.gather [hbm4b:s3+s2], $0x2780, $0x38;
	[tilespmem:$0x11480] =	vst v63  }
0xd: {  	_ =	swait.ge [sflag:s12], $0x2780  }
0xe: {  	[sflag:s12] =	ssyncset.done $0x0  }
0xf: {  	[sflag:s12] =	ssyncadd.s32 $0xFFFFD880  }
0x10: {  	[tilespmem:s2], [sflag:$0x1] =	stream.linear.gather [hbm4b:s4+s2], $0x2710, $0x38;
	[tilespmem:$0x11480] =	vst v63  }
0x11: {  	_ =	swait.ge [sflag:s12], $0x2710  }
0x12: {  	[sflag:s12] =	ssyncset.done $0x0  }
0x13: {  	[sflag:s12] =	ssyncadd.s32 $0xFFFFD8F0  }
0x14: {  	[tilespmem:s13], [sflag:$0x1] =	stream.linear.gather [hbm4b:s5+s2], $0x2710, $0x38;
	[tilespmem:$0x11480] =	vst v63  }
0x15: {  	_ =	swait.ge [sflag:s12], $0x2710  }
0x16: {  	[sflag:s12] =	ssyncset.done $0x0  }
0x17: {  	[sflag:s12] =	ssyncadd.s32 $0xFFFFD8F0  }
0x18: {  	[tilespmem:s14], [sflag:$0x1] =	stream.linear.gather [hbm4b:s6+s2], $0x2710, $0x38;
	[tilespmem:$0x11480] =	vst v63  }
0x19: {  	_ =	swait.ge [sflag:s12], $0x2710  }
0x1a: {  	[sflag:s12] =	ssyncset.done $0x0  }
0x1b: {  	[sflag:s12] =	ssyncadd.s32 $0xFFFFD8F0  }
0x1c: {  	[tilespmem:s15], [sflag:$0x1] =	stream.linear.gather [hbm4b:s7+s2], $0x2710, $0x38;
	[tilespmem:$0x11480] =	vst v63  }
0x1d: {  	_ =	swait.ge [sflag:s12], $0x2710  }
0x1e: {  	[sflag:s12] =	ssyncset.done $0x0  }
0x1f: {  	[sflag:s12] =	ssyncadd.s32 $0xFFFFD8F0  }
0x20: {  	[tilespmem:s16], [sflag:$0x1] =	stream.linear.gather [hbm4b:s8+s2], $0x2710, $0x38;
	[tilespmem:$0x11480] =	vst v63  }
0x21: {  	_ =	swait.ge [sflag:s12], $0x2710  }
0x22: {  	[sflag:s12] =	ssyncset.done $0x0  }
0x23: {  	s19 =	simm.s32 $0x0;
	[sflag:s12] =	ssyncadd.s32 $0xFFFFD8F0  }
0x24: {  	v0 =	vld [tilespmem:s19+$0x2780]  }
0x25: {  	v1 =	vld [tilespmem:s19+$0x0];
	_ =	sdelay $0x6  }
0x26: {  	v2 =	vld.idx.msk [tilespmem:v0+s11+$0x0], $0xffff  }
0x27: {  	v1 =	vld.idx.msk [tilespmem:v1+s11+$0x0], $0xffff  }
0x28: {  	v0 =	vld [tilespmem:s19+$0x9E00];
	_ =	sdelay $0x3  }
0x29: {  	v1 =	vadd.f32 v2, v1  }
0x2a: {  	v2 =	vsub.f32 $0.0e+00, v0  }
0x2b: {  	v1 =	vsub.f32 $0.0e+00, v1  }
0x2c: {  	v2 =	vmul.f32 $1.442695020e+00, v2  }
0x2d: {  	v1 =	vmul.f32 $1.442695020e+00, v1  }
0x2e: {  	(erf) = vpow2.f32 v2  }
0x2f: {  	(erf) = vpow2.f32 v1;
	_ =	sdelay $0x7  }
0x30: {  	v1 =	vpop (erf)  }
0x31: {  	v1 =	vadd.f32 $1.000000000e+00, v1;
	v2 =	vpop (erf)  }
0x32: {  	v4 =	vadd.f32 $1.000000000e+00, v2  }
0x33: {  	(erf) = vrcp.f32 v1  }
0x34: {  	(erf) = vrcp.f32 v4;
	_ =	sdelay $0x1  }
0x35: {  	v2 =	vld [tilespmem:s19+$0x4F00]  }
0x36: {  	s21 =	simm.s32 $0x10;
	v3 =	vld [tilespmem:s19+$0x7680]  }
0x37: {  	s20 =	simm.s32 $0x80;
	v1 =	vld [tilespmem:s21+$0x2780]  }
.LBB2_2:
0x38: {  	p0 =	sne.s32 s20, $0x9C00;
	v4 =	vld [tilespmem:s21+$0x0];
	_ =	sdelay $0x1  }
0x39: {  	v5 =	vadd.f32 v2, v0  }
0x3a: {  	v2 =	vpop (erf)  }
0x3b: {  	vm0 =	vge.f32 v5, v3;
	v0 =	vpop (erf)  }
0x3c: {  	v0 =	vsel vm0, v2, v0  }
0x3d: {  	[tilespmem:s19+$0xC580] =	vst v0;
	s19 =	smov.u32 s21  }
0x3e: {  	v1 =	vld.idx.msk [tilespmem:v1+s11+$0x0], $0xffff  }
0x3f: {  	v2 =	vld.idx.msk [tilespmem:v4+s11+$0x0], $0xffff;
	_ =	sdelay $0x1  }
0x40: {  	v0 =	vld [tilespmem:s19+$0x9E00];
	_ =	sdelay $0x3  }
0x41: {  	v1 =	vadd.f32 v1, v2  }
0x42: {  	v2 =	vsub.f32 $0.0e+00, v0  }
0x43: {  	v1 =	vsub.f32 $0.0e+00, v1  }
0x44: {  	v2 =	vmul.f32 $1.442695020e+00, v2  }
0x45: {  	v1 =	vmul.f32 $1.442695020e+00, v1  }
0x46: {  	(erf) = vpow2.f32 v2  }
0x47: {  	(erf) = vpow2.f32 v1;
	_ =	sdelay $0x7  }
0x48: {  	v1 =	vpop (erf)  }
0x49: {  	v1 =	vadd.f32 $1.000000000e+00, v1;
	v2 =	vpop (erf)  }
0x4a: {  	v2 =	vadd.f32 $1.000000000e+00, v2  }
0x4b: {  	(erf) = vrcp.f32 v1  }
.Ltmp0:
0x4c: {  	(erf) = vrcp.f32 v2;
	(pc) =	sbr.rel @p0 .LBB2_2-.Ltmp0, $4  }
0x4d: {  	_ = 	snop  }
0x4e: {  	v2 =	vld [tilespmem:s19+$0x4F00]  }
0x4f: {  	s21 =	sshra.s32 s20, $0x2;
	v3 =	vld [tilespmem:s19+$0x7680]  }
0x50: {  	s20 =	sadd.s32 $0x40, s20;
	v1 =	vld [tilespmem:s21+$0x2780]  }
0x51: {  	_ = 	snop  }
0x52: {  	v4 =	vld [tilespmem:s21+$0x0];
	_ =	sdelay $0x1  }
0x53: {  	v0 =	vadd.f32 v2, v0  }
0x54: {  	v53 =	vpop (erf)  }
0x55: {  	vm0 =	vge.f32 v0, v3;
	v54 =	vpop (erf)  }
0x56: {  	v0 =	vsel vm0, v53, v54  }
0x57: {  	[tilespmem:s19+$0xC580] =	vst v0  }
0x58: {  	v0 =	vld.idx.msk [tilespmem:v1+s11+$0x0], $0xffff  }
0x59: {  	v55 =	vld.idx.msk [tilespmem:v4+s11+$0x0], $0xffff  }
0x5a: {  	v56 =	vld [tilespmem:s21+$0x9E00];
	_ =	sdelay $0x3  }
0x5b: {  	v0 =	vadd.f32 v0, v55  }
0x5c: {  	v57 =	vsub.f32 $0.0e+00, v56  }
0x5d: {  	v0 =	vsub.f32 $0.0e+00, v0  }
0x5e: {  	v1 =	vmul.f32 $1.442695020e+00, v57  }
0x5f: {  	v0 =	vmul.f32 $1.442695020e+00, v0  }
0x60: {  	(erf) = vpow2.f32 v1  }
0x61: {  	(erf) = vpow2.f32 v0;
	_ =	sdelay $0x7  }
0x62: {  	v58 =	vpop (erf)  }
0x63: {  	v0 =	vadd.f32 $1.000000000e+00, v58;
	v59 =	vpop (erf)  }
0x64: {  	v1 =	vadd.f32 $1.000000000e+00, v59  }
0x65: {  	(erf) = vrcp.f32 v0  }
0x66: {  	(erf) = vrcp.f32 v1;
	_ =	sdelay $0x1  }
0x67: {  	v60 =	vld [tilespmem:s21+$0x4F00];
	_ =	sdelay $0x1  }
0x68: {  	v61 =	vld [tilespmem:s21+$0x7680];
	_ =	sdelay $0x2  }
0x69: {  	v0 =	vadd.f32 v60, v56  }
0x6a: {  	v62 =	vpop (erf)  }
0x6b: {  	s18 =	sadd.s32 $0x1, s18;
	vm15 =	vge.f32 v0, v61;
	v63 =	vpop (erf)  }
0x6c: {  	p0 =	sne.s32 s18, s10;
	v0 =	vsel vm15, v62, v63  }
.Ltmp1:
0x6d: {  	[tilespmem:s21+$0xC580] =	vst v0;
	(pc) =	sbr.rel @p0 .LBB2_1-.Ltmp1, $4  }
0x6e: {  	[hbm4b:s9+s2] =	stream.linear.scatter [tilespmem:s17], [sflag:$0x1], $0x2710, $0x38;
	[tilespmem:$0x11480] =	vst v63  }
0x6f: {  	_ =	swait.ge [sflag:s12], $0x2710  }
0x70: {  	[sflag:s12] =	ssyncset.done $0x0  }
0x71: {  	[sflag:s12] =	ssyncadd.s32 $0xFFFFD8F0  }
0x72: {  	_ =	sfence.sel $0x180000  }
0x73: {  	[bflag:$0x0] =	sbarrier.arrive $0xFFFF  }
0x74: {  	p0 =	sne.s32 s0, $0x0;
	_ =	strace $0x90000050  }
0x75: {  	s0 =	sadd.s32 @!p0 $0x100000, s1;
	[bflag:$0x2] =	sbarrier.arrive $0xFFFF  }
0x76: {  	[sflag:s0] =	ssyncadd.tile.s32 @!p0 $0x1;
	_ =	shalt  }
.Lfunc_end2:
_tile_overlayer_lowered:
.L_overlay_start_2:
0x77: {  	(tag) =	ssettag $0x2  }
0x78: {  	s0 =	rddreg [dreg:$0x0];
	s2 =	stileid.u32  }
0x79: {  	s1 =	rddreg [dreg:$0x1];
	p0 =	sne.s32 s2, $0x0  }
0x7a: {  	s3 =	rddreg [dreg:$0x2];
	[bflag:$0x3] =	sbarrier.arrive $0xFFFF;
	s2 =	simm.s32 @!p0 $0x1C01  }
0x7b: {  	[timem:s3], [sflag:s2] =	dma.local @!p0 [hbm:s0], s1  }
0x7c: {  	s0 =	simm.s32 @!p0 $0x1  }
0x7d: {  	_ =	swait.ge @!p0 [sflag:s0], s1  }
0x7e: {  	s1 =	ssub.s32 @!p0 $0x0, s1;
	[sflag:s0] =	ssyncset.done @!p0 $0x0  }
0x7f: {  	[sflag:s0] =	ssyncadd.s32 @!p0 s1  }
0x80: {  	[bflag:$0x3] =	sbarrier.arrive $0xFFFF  }
0x81: {  	_ =	shalt  }

</sc_bundles>
